<compile_context>
chip_gen: v7x
topology: tpu7x:2x2x1
jax: 0.10.2.dev20260603
libtpu: 0.0.44.dev20260713+nightly
codegen_flags: <defaults>
</compile_context>

<pallas_src>
import jax
import jax.numpy as jnp
from jax import lax
from jax.experimental import pallas as pl
from jax.experimental.pallas import tpu as pltpu
from jax.experimental.pallas import tpu_sc as plsc

N = 10000
E = 320000
F = 128
H = 256
O = 256
C = 16
G = 64

NPAD = 10240
EPAD = 327680
NC = 2
NT = 16
LN = 16
CHUNK = 64
NB = 4
AGG_CHUNKS = EPAD // (NT * CHUNK)
GC = 16
NGRP = AGG_CHUNKS // GC
DEG_CHUNKS = EPAD // (NC * NT * CHUNK)
ROWS_PER_TILE = NPAD // NT
RB = 1024
NBLK = NPAD // RB

_mesh = plsc.VectorSubcoreMesh(
    core_axis_name="c", subcore_axis_name="s", num_cores=NC, num_subcores=NT)


def _deg_body(dst_hbm, out_hbm, idx_v, ones_v, zero_v, acc_sh, sem):
  c = lax.axis_index("c")
  s = lax.axis_index("s")
  w = c * NT + s
  for k in range(CHUNK // LN):
    ones_v[pl.ds(k * LN, LN)] = jnp.ones((LN,), jnp.float32)
  for k in range(ROWS_PER_TILE // LN):
    zero_v[pl.ds(k * LN, LN)] = jnp.zeros((LN,), jnp.float32)
  pltpu.sync_copy(zero_v, acc_sh.at[pl.ds(s * ROWS_PER_TILE, ROWS_PER_TILE)])
  pltpu.async_copy(dst_hbm.at[w], idx_v, sem).wait()
  plsc.subcore_barrier()

  def chunk(j, carry):
    pltpu.sync_copy(ones_v, acc_sh.at[idx_v.at[j]], add=True)
    return carry

  lax.fori_loop(0, DEG_CHUNKS, chunk, 0)
  plsc.subcore_barrier()
  sl = pl.ds(s * ROWS_PER_TILE, ROWS_PER_TILE)
  pltpu.sync_copy(acc_sh.at[sl], out_hbm.at[c].at[sl])


_deg_kernel = pl.kernel(
    _deg_body,
    out_type=jax.ShapeDtypeStruct((NC, NPAD), jnp.float32),
    mesh=_mesh,
    scratch_types=[
        pltpu.VMEM((DEG_CHUNKS, CHUNK), jnp.int32),
        pltpu.VMEM((CHUNK,), jnp.float32),
        pltpu.VMEM((ROWS_PER_TILE,), jnp.float32),
        pltpu.VMEM_SHARED((NPAD,), jnp.float32),
        pltpu.SemaphoreType.DMA,
    ],
)


def _agg_body(u_hbm, src_hbm, dst_hbm, out_hbm, src_g, dst_g, gbuf, acc_sh,
              gsem, isem, ssem):
  c = lax.axis_index("c")
  s = lax.axis_index("s")
  u_c = u_hbm.at[c]
  src_t = src_hbm.at[s]
  dst_t = dst_hbm.at[s]
  sl = pl.ds(s * ROWS_PER_TILE, ROWS_PER_TILE)
  pltpu.sync_copy(u_c.at[sl], acc_sh.at[sl])

  def istart(g, p):
    gsl = pl.ds(g * GC, GC)
    pltpu.make_async_copy(src_t.at[gsl], src_g.at[p], isem).start()
    pltpu.make_async_copy(dst_t.at[gsl], dst_g.at[p], isem).start()

  def iwait(g, p):
    gsl = pl.ds(g * GC, GC)
    pltpu.make_async_copy(src_t.at[gsl], src_g.at[p], isem).wait()
    pltpu.make_async_copy(dst_t.at[gsl], dst_g.at[p], isem).wait()

  def _pk(j):
    return lax.rem(lax.div(j, GC), 2), lax.rem(j, GC)

  def gdesc(j):
    p, k = _pk(j)
    b = lax.rem(j, NB)
    return pltpu.make_async_copy(u_c.at[src_g.at[p, k]], gbuf.at[b], gsem)

  def sdesc(j):
    p, k = _pk(j)
    b = lax.rem(j, NB)
    return pltpu.make_async_copy(gbuf.at[b], acc_sh.at[dst_g.at[p, k]], ssem)

  istart(0, 0)
  iwait(0, 0)
  plsc.subcore_barrier()
  gdesc(jnp.int32(0)).start()
  gdesc(jnp.int32(1)).start()
  gdesc(jnp.int32(2)).start()

  def body(j, carry):
    g = lax.div(j, GC)
    gdesc(j).wait()

    @pl.when(j >= 1)
    def _():
      sdesc(j - 1).wait()

    sdesc(j).start(add=True)

    @pl.when(jnp.logical_and(lax.rem(j, GC) == 0, g + 1 < NGRP))
    def _():
      istart(g + 1, lax.rem(g + 1, 2))

    @pl.when(j + NB - 1 < AGG_CHUNKS)
    def _():
      g3 = lax.div(j + NB - 1, GC)

      @pl.when(lax.rem(j + NB - 1, GC) == 0)
      def _():
        iwait(g3, lax.rem(g3, 2))

      gdesc(j + NB - 1).start()

    return carry

  lax.fori_loop(0, AGG_CHUNKS, body, 0)
  sdesc(jnp.int32(AGG_CHUNKS - 1)).wait()
  plsc.subcore_barrier()
  pltpu.sync_copy(acc_sh.at[sl], out_hbm.at[c].at[sl])


_agg_kernel = pl.kernel(
    _agg_body,
    out_type=jax.ShapeDtypeStruct((NC, NPAD, F), jnp.float32),
    mesh=_mesh,
    scratch_types=[
        pltpu.VMEM((2, GC, CHUNK), jnp.int32),
        pltpu.VMEM((2, GC, CHUNK), jnp.int32),
        pltpu.VMEM((NB, CHUNK, F), jnp.float32),
        pltpu.VMEM_SHARED((NPAD, F), jnp.float32),
        pltpu.SemaphoreType.DMA,
        pltpu.SemaphoreType.DMA,
        pltpu.SemaphoreType.DMA,
    ],
)


def _mm1_body(deg_ref, x_ref, w_ref, u_ref, dis_ref):
  d = deg_ref[0] + deg_ref[1] + 1.0
  dis = lax.rsqrt(d)
  dis_ref[...] = dis
  xw = jnp.dot(x_ref[...], w_ref[...], preferred_element_type=jnp.float32)
  u = dis * xw
  u_ref[0] = u[:, :F]
  u_ref[1] = u[:, F:]


def _mm1(deg3, x, W1):
  return pl.pallas_call(
      _mm1_body,
      grid=(NBLK,),
      in_specs=[
          pl.BlockSpec((NC, RB, 1), lambda i: (0, i, 0)),
          pl.BlockSpec((RB, F), lambda i: (i, 0)),
          pl.BlockSpec((F, H), lambda i: (0, 0)),
      ],
      out_specs=[
          pl.BlockSpec((NC, RB, F), lambda i: (0, i, 0)),
          pl.BlockSpec((RB, 1), lambda i: (i, 0)),
      ],
      out_shape=[
          jax.ShapeDtypeStruct((NC, NPAD, F), jnp.float32),
          jax.ShapeDtypeStruct((NPAD, 1), jnp.float32),
      ],
  )(deg3, x, W1)


def _mm2_body(a_ref, dis_ref, b_ref, w_ref, u_ref):
  h = jnp.concatenate([a_ref[0], a_ref[1]], axis=1)
  dis = dis_ref[...]
  h1 = jnp.maximum(dis * h + b_ref[...], 0.0)
  hw = jnp.dot(h1, w_ref[...], preferred_element_type=jnp.float32)
  u = dis * hw
  u_ref[0] = u[:, :F]
  u_ref[1] = u[:, F:]


def _mm2(a1, dis, b1r, W2):
  return pl.pallas_call(
      _mm2_body,
      grid=(NBLK,),
      in_specs=[
          pl.BlockSpec((NC, RB, F), lambda i: (0, i, 0)),
          pl.BlockSpec((RB, 1), lambda i: (i, 0)),
          pl.BlockSpec((1, H), lambda i: (0, 0)),
          pl.BlockSpec((H, O), lambda i: (0, 0)),
      ],
      out_specs=pl.BlockSpec((NC, RB, F), lambda i: (0, i, 0)),
      out_shape=jax.ShapeDtypeStruct((NC, NPAD, F), jnp.float32),
  )(a1, dis, b1r, W2)


def _pool_body(a_ref, dis_ref, b_ref, batch_ref, fcw_ref, fcb_ref, out_ref,
               pooled):
  i = pl.program_id(0)

  @pl.when(i == 0)
  def _():
    pooled[...] = jnp.full((G, O), -jnp.inf, jnp.float32)

  h = jnp.concatenate([a_ref[0], a_ref[1]], axis=1)
  h2 = jnp.maximum(dis_ref[...] * h + b_ref[...], 0.0)
  bcol = batch_ref[...]

  def seg(g, carry):
    m = jnp.where(bcol == g, h2, -jnp.inf)
    mx = jnp.max(m, axis=0, keepdims=True)
    pooled[pl.ds(g, 1), :] = jnp.maximum(pooled[pl.ds(g, 1), :], mx)
    return carry

  lax.fori_loop(0, G, seg, 0)

  @pl.when(i == NBLK - 1)
  def _():
    out_ref[...] = jnp.dot(pooled[...], fcw_ref[...],
                           preferred_element_type=jnp.float32) + fcb_ref[...]


def _pool(a2, dis, b2r, batchc, fcWp, fcbp):
  return pl.pallas_call(
      _pool_body,
      grid=(NBLK,),
      in_specs=[
          pl.BlockSpec((NC, RB, F), lambda i: (0, i, 0)),
          pl.BlockSpec((RB, 1), lambda i: (i, 0)),
          pl.BlockSpec((1, O), lambda i: (0, 0)),
          pl.BlockSpec((RB, 1), lambda i: (i, 0)),
          pl.BlockSpec((O, 128), lambda i: (0, 0)),
          pl.BlockSpec((1, 128), lambda i: (0, 0)),
      ],
      out_specs=pl.BlockSpec((G, 128), lambda i: (0, 0)),
      out_shape=jax.ShapeDtypeStruct((G, 128), jnp.float32),
      scratch_shapes=[pltpu.VMEM((G, O), jnp.float32)],
  )(a2, dis, b2r, batchc, fcWp, fcbp)


@jax.jit
def kernel(x, edge_index, batch, W1, b1, W2, b2, fcW, fcb):
  pad_e = EPAD - E
  src = jnp.concatenate(
      [edge_index[0], jnp.full((pad_e,), N, jnp.int32)]).reshape(NT, AGG_CHUNKS,
                                                                 CHUNK)
  dst = jnp.concatenate(
      [edge_index[1], jnp.full((pad_e,), N, jnp.int32)]).reshape(NT, AGG_CHUNKS,
                                                                 CHUNK)
  dst_deg = dst.reshape(NC * NT, DEG_CHUNKS, CHUNK)
  xp = jnp.pad(x, ((0, NPAD - N), (0, 0)))
  batchc = jnp.pad(batch, (0, NPAD - N), constant_values=G)[:, None]
  b1r = b1[None, :]
  b2r = b2[None, :]
  fcWp = jnp.pad(fcW, ((0, 0), (0, 128 - C)))
  fcbp = jnp.pad(fcb, (0, 128 - C))[None, :]

  deg = _deg_kernel(dst_deg)
  deg3 = deg[:, :, None]
  u1, dis = _mm1(deg3, xp, W1)
  a1 = _agg_kernel(u1, src, dst)
  u2 = _mm2(a1, dis, b1r, W2)
  a2 = _agg_kernel(u2, src, dst)
  outp = _pool(a2, dis, b2r, batchc, fcWp, fcbp)
  return outp[:, :C]

# --- scband reference (transcript-rebuilt; emitter-appended) ---
"""Pipeline reference for scband-gcndisease-classifier-55705725829632 (READ-ONLY COPY).

The authoritative reference and input builder live on the scoring server;
editing this copy changes nothing except your own understanding.
"""

import jax, jax.numpy as jnp
import numpy as np

N = 10000
E = 320000
F = 128
H = 256
O = 256
C = 16
G = 64


def setup_inputs(seed: int = 0) -> dict:
    key = jax.random.key(seed)
    ks = jax.random.split(key, 10)
    x = jax.random.normal(ks[0], (N, F), dtype=jnp.float32)
    edge_index = jax.random.randint(ks[1], (2, E), 0, N, dtype=jnp.int32)
    batch = jnp.sort(jax.random.randint(ks[2], (N,), 0, G, dtype=jnp.int32))
    W1 = jax.random.normal(ks[3], (F, H), dtype=jnp.float32) / np.sqrt(F)
    b1 = jnp.zeros((H,), dtype=jnp.float32)
    W2 = jax.random.normal(ks[4], (H, O), dtype=jnp.float32) / np.sqrt(H)
    b2 = jnp.zeros((O,), dtype=jnp.float32)
    fcW = jax.random.normal(ks[5], (O, C), dtype=jnp.float32) / np.sqrt(O)
    fcb = jnp.zeros((C,), dtype=jnp.float32)
    return {"x": x, "edge_index": edge_index, "batch": batch,
            "W1": W1, "b1": b1, "W2": W2, "b2": b2, "fcW": fcW, "fcb": fcb}


def _gcn_conv(h, src, dst, norm, W, b):
    # PyG GCNConv: h @ W, then propagate with symmetric normalization, add bias
    h = h @ W
    msg = h[src] * norm[:, None]
    out = jnp.zeros((N, h.shape[1]), dtype=h.dtype).at[dst].add(msg)
    return out + b


def reference(x, edge_index, batch, W1, b1, W2, b2, fcW, fcb):
    # add self-loops (GCNConv default) and compute D^{-1/2} A D^{-1/2} edge norm
    loop = jnp.arange(N, dtype=edge_index.dtype)
    src = jnp.concatenate([edge_index[0], loop])
    dst = jnp.concatenate([edge_index[1], loop])
    deg = jnp.zeros((N,), dtype=jnp.float32).at[dst].add(1.0)
    deg_inv_sqrt = jnp.where(deg > 0, 1.0 / jnp.sqrt(deg), 0.0)
    norm = deg_inv_sqrt[src] * deg_inv_sqrt[dst]

    h = jax.nn.relu(_gcn_conv(x, src, dst, norm, W1, b1))
    h = jax.nn.relu(_gcn_conv(h, src, dst, norm, W2, b2))
    pooled = jax.ops.segment_max(h, batch, num_segments=G, indices_are_sorted=True)
    out = pooled @ fcW + fcb
    return out

if __name__ == "__main__":
    import jax
    _d = setup_inputs()
    print(jax.jit(kernel)(*tuple(_d.values())))

</pallas_src>

<mosaic_0001>
#map = affine_map<(d0, d1) -> (0, 0, 0)>
module attributes {stable_mosaic.version = 14 : i64} {
  func.func @_agg_body(%arg0: i32, %arg1: i32, %arg2: memref<2x10240x128xf32, #tpu.memory_space<hbm>>, %arg3: memref<16x320x64xi32, #tpu.memory_space<hbm>>, %arg4: memref<16x320x64xi32, #tpu.memory_space<hbm>>, %arg5: memref<2x10240x128xf32, #tpu.memory_space<hbm>>, %arg6: memref<2x16x64xi32, #tpu.memory_space<vmem>>, %arg7: memref<2x16x64xi32, #tpu.memory_space<vmem>>, %arg8: memref<4x64x128xf32, #tpu.memory_space<vmem>>, %arg9: memref<10240x128xf32, #tpu.memory_space<vmem_shared>>, %arg10: memref<!tpu.dma_semaphore, #tpu.memory_space<semaphore_mem>>, %arg11: memref<!tpu.dma_semaphore, #tpu.memory_space<semaphore_mem>>, %arg12: memref<!tpu.dma_semaphore, #tpu.memory_space<semaphore_mem>>) attributes {dimension_semantics = [#tpu.dimension_semantics<core_parallel>, #tpu.dimension_semantics<subcore_parallel>], iteration_bounds = array<i64: 2, 16>, scalar_prefetch = 0 : i64, scratch_operands = 7 : i64, tpu.core_type = #tpu.core_type<sc_vector_subcore>, window_params = [{transform_indices = #map}, {transform_indices = #map}, {transform_indices = #map}, {transform_indices = #map}]} {
    %mul3A = arith.constant 640 : i32
    %mul3A_0 = arith.muli %arg1, %mul3A : i32
    "tpu.region"() ({
      %run_scoped3A = tpu.sem_alloc : memref<!tpu.dma_semaphore, #tpu.memory_space<semaphore_mem>>
      %dma_start3A_191 = arith.constant 0 : i32
      %dma_start3A_192 = tpu.memref_slice %arg9[%mul3A_0, %dma_start3A_191] : memref<10240x128xf32, #tpu.memory_space<vmem_shared>> -> memref<640x128xf32, #tpu.memory_space<vmem_shared>>
      %dma_start3A_193 = arith.constant 0 : i32
      %dma_start3A_194 = arith.constant 0 : i32
      %dma_start3A_195 = tpu.memref_slice %arg2[%arg0, %dma_start3A_193, %dma_start3A_194] : memref<2x10240x128xf32, #tpu.memory_space<hbm>> -> memref<1x10240x128xf32, #tpu.memory_space<hbm>>
      %dma_start3A_196 = tpu.memref_squeeze %dma_start3A_195 : memref<1x10240x128xf32, #tpu.memory_space<hbm>> -> memref<10240x128xf32, #tpu.memory_space<hbm>>
      %dma_start3A_197 = arith.constant 0 : i32
      %dma_start3A_198 = tpu.memref_slice %dma_start3A_196[%mul3A_0, %dma_start3A_197] : memref<10240x128xf32, #tpu.memory_space<hbm>> -> memref<640x128xf32, #tpu.memory_space<hbm>>
      tpu.enqueue_dma source(%dma_start3A_198 : memref<640x128xf32, #tpu.memory_space<hbm>>) target(%dma_start3A_192 : memref<640x128xf32, #tpu.memory_space<vmem_shared>>) target_semaphore(%run_scoped3A : memref<!tpu.dma_semaphore, #tpu.memory_space<semaphore_mem>>)
      %dma_wait3A_199 = arith.constant 0 : i32
      %dma_wait3A_200 = tpu.memref_slice %arg9[%mul3A_0, %dma_wait3A_199] : memref<10240x128xf32, #tpu.memory_space<vmem_shared>> -> memref<640x128xf32, #tpu.memory_space<vmem_shared>>
      %dma_wait3A_201 = arith.constant 0 : i32
      %dma_wait3A_202 = arith.constant 0 : i32
      %dma_wait3A_203 = tpu.memref_slice %arg2[%arg0, %dma_wait3A_201, %dma_wait3A_202] : memref<2x10240x128xf32, #tpu.memory_space<hbm>> -> memref<1x10240x128xf32, #tpu.memory_space<hbm>>
      %dma_wait3A_204 = tpu.memref_squeeze %dma_wait3A_203 : memref<1x10240x128xf32, #tpu.memory_space<hbm>> -> memref<10240x128xf32, #tpu.memory_space<hbm>>
      %dma_wait3A_205 = arith.constant 0 : i32
      %dma_wait3A_206 = tpu.memref_slice %dma_wait3A_204[%mul3A_0, %dma_wait3A_205] : memref<10240x128xf32, #tpu.memory_space<hbm>> -> memref<640x128xf32, #tpu.memory_space<hbm>>
      tpu.wait_dma2 semaphore(%run_scoped3A : memref<!tpu.dma_semaphore, #tpu.memory_space<semaphore_mem>>) src(%dma_wait3A_206 : memref<640x128xf32, #tpu.memory_space<hbm>>) dst(%dma_wait3A_200 : memref<640x128xf32, #tpu.memory_space<vmem_shared>>)
      tpu.yield
    }) : () -> ()
    %dma_start3A = arith.constant 0 : i32
    %dma_start3A_1 = arith.constant 0 : i32
    %dma_start3A_2 = arith.constant 0 : i32
    %dma_start3A_3 = tpu.memref_slice %arg6[%dma_start3A, %dma_start3A_1, %dma_start3A_2] : memref<2x16x64xi32, #tpu.memory_space<vmem>> -> memref<1x16x64xi32, #tpu.memory_space<vmem>>
    %dma_start3A_4 = tpu.memref_squeeze %dma_start3A_3 : memref<1x16x64xi32, #tpu.memory_space<vmem>> -> memref<16x64xi32, #tpu.memory_space<vmem>>
    %dma_start3A_5 = arith.constant 0 : i32
    %dma_start3A_6 = arith.constant 0 : i32
    %dma_start3A_7 = tpu.memref_slice %arg3[%arg1, %dma_start3A_5, %dma_start3A_6] : memref<16x320x64xi32, #tpu.memory_space<hbm>> -> memref<1x320x64xi32, #tpu.memory_space<hbm>>
    %dma_start3A_8 = tpu.memref_squeeze %dma_start3A_7 : memref<1x320x64xi32, #tpu.memory_space<hbm>> -> memref<320x64xi32, #tpu.memory_space<hbm>>
    %dma_start3A_9 = arith.constant 0 : i32
    %dma_start3A_10 = arith.constant 0 : i32
    %dma_start3A_11 = tpu.memref_slice %dma_start3A_8[%dma_start3A_9, %dma_start3A_10] : memref<320x64xi32, #tpu.memory_space<hbm>> -> memref<16x64xi32, #tpu.memory_space<hbm>>
    %dma_start3A_12 = arith.constant 0 : i32
    %dma_start3A_13 = arith.constant 0 : i32
    %dma_start3A_14 = tpu.memref_slice %arg6[%dma_start3A, %dma_start3A_12, %dma_start3A_13] : memref<2x16x64xi32, #tpu.memory_space<vmem>> -> memref<1x16x64xi32, #tpu.memory_space<vmem>>
    %dma_start3A_15 = tpu.memref_squeeze %dma_start3A_14 : memref<1x16x64xi32, #tpu.memory_space<vmem>> -> memref<16x64xi32, #tpu.memory_space<vmem>>
    %dma_start3A_16 = arith.constant 0 : i32
    %dma_start3A_17 = arith.constant 0 : i32
    %dma_start3A_18 = tpu.memref_slice %arg3[%arg1, %dma_start3A_16, %dma_start3A_17] : memref<16x320x64xi32, #tpu.memory_space<hbm>> -> memref<1x320x64xi32, #tpu.memory_space<hbm>>
    %dma_start3A_19 = tpu.memref_squeeze %dma_start3A_18 : memref<1x320x64xi32, #tpu.memory_space<hbm>> -> memref<320x64xi32, #tpu.memory_space<hbm>>
    %dma_start3A_20 = arith.constant 0 : i32
    %dma_start3A_21 = arith.constant 0 : i32
    %dma_start3A_22 = tpu.memref_slice %dma_start3A_19[%dma_start3A_20, %dma_start3A_21] : memref<320x64xi32, #tpu.memory_space<hbm>> -> memref<16x64xi32, #tpu.memory_space<hbm>>
    tpu.enqueue_dma source(%dma_start3A_22 : memref<16x64xi32, #tpu.memory_space<hbm>>) target(%dma_start3A_15 : memref<16x64xi32, #tpu.memory_space<vmem>>) target_semaphore(%arg11 : memref<!tpu.dma_semaphore, #tpu.memory_space<semaphore_mem>>)
    %dma_start3A_23 = arith.constant 0 : i32
    %dma_start3A_24 = arith.constant 0 : i32
    %dma_start3A_25 = arith.constant 0 : i32
    %dma_start3A_26 = tpu.memref_slice %arg7[%dma_start3A_23, %dma_start3A_24, %dma_start3A_25] : memref<2x16x64xi32, #tpu.memory_space<vmem>> -> memref<1x16x64xi32, #tpu.memory_space<vmem>>
    %dma_start3A_27 = tpu.memref_squeeze %dma_start3A_26 : memref<1x16x64xi32, #tpu.memory_space<vmem>> -> memref<16x64xi32, #tpu.memory_space<vmem>>
    %dma_start3A_28 = arith.constant 0 : i32
    %dma_start3A_29 = arith.constant 0 : i32
    %dma_start3A_30 = tpu.memref_slice %arg4[%arg1, %dma_start3A_28, %dma_start3A_29] : memref<16x320x64xi32, #tpu.memory_space<hbm>> -> memref<1x320x64xi32, #tpu.memory_space<hbm>>
    %dma_start3A_31 = tpu.memref_squeeze %dma_start3A_30 : memref<1x320x64xi32, #tpu.memory_space<hbm>> -> memref<320x64xi32, #tpu.memory_space<hbm>>
    %dma_start3A_32 = arith.constant 0 : i32
    %dma_start3A_33 = arith.constant 0 : i32
    %dma_start3A_34 = tpu.memref_slice %dma_start3A_31[%dma_start3A_32, %dma_start3A_33] : memref<320x64xi32, #tpu.memory_space<hbm>> -> memref<16x64xi32, #tpu.memory_space<hbm>>
    %dma_start3A_35 = arith.constant 0 : i32
    %dma_start3A_36 = arith.constant 0 : i32
    %dma_start3A_37 = tpu.memref_slice %arg7[%dma_start3A_23, %dma_start3A_35, %dma_start3A_36] : memref<2x16x64xi32, #tpu.memory_space<vmem>> -> memref<1x16x64xi32, #tpu.memory_space<vmem>>
    %dma_start3A_38 = tpu.memref_squeeze %dma_start3A_37 : memref<1x16x64xi32, #tpu.memory_space<vmem>> -> memref<16x64xi32, #tpu.memory_space<vmem>>
    %dma_start3A_39 = arith.constant 0 : i32
    %dma_start3A_40 = arith.constant 0 : i32
    %dma_start3A_41 = tpu.memref_slice %arg4[%arg1, %dma_start3A_39, %dma_start3A_40] : memref<16x320x64xi32, #tpu.memory_space<hbm>> -> memref<1x320x64xi32, #tpu.memory_space<hbm>>
    %dma_start3A_42 = tpu.memref_squeeze %dma_start3A_41 : memref<1x320x64xi32, #tpu.memory_space<hbm>> -> memref<320x64xi32, #tpu.memory_space<hbm>>
    %dma_start3A_43 = arith.constant 0 : i32
    %dma_start3A_44 = arith.constant 0 : i32
    %dma_start3A_45 = tpu.memref_slice %dma_start3A_42[%dma_start3A_43, %dma_start3A_44] : memref<320x64xi32, #tpu.memory_space<hbm>> -> memref<16x64xi32, #tpu.memory_space<hbm>>
    tpu.enqueue_dma source(%dma_start3A_45 : memref<16x64xi32, #tpu.memory_space<hbm>>) target(%dma_start3A_38 : memref<16x64xi32, #tpu.memory_space<vmem>>) target_semaphore(%arg11 : memref<!tpu.dma_semaphore, #tpu.memory_space<semaphore_mem>>)
    %dma_wait3A = arith.constant 0 : i32
    %dma_wait3A_46 = arith.constant 0 : i32
    %dma_wait3A_47 = arith.constant 0 : i32
    %dma_wait3A_48 = tpu.memref_slice %arg6[%dma_wait3A, %dma_wait3A_46, %dma_wait3A_47] : memref<2x16x64xi32, #tpu.memory_space<vmem>> -> memref<1x16x64xi32, #tpu.memory_space<vmem>>
    %dma_wait3A_49 = tpu.memref_squeeze %dma_wait3A_48 : memref<1x16x64xi32, #tpu.memory_space<vmem>> -> memref<16x64xi32, #tpu.memory_space<vmem>>
    %dma_wait3A_50 = arith.constant 0 : i32
    %dma_wait3A_51 = arith.constant 0 : i32
    %dma_wait3A_52 = tpu.memref_slice %arg3[%arg1, %dma_wait3A_50, %dma_wait3A_51] : memref<16x320x64xi32, #tpu.memory_space<hbm>> -> memref<1x320x64xi32, #tpu.memory_space<hbm>>
    %dma_wait3A_53 = tpu.memref_squeeze %dma_wait3A_52 : memref<1x320x64xi32, #tpu.memory_space<hbm>> -> memref<320x64xi32, #tpu.memory_space<hbm>>
    %dma_wait3A_54 = arith.constant 0 : i32
    %dma_wait3A_55 = arith.constant 0 : i32
    %dma_wait3A_56 = tpu.memref_slice %dma_wait3A_53[%dma_wait3A_54, %dma_wait3A_55] : memref<320x64xi32, #tpu.memory_space<hbm>> -> memref<16x64xi32, #tpu.memory_space<hbm>>
    %dma_wait3A_57 = arith.constant 0 : i32
    %dma_wait3A_58 = arith.constant 0 : i32
    %dma_wait3A_59 = tpu.memref_slice %arg6[%dma_wait3A, %dma_wait3A_57, %dma_wait3A_58] : memref<2x16x64xi32, #tpu.memory_space<vmem>> -> memref<1x16x64xi32, #tpu.memory_space<vmem>>
    %dma_wait3A_60 = tpu.memref_squeeze %dma_wait3A_59 : memref<1x16x64xi32, #tpu.memory_space<vmem>> -> memref<16x64xi32, #tpu.memory_space<vmem>>
    %dma_wait3A_61 = arith.constant 0 : i32
    %dma_wait3A_62 = arith.constant 0 : i32
    %dma_wait3A_63 = tpu.memref_slice %arg3[%arg1, %dma_wait3A_61, %dma_wait3A_62] : memref<16x320x64xi32, #tpu.memory_space<hbm>> -> memref<1x320x64xi32, #tpu.memory_space<hbm>>
    %dma_wait3A_64 = tpu.memref_squeeze %dma_wait3A_63 : memref<1x320x64xi32, #tpu.memory_space<hbm>> -> memref<320x64xi32, #tpu.memory_space<hbm>>
    %dma_wait3A_65 = arith.constant 0 : i32
    %dma_wait3A_66 = arith.constant 0 : i32
    %dma_wait3A_67 = tpu.memref_slice %dma_wait3A_64[%dma_wait3A_65, %dma_wait3A_66] : memref<320x64xi32, #tpu.memory_space<hbm>> -> memref<16x64xi32, #tpu.memory_space<hbm>>
    tpu.wait_dma2 semaphore(%arg11 : memref<!tpu.dma_semaphore, #tpu.memory_space<semaphore_mem>>) src(%dma_wait3A_67 : memref<16x64xi32, #tpu.memory_space<hbm>>) dst(%dma_wait3A_60 : memref<16x64xi32, #tpu.memory_space<vmem>>)
    %dma_wait3A_68 = arith.constant 0 : i32
    %dma_wait3A_69 = arith.constant 0 : i32
    %dma_wait3A_70 = arith.constant 0 : i32
    %dma_wait3A_71 = tpu.memref_slice %arg7[%dma_wait3A_68, %dma_wait3A_69, %dma_wait3A_70] : memref<2x16x64xi32, #tpu.memory_space<vmem>> -> memref<1x16x64xi32, #tpu.memory_space<vmem>>
    %dma_wait3A_72 = tpu.memref_squeeze %dma_wait3A_71 : memref<1x16x64xi32, #tpu.memory_space<vmem>> -> memref<16x64xi32, #tpu.memory_space<vmem>>
    %dma_wait3A_73 = arith.constant 0 : i32
    %dma_wait3A_74 = arith.constant 0 : i32
    %dma_wait3A_75 = tpu.memref_slice %arg4[%arg1, %dma_wait3A_73, %dma_wait3A_74] : memref<16x320x64xi32, #tpu.memory_space<hbm>> -> memref<1x320x64xi32, #tpu.memory_space<hbm>>
    %dma_wait3A_76 = tpu.memref_squeeze %dma_wait3A_75 : memref<1x320x64xi32, #tpu.memory_space<hbm>> -> memref<320x64xi32, #tpu.memory_space<hbm>>
    %dma_wait3A_77 = arith.constant 0 : i32
    %dma_wait3A_78 = arith.constant 0 : i32
    %dma_wait3A_79 = tpu.memref_slice %dma_wait3A_76[%dma_wait3A_77, %dma_wait3A_78] : memref<320x64xi32, #tpu.memory_space<hbm>> -> memref<16x64xi32, #tpu.memory_space<hbm>>
    %dma_wait3A_80 = arith.constant 0 : i32
    %dma_wait3A_81 = arith.constant 0 : i32
    %dma_wait3A_82 = tpu.memref_slice %arg7[%dma_wait3A_68, %dma_wait3A_80, %dma_wait3A_81] : memref<2x16x64xi32, #tpu.memory_space<vmem>> -> memref<1x16x64xi32, #tpu.memory_space<vmem>>
    %dma_wait3A_83 = tpu.memref_squeeze %dma_wait3A_82 : memref<1x16x64xi32, #tpu.memory_space<vmem>> -> memref<16x64xi32, #tpu.memory_space<vmem>>
    %dma_wait3A_84 = arith.constant 0 : i32
    %dma_wait3A_85 = arith.constant 0 : i32
    %dma_wait3A_86 = tpu.memref_slice %arg4[%arg1, %dma_wait3A_84, %dma_wait3A_85] : memref<16x320x64xi32, #tpu.memory_space<hbm>> -> memref<1x320x64xi32, #tpu.memory_space<hbm>>
    %dma_wait3A_87 = tpu.memref_squeeze %dma_wait3A_86 : memref<1x320x64xi32, #tpu.memory_space<hbm>> -> memref<320x64xi32, #tpu.memory_space<hbm>>
    %dma_wait3A_88 = arith.constant 0 : i32
    %dma_wait3A_89 = arith.constant 0 : i32
    %dma_wait3A_90 = tpu.memref_slice %dma_wait3A_87[%dma_wait3A_88, %dma_wait3A_89] : memref<320x64xi32, #tpu.memory_space<hbm>> -> memref<16x64xi32, #tpu.memory_space<hbm>>
    tpu.wait_dma2 semaphore(%arg11 : memref<!tpu.dma_semaphore, #tpu.memory_space<semaphore_mem>>) src(%dma_wait3A_90 : memref<16x64xi32, #tpu.memory_space<hbm>>) dst(%dma_wait3A_83 : memref<16x64xi32, #tpu.memory_space<vmem>>)
    %barrier3A = arith.constant 0 : index
    tpu.barrier barrier_id(%barrier3A)
    %div3A = arith.constant 0 : i32
    %div3A_91 = arith.constant 16 : i32
    %div3A_92 = arith.divsi %div3A, %div3A_91 : i32
    %rem3A = arith.constant 2 : i32
    %rem3A_93 = arith.remsi %div3A_92, %rem3A : i32
    %rem3A_94 = arith.constant 0 : i32
    %rem3A_95 = arith.constant 16 : i32
    %rem3A_96 = arith.remsi %rem3A_94, %rem3A_95 : i32
    %rem3A_97 = arith.constant 0 : i32
    %rem3A_98 = arith.constant 4 : i32
    %rem3A_99 = arith.remsi %rem3A_97, %rem3A_98 : i32
    %dma_start3A_100 = arith.constant 0 : i32
    %dma_start3A_101 = arith.constant 0 : i32
    %dma_start3A_102 = tpu.memref_slice %arg8[%rem3A_99, %dma_start3A_100, %dma_start3A_101] : memref<4x64x128xf32, #tpu.memory_space<vmem>> -> memref<1x64x128xf32, #tpu.memory_space<vmem>>
    %dma_start3A_103 = tpu.memref_squeeze %dma_start3A_102 : memref<1x64x128xf32, #tpu.memory_space<vmem>> -> memref<64x128xf32, #tpu.memory_space<vmem>>
    %dma_start3A_104 = arith.constant 0 : i32
    %dma_start3A_105 = tpu.memref_slice %arg6[%rem3A_93, %rem3A_96, %dma_start3A_104] : memref<2x16x64xi32, #tpu.memory_space<vmem>> -> memref<1x1x64xi32, #tpu.memory_space<vmem>>
    %dma_start3A_106 = tpu.memref_squeeze %dma_start3A_105 : memref<1x1x64xi32, #tpu.memory_space<vmem>> -> memref<64xi32, #tpu.memory_space<vmem>>
    %dma_start3A_107 = arith.constant 0 : i32
    %dma_start3A_108 = arith.constant 0 : i32
    %dma_start3A_109 = tpu.memref_slice %arg2[%arg0, %dma_start3A_107, %dma_start3A_108] : memref<2x10240x128xf32, #tpu.memory_space<hbm>> -> memref<1x10240x128xf32, #tpu.memory_space<hbm>>
    %dma_start3A_110 = tpu.memref_squeeze %dma_start3A_109 : memref<1x10240x128xf32, #tpu.memory_space<hbm>> -> memref<10240x128xf32, #tpu.memory_space<hbm>>
    %dma_start3A_111 = arith.constant 0 : i32
    %dma_start3A_112 = arith.constant 0 : i32
    %dma_start3A_113 = tpu.memref_slice %dma_start3A_110[%dma_start3A_111, %dma_start3A_112] : memref<10240x128xf32, #tpu.memory_space<hbm>> -> memref<10240x128xf32, #tpu.memory_space<hbm>>
    tpu.enqueue_indirect_dma source(%dma_start3A_113 : memref<10240x128xf32, #tpu.memory_space<hbm>>) target(%dma_start3A_103 : memref<64x128xf32, #tpu.memory_space<vmem>>) offsets(%dma_start3A_106 : memref<64xi32, #tpu.memory_space<vmem>>) semaphore(%arg10 : memref<!tpu.dma_semaphore, #tpu.memory_space<semaphore_mem>>)
    %div3A_114 = arith.constant 1 : i32
    %div3A_115 = arith.constant 16 : i32
    %div3A_116 = arith.divsi %div3A_114, %div3A_115 : i32
    %rem3A_117 = arith.constant 2 : i32
    %rem3A_118 = arith.remsi %div3A_116, %rem3A_117 : i32
    %rem3A_119 = arith.constant 1 : i32
    %rem3A_120 = arith.constant 16 : i32
    %rem3A_121 = arith.remsi %rem3A_119, %rem3A_120 : i32
    %rem3A_122 = arith.constant 1 : i32
    %rem3A_123 = arith.constant 4 : i32
    %rem3A_124 = arith.remsi %rem3A_122, %rem3A_123 : i32
    %dma_start3A_125 = arith.constant 0 : i32
    %dma_start3A_126 = arith.constant 0 : i32
    %dma_start3A_127 = tpu.memref_slice %arg8[%rem3A_124, %dma_start3A_125, %dma_start3A_126] : memref<4x64x128xf32, #tpu.memory_space<vmem>> -> memref<1x64x128xf32, #tpu.memory_space<vmem>>
    %dma_start3A_128 = tpu.memref_squeeze %dma_start3A_127 : memref<1x64x128xf32, #tpu.memory_space<vmem>> -> memref<64x128xf32, #tpu.memory_space<vmem>>
    %dma_start3A_129 = arith.constant 0 : i32
    %dma_start3A_130 = tpu.memref_slice %arg6[%rem3A_118, %rem3A_121, %dma_start3A_129] : memref<2x16x64xi32, #tpu.memory_space<vmem>> -> memref<1x1x64xi32, #tpu.memory_space<vmem>>
    %dma_start3A_131 = tpu.memref_squeeze %dma_start3A_130 : memref<1x1x64xi32, #tpu.memory_space<vmem>> -> memref<64xi32, #tpu.memory_space<vmem>>
    %dma_start3A_132 = arith.constant 0 : i32
    %dma_start3A_133 = arith.constant 0 : i32
    %dma_start3A_134 = tpu.memref_slice %arg2[%arg0, %dma_start3A_132, %dma_start3A_133] : memref<2x10240x128xf32, #tpu.memory_space<hbm>> -> memref<1x10240x128xf32, #tpu.memory_space<hbm>>
    %dma_start3A_135 = tpu.memref_squeeze %dma_start3A_134 : memref<1x10240x128xf32, #tpu.memory_space<hbm>> -> memref<10240x128xf32, #tpu.memory_space<hbm>>
    %dma_start3A_136 = arith.constant 0 : i32
    %dma_start3A_137 = arith.constant 0 : i32
    %dma_start3A_138 = tpu.memref_slice %dma_start3A_135[%dma_start3A_136, %dma_start3A_137] : memref<10240x128xf32, #tpu.memory_space<hbm>> -> memref<10240x128xf32, #tpu.memory_space<hbm>>
    tpu.enqueue_indirect_dma source(%dma_start3A_138 : memref<10240x128xf32, #tpu.memory_space<hbm>>) target(%dma_start3A_128 : memref<64x128xf32, #tpu.memory_space<vmem>>) offsets(%dma_start3A_131 : memref<64xi32, #tpu.memory_space<vmem>>) semaphore(%arg10 : memref<!tpu.dma_semaphore, #tpu.memory_space<semaphore_mem>>)
    %div3A_139 = arith.constant 2 : i32
    %div3A_140 = arith.constant 16 : i32
    %div3A_141 = arith.divsi %div3A_139, %div3A_140 : i32
    %rem3A_142 = arith.constant 2 : i32
    %rem3A_143 = arith.remsi %div3A_141, %rem3A_142 : i32
    %rem3A_144 = arith.constant 2 : i32
    %rem3A_145 = arith.constant 16 : i32
    %rem3A_146 = arith.remsi %rem3A_144, %rem3A_145 : i32
    %rem3A_147 = arith.constant 2 : i32
    %rem3A_148 = arith.constant 4 : i32
    %rem3A_149 = arith.remsi %rem3A_147, %rem3A_148 : i32
    %dma_start3A_150 = arith.constant 0 : i32
    %dma_start3A_151 = arith.constant 0 : i32
    %dma_start3A_152 = tpu.memref_slice %arg8[%rem3A_149, %dma_start3A_150, %dma_start3A_151] : memref<4x64x128xf32, #tpu.memory_space<vmem>> -> memref<1x64x128xf32, #tpu.memory_space<vmem>>
    %dma_start3A_153 = tpu.memref_squeeze %dma_start3A_152 : memref<1x64x128xf32, #tpu.memory_space<vmem>> -> memref<64x128xf32, #tpu.memory_space<vmem>>
    %dma_start3A_154 = arith.constant 0 : i32
    %dma_start3A_155 = tpu.memref_slice %arg6[%rem3A_143, %rem3A_146, %dma_start3A_154] : memref<2x16x64xi32, #tpu.memory_space<vmem>> -> memref<1x1x64xi32, #tpu.memory_space<vmem>>
    %dma_start3A_156 = tpu.memref_squeeze %dma_start3A_155 : memref<1x1x64xi32, #tpu.memory_space<vmem>> -> memref<64xi32, #tpu.memory_space<vmem>>
    %dma_start3A_157 = arith.constant 0 : i32
    %dma_start3A_158 = arith.constant 0 : i32
    %dma_start3A_159 = tpu.memref_slice %arg2[%arg0, %dma_start3A_157, %dma_start3A_158] : memref<2x10240x128xf32, #tpu.memory_space<hbm>> -> memref<1x10240x128xf32, #tpu.memory_space<hbm>>
    %dma_start3A_160 = tpu.memref_squeeze %dma_start3A_159 : memref<1x10240x128xf32, #tpu.memory_space<hbm>> -> memref<10240x128xf32, #tpu.memory_space<hbm>>
    %dma_start3A_161 = arith.constant 0 : i32
    %dma_start3A_162 = arith.constant 0 : i32
    %dma_start3A_163 = tpu.memref_slice %dma_start3A_160[%dma_start3A_161, %dma_start3A_162] : memref<10240x128xf32, #tpu.memory_space<hbm>> -> memref<10240x128xf32, #tpu.memory_space<hbm>>
    tpu.enqueue_indirect_dma source(%dma_start3A_163 : memref<10240x128xf32, #tpu.memory_space<hbm>>) target(%dma_start3A_153 : memref<64x128xf32, #tpu.memory_space<vmem>>) offsets(%dma_start3A_156 : memref<64xi32, #tpu.memory_space<vmem>>) semaphore(%arg10 : memref<!tpu.dma_semaphore, #tpu.memory_space<semaphore_mem>>)
    %scan3A = arith.constant 0 : i32
    %scan3A_164 = arith.constant 0 : i32
    %scan3A_165 = arith.constant 320 : i32
    %scan3A_166 = arith.addi %scan3A_164, %scan3A_165 : i32
    %scan3A_167 = arith.constant 1 : i32
    scf.for %scan3A_191 = %scan3A_164 to %scan3A_166 step %scan3A_167  : i32 {
      %div3A_192 = arith.constant 16 : i32
      %div3A_193 = arith.divsi %scan3A_191, %div3A_192 : i32
      %div3A_194 = arith.constant 16 : i32
      %div3A_195 = arith.divsi %scan3A_191, %div3A_194 : i32
      %rem3A_196 = arith.constant 2 : i32
      %rem3A_197 = arith.remsi %div3A_195, %rem3A_196 : i32
      %rem3A_198 = arith.constant 16 : i32
      %rem3A_199 = arith.remsi %scan3A_191, %rem3A_198 : i32
      %rem3A_200 = arith.constant 4 : i32
      %rem3A_201 = arith.remsi %scan3A_191, %rem3A_200 : i32
      %dma_wait3A_202 = arith.constant 0 : i32
      %dma_wait3A_203 = arith.constant 0 : i32
      %dma_wait3A_204 = tpu.memref_slice %arg8[%rem3A_201, %dma_wait3A_202, %dma_wait3A_203] : memref<4x64x128xf32, #tpu.memory_space<vmem>> -> memref<1x64x128xf32, #tpu.memory_space<vmem>>
      %dma_wait3A_205 = tpu.memref_squeeze %dma_wait3A_204 : memref<1x64x128xf32, #tpu.memory_space<vmem>> -> memref<64x128xf32, #tpu.memory_space<vmem>>
      %dma_wait3A_206 = arith.constant 0 : i32
      %dma_wait3A_207 = tpu.memref_slice %arg6[%rem3A_197, %rem3A_199, %dma_wait3A_206] : memref<2x16x64xi32, #tpu.memory_space<vmem>> -> memref<1x1x64xi32, #tpu.memory_space<vmem>>
      %dma_wait3A_208 = tpu.memref_squeeze %dma_wait3A_207 : memref<1x1x64xi32, #tpu.memory_space<vmem>> -> memref<64xi32, #tpu.memory_space<vmem>>
      %dma_wait3A_209 = arith.constant 0 : i32
      %dma_wait3A_210 = arith.constant 0 : i32
      %dma_wait3A_211 = tpu.memref_slice %arg2[%arg0, %dma_wait3A_209, %dma_wait3A_210] : memref<2x10240x128xf32, #tpu.memory_space<hbm>> -> memref<1x10240x128xf32, #tpu.memory_space<hbm>>
      %dma_wait3A_212 = tpu.memref_squeeze %dma_wait3A_211 : memref<1x10240x128xf32, #tpu.memory_space<hbm>> -> memref<10240x128xf32, #tpu.memory_space<hbm>>
      %dma_wait3A_213 = arith.constant 0 : i32
      %dma_wait3A_214 = arith.constant 0 : i32
      %dma_wait3A_215 = tpu.memref_slice %dma_wait3A_212[%dma_wait3A_213, %dma_wait3A_214] : memref<10240x128xf32, #tpu.memory_space<hbm>> -> memref<10240x128xf32, #tpu.memory_space<hbm>>
      tpu.wait_indirect_dma semaphore(%arg10 : memref<!tpu.dma_semaphore, #tpu.memory_space<semaphore_mem>>) src(%dma_wait3A_215 : memref<10240x128xf32, #tpu.memory_space<hbm>>) dst(%dma_wait3A_205 : memref<64x128xf32, #tpu.memory_space<vmem>>)
      %ge3A = arith.constant 1 : i32
      %ge3A_216 = arith.cmpi sge, %scan3A_191, %ge3A : i32
      %convert_element_type3A = arith.extui %ge3A_216 : i1 to i32
      %cond3A = arith.constant 0 : i32
      %cond3A_217 = arith.cmpi ne, %convert_element_type3A, %cond3A : i32
      scf.if %cond3A_217 {
        %sub3A_252 = arith.constant 1 : i32
        %sub3A_253 = arith.subi %scan3A_191, %sub3A_252 : i32
        %div3A_254 = arith.constant 16 : i32
        %div3A_255 = arith.divsi %sub3A_253, %div3A_254 : i32
        %rem3A_256 = arith.constant 2 : i32
        %rem3A_257 = arith.remsi %div3A_255, %rem3A_256 : i32
        %rem3A_258 = arith.constant 16 : i32
        %rem3A_259 = arith.remsi %sub3A_253, %rem3A_258 : i32
        %rem3A_260 = arith.constant 4 : i32
        %rem3A_261 = arith.remsi %sub3A_253, %rem3A_260 : i32
        %dma_wait3A_262 = arith.constant 0 : i32
        %dma_wait3A_263 = arith.constant 0 : i32
        %dma_wait3A_264 = tpu.memref_slice %arg8[%rem3A_261, %dma_wait3A_262, %dma_wait3A_263] : memref<4x64x128xf32, #tpu.memory_space<vmem>> -> memref<1x64x128xf32, #tpu.memory_space<vmem>>
        %dma_wait3A_265 = tpu.memref_squeeze %dma_wait3A_264 : memref<1x64x128xf32, #tpu.memory_space<vmem>> -> memref<64x128xf32, #tpu.memory_space<vmem>>
        %dma_wait3A_266 = arith.constant 0 : i32
        %dma_wait3A_267 = tpu.memref_slice %arg7[%rem3A_257, %rem3A_259, %dma_wait3A_266] : memref<2x16x64xi32, #tpu.memory_space<vmem>> -> memref<1x1x64xi32, #tpu.memory_space<vmem>>
        %dma_wait3A_268 = tpu.memref_squeeze %dma_wait3A_267 : memref<1x1x64xi32, #tpu.memory_space<vmem>> -> memref<64xi32, #tpu.memory_space<vmem>>
        %dma_wait3A_269 = arith.constant 0 : i32
        %dma_wait3A_270 = arith.constant 0 : i32
        %dma_wait3A_271 = tpu.memref_slice %arg9[%dma_wait3A_269, %dma_wait3A_270] : memref<10240x128xf32, #tpu.memory_space<vmem_shared>> -> memref<10240x128xf32, #tpu.memory_space<vmem_shared>>
        tpu.wait_indirect_dma semaphore(%arg12 : memref<!tpu.dma_semaphore, #tpu.memory_space<semaphore_mem>>) src(%dma_wait3A_265 : memref<64x128xf32, #tpu.memory_space<vmem>>) dst(%dma_wait3A_271 : memref<10240x128xf32, #tpu.memory_space<vmem_shared>>)
      } else {
      }
      %div3A_218 = arith.constant 16 : i32
      %div3A_219 = arith.divsi %scan3A_191, %div3A_218 : i32
      %rem3A_220 = arith.constant 2 : i32
      %rem3A_221 = arith.remsi %div3A_219, %rem3A_220 : i32
      %rem3A_222 = arith.constant 16 : i32
      %rem3A_223 = arith.remsi %scan3A_191, %rem3A_222 : i32
      %rem3A_224 = arith.constant 4 : i32
      %rem3A_225 = arith.remsi %scan3A_191, %rem3A_224 : i32
      %dma_start3A_226 = arith.constant 0 : i32
      %dma_start3A_227 = arith.constant 0 : i32
      %dma_start3A_228 = tpu.memref_slice %arg8[%rem3A_225, %dma_start3A_226, %dma_start3A_227] : memref<4x64x128xf32, #tpu.memory_space<vmem>> -> memref<1x64x128xf32, #tpu.memory_space<vmem>>
      %dma_start3A_229 = tpu.memref_squeeze %dma_start3A_228 : memref<1x64x128xf32, #tpu.memory_space<vmem>> -> memref<64x128xf32, #tpu.memory_space<vmem>>
      %dma_start3A_230 = arith.constant 0 : i32
      %dma_start3A_231 = tpu.memref_slice %arg7[%rem3A_221, %rem3A_223, %dma_start3A_230] : memref<2x16x64xi32, #tpu.memory_space<vmem>> -> memref<1x1x64xi32, #tpu.memory_space<vmem>>
      %dma_start3A_232 = tpu.memref_squeeze %dma_start3A_231 : memref<1x1x64xi32, #tpu.memory_space<vmem>> -> memref<64xi32, #tpu.memory_space<vmem>>
      %dma_start3A_233 = arith.constant 0 : i32
      %dma_start3A_234 = arith.constant 0 : i32
      %dma_start3A_235 = tpu.memref_slice %arg9[%dma_start3A_233, %dma_start3A_234] : memref<10240x128xf32, #tpu.memory_space<vmem_shared>> -> memref<10240x128xf32, #tpu.memory_space<vmem_shared>>
      tpu.enqueue_indirect_dma source(%dma_start3A_229 : memref<64x128xf32, #tpu.memory_space<vmem>>) target(%dma_start3A_235 : memref<10240x128xf32, #tpu.memory_space<vmem_shared>>) offsets(%dma_start3A_232 : memref<64xi32, #tpu.memory_space<vmem>>) semaphore(%arg12 : memref<!tpu.dma_semaphore, #tpu.memory_space<semaphore_mem>>) {add = true}
      %rem3A_236 = arith.constant 16 : i32
      %rem3A_237 = arith.remsi %scan3A_191, %rem3A_236 : i32
      %eq3A = arith.constant 0 : i32
      %eq3A_238 = arith.cmpi eq, %rem3A_237, %eq3A : i32
      %add3A = arith.constant 1 : i32
      %add3A_239 = arith.addi %div3A_193, %add3A : i32
      %lt3A = arith.constant 20 : i32
      %lt3A_240 = arith.cmpi slt, %add3A_239, %lt3A : i32
      %and3A = arith.andi %eq3A_238, %lt3A_240 : i1
      %convert_element_type3A_241 = arith.extui %and3A : i1 to i32
      %cond3A_242 = arith.constant 0 : i32
      %cond3A_243 = arith.cmpi ne, %convert_element_type3A_241, %cond3A_242 : i32
      scf.if %cond3A_243 {
        %add3A_252 = arith.constant 1 : i32
        %add3A_253 = arith.addi %div3A_193, %add3A_252 : i32
        %add3A_254 = arith.constant 1 : i32
        %add3A_255 = arith.addi %div3A_193, %add3A_254 : i32
        %rem3A_256 = arith.constant 2 : i32
        %rem3A_257 = arith.remsi %add3A_255, %rem3A_256 : i32
        %mul3A_258 = arith.constant 16 : i32
        %mul3A_259 = arith.muli %add3A_253, %mul3A_258 : i32
        %dma_start3A_260 = arith.constant 0 : i32
        %dma_start3A_261 = arith.constant 0 : i32
        %dma_start3A_262 = tpu.memref_slice %arg6[%rem3A_257, %dma_start3A_260, %dma_start3A_261] : memref<2x16x64xi32, #tpu.memory_space<vmem>> -> memref<1x16x64xi32, #tpu.memory_space<vmem>>
        %dma_start3A_263 = tpu.memref_squeeze %dma_start3A_262 : memref<1x16x64xi32, #tpu.memory_space<vmem>> -> memref<16x64xi32, #tpu.memory_space<vmem>>
        %dma_start3A_264 = arith.constant 0 : i32
        %dma_start3A_265 = arith.constant 0 : i32
        %dma_start3A_266 = tpu.memref_slice %arg3[%arg1, %dma_start3A_264, %dma_start3A_265] : memref<16x320x64xi32, #tpu.memory_space<hbm>> -> memref<1x320x64xi32, #tpu.memory_space<hbm>>
        %dma_start3A_267 = tpu.memref_squeeze %dma_start3A_266 : memref<1x320x64xi32, #tpu.memory_space<hbm>> -> memref<320x64xi32, #tpu.memory_space<hbm>>
        %dma_start3A_268 = arith.constant 0 : i32
        %dma_start3A_269 = tpu.memref_slice %dma_start3A_267[%mul3A_259, %dma_start3A_268] : memref<320x64xi32, #tpu.memory_space<hbm>> -> memref<16x64xi32, #tpu.memory_space<hbm>>
        %dma_start3A_270 = arith.constant 0 : i32
        %dma_start3A_271 = arith.constant 0 : i32
        %dma_start3A_272 = tpu.memref_slice %arg6[%rem3A_257, %dma_start3A_270, %dma_start3A_271] : memref<2x16x64xi32, #tpu.memory_space<vmem>> -> memref<1x16x64xi32, #tpu.memory_space<vmem>>
        %dma_start3A_273 = tpu.memref_squeeze %dma_start3A_272 : memref<1x16x64xi32, #tpu.memory_space<vmem>> -> memref<16x64xi32, #tpu.memory_space<vmem>>
        %dma_start3A_274 = arith.constant 0 : i32
        %dma_start3A_275 = arith.constant 0 : i32
        %dma_start3A_276 = tpu.memref_slice %arg3[%arg1, %dma_start3A_274, %dma_start3A_275] : memref<16x320x64xi32, #tpu.memory_space<hbm>> -> memref<1x320x64xi32, #tpu.memory_space<hbm>>
        %dma_start3A_277 = tpu.memref_squeeze %dma_start3A_276 : memref<1x320x64xi32, #tpu.memory_space<hbm>> -> memref<320x64xi32, #tpu.memory_space<hbm>>
        %dma_start3A_278 = arith.constant 0 : i32
        %dma_start3A_279 = tpu.memref_slice %dma_start3A_277[%mul3A_259, %dma_start3A_278] : memref<320x64xi32, #tpu.memory_space<hbm>> -> memref<16x64xi32, #tpu.memory_space<hbm>>
        tpu.enqueue_dma source(%dma_start3A_279 : memref<16x64xi32, #tpu.memory_space<hbm>>) target(%dma_start3A_273 : memref<16x64xi32, #tpu.memory_space<vmem>>) target_semaphore(%arg11 : memref<!tpu.dma_semaphore, #tpu.memory_space<semaphore_mem>>)
        %dma_start3A_280 = arith.constant 0 : i32
        %dma_start3A_281 = arith.constant 0 : i32
        %dma_start3A_282 = tpu.memref_slice %arg7[%rem3A_257, %dma_start3A_280, %dma_start3A_281] : memref<2x16x64xi32, #tpu.memory_space<vmem>> -> memref<1x16x64xi32, #tpu.memory_space<vmem>>
        %dma_start3A_283 = tpu.memref_squeeze %dma_start3A_282 : memref<1x16x64xi32, #tpu.memory_space<vmem>> -> memref<16x64xi32, #tpu.memory_space<vmem>>
        %dma_start3A_284 = arith.constant 0 : i32
        %dma_start3A_285 = arith.constant 0 : i32
        %dma_start3A_286 = tpu.memref_slice %arg4[%arg1, %dma_start3A_284, %dma_start3A_285] : memref<16x320x64xi32, #tpu.memory_space<hbm>> -> memref<1x320x64xi32, #tpu.memory_space<hbm>>
        %dma_start3A_287 = tpu.memref_squeeze %dma_start3A_286 : memref<1x320x64xi32, #tpu.memory_space<hbm>> -> memref<320x64xi32, #tpu.memory_space<hbm>>
        %dma_start3A_288 = arith.constant 0 : i32
        %dma_start3A_289 = tpu.memref_slice %dma_start3A_287[%mul3A_259, %dma_start3A_288] : memref<320x64xi32, #tpu.memory_space<hbm>> -> memref<16x64xi32, #tpu.memory_space<hbm>>
        %dma_start3A_290 = arith.constant 0 : i32
        %dma_start3A_291 = arith.constant 0 : i32
        %dma_start3A_292 = tpu.memref_slice %arg7[%rem3A_257, %dma_start3A_290, %dma_start3A_291] : memref<2x16x64xi32, #tpu.memory_space<vmem>> -> memref<1x16x64xi32, #tpu.memory_space<vmem>>
        %dma_start3A_293 = tpu.memref_squeeze %dma_start3A_292 : memref<1x16x64xi32, #tpu.memory_space<vmem>> -> memref<16x64xi32, #tpu.memory_space<vmem>>
        %dma_start3A_294 = arith.constant 0 : i32
        %dma_start3A_295 = arith.constant 0 : i32
        %dma_start3A_296 = tpu.memref_slice %arg4[%arg1, %dma_start3A_294, %dma_start3A_295] : memref<16x320x64xi32, #tpu.memory_space<hbm>> -> memref<1x320x64xi32, #tpu.memory_space<hbm>>
        %dma_start3A_297 = tpu.memref_squeeze %dma_start3A_296 : memref<1x320x64xi32, #tpu.memory_space<hbm>> -> memref<320x64xi32, #tpu.memory_space<hbm>>
        %dma_start3A_298 = arith.constant 0 : i32
        %dma_start3A_299 = tpu.memref_slice %dma_start3A_297[%mul3A_259, %dma_start3A_298] : memref<320x64xi32, #tpu.memory_space<hbm>> -> memref<16x64xi32, #tpu.memory_space<hbm>>
        tpu.enqueue_dma source(%dma_start3A_299 : memref<16x64xi32, #tpu.memory_space<hbm>>) target(%dma_start3A_293 : memref<16x64xi32, #tpu.memory_space<vmem>>) target_semaphore(%arg11 : memref<!tpu.dma_semaphore, #tpu.memory_space<semaphore_mem>>)
      } else {
      }
      %add3A_244 = arith.constant 4 : i32
      %add3A_245 = arith.addi %scan3A_191, %add3A_244 : i32
      %sub3A = arith.constant 1 : i32
      %sub3A_246 = arith.subi %add3A_245, %sub3A : i32
      %lt3A_247 = arith.constant 320 : i32
      %lt3A_248 = arith.cmpi slt, %sub3A_246, %lt3A_247 : i32
      %convert_element_type3A_249 = arith.extui %lt3A_248 : i1 to i32
      %cond3A_250 = arith.constant 0 : i32
      %cond3A_251 = arith.cmpi ne, %convert_element_type3A_249, %cond3A_250 : i32
      scf.if %cond3A_251 {
        %add3A_252 = arith.constant 4 : i32
        %add3A_253 = arith.addi %scan3A_191, %add3A_252 : i32
        %sub3A_254 = arith.constant 1 : i32
        %sub3A_255 = arith.subi %add3A_253, %sub3A_254 : i32
        %div3A_256 = arith.constant 16 : i32
        %div3A_257 = arith.divsi %sub3A_255, %div3A_256 : i32
        %add3A_258 = arith.constant 4 : i32
        %add3A_259 = arith.addi %scan3A_191, %add3A_258 : i32
        %sub3A_260 = arith.constant 1 : i32
        %sub3A_261 = arith.subi %add3A_259, %sub3A_260 : i32
        %rem3A_262 = arith.constant 16 : i32
        %rem3A_263 = arith.remsi %sub3A_261, %rem3A_262 : i32
        %eq3A_264 = arith.constant 0 : i32
        %eq3A_265 = arith.cmpi eq, %rem3A_263, %eq3A_264 : i32
        %convert_element_type3A_266 = arith.extui %eq3A_265 : i1 to i32
        %cond3A_267 = arith.constant 0 : i32
        %cond3A_268 = arith.cmpi ne, %convert_element_type3A_266, %cond3A_267 : i32
        scf.if %cond3A_268 {
          %rem3A_295 = arith.constant 2 : i32
          %rem3A_296 = arith.remsi %div3A_257, %rem3A_295 : i32
          %mul3A_297 = arith.constant 16 : i32
          %mul3A_298 = arith.muli %div3A_257, %mul3A_297 : i32
          %dma_wait3A_299 = arith.constant 0 : i32
          %dma_wait3A_300 = arith.constant 0 : i32
          %dma_wait3A_301 = tpu.memref_slice %arg6[%rem3A_296, %dma_wait3A_299, %dma_wait3A_300] : memref<2x16x64xi32, #tpu.memory_space<vmem>> -> memref<1x16x64xi32, #tpu.memory_space<vmem>>
          %dma_wait3A_302 = tpu.memref_squeeze %dma_wait3A_301 : memref<1x16x64xi32, #tpu.memory_space<vmem>> -> memref<16x64xi32, #tpu.memory_space<vmem>>
          %dma_wait3A_303 = arith.constant 0 : i32
          %dma_wait3A_304 = arith.constant 0 : i32
          %dma_wait3A_305 = tpu.memref_slice %arg3[%arg1, %dma_wait3A_303, %dma_wait3A_304] : memref<16x320x64xi32, #tpu.memory_space<hbm>> -> memref<1x320x64xi32, #tpu.memory_space<hbm>>
          %dma_wait3A_306 = tpu.memref_squeeze %dma_wait3A_305 : memref<1x320x64xi32, #tpu.memory_space<hbm>> -> memref<320x64xi32, #tpu.memory_space<hbm>>
          %dma_wait3A_307 = arith.constant 0 : i32
          %dma_wait3A_308 = tpu.memref_slice %dma_wait3A_306[%mul3A_298, %dma_wait3A_307] : memref<320x64xi32, #tpu.memory_space<hbm>> -> memref<16x64xi32, #tpu.memory_space<hbm>>
          %dma_wait3A_309 = arith.constant 0 : i32
          %dma_wait3A_310 = arith.constant 0 : i32
          %dma_wait3A_311 = tpu.memref_slice %arg6[%rem3A_296, %dma_wait3A_309, %dma_wait3A_310] : memref<2x16x64xi32, #tpu.memory_space<vmem>> -> memref<1x16x64xi32, #tpu.memory_space<vmem>>
          %dma_wait3A_312 = tpu.memref_squeeze %dma_wait3A_311 : memref<1x16x64xi32, #tpu.memory_space<vmem>> -> memref<16x64xi32, #tpu.memory_space<vmem>>
          %dma_wait3A_313 = arith.constant 0 : i32
          %dma_wait3A_314 = arith.constant 0 : i32
          %dma_wait3A_315 = tpu.memref_slice %arg3[%arg1, %dma_wait3A_313, %dma_wait3A_314] : memref<16x320x64xi32, #tpu.memory_space<hbm>> -> memref<1x320x64xi32, #tpu.memory_space<hbm>>
          %dma_wait3A_316 = tpu.memref_squeeze %dma_wait3A_315 : memref<1x320x64xi32, #tpu.memory_space<hbm>> -> memref<320x64xi32, #tpu.memory_space<hbm>>
          %dma_wait3A_317 = arith.constant 0 : i32
          %dma_wait3A_318 = tpu.memref_slice %dma_wait3A_316[%mul3A_298, %dma_wait3A_317] : memref<320x64xi32, #tpu.memory_space<hbm>> -> memref<16x64xi32, #tpu.memory_space<hbm>>
          tpu.wait_dma2 semaphore(%arg11 : memref<!tpu.dma_semaphore, #tpu.memory_space<semaphore_mem>>) src(%dma_wait3A_318 : memref<16x64xi32, #tpu.memory_space<hbm>>) dst(%dma_wait3A_312 : memref<16x64xi32, #tpu.memory_space<vmem>>)
          %dma_wait3A_319 = arith.constant 0 : i32
          %dma_wait3A_320 = arith.constant 0 : i32
          %dma_wait3A_321 = tpu.memref_slice %arg7[%rem3A_296, %dma_wait3A_319, %dma_wait3A_320] : memref<2x16x64xi32, #tpu.memory_space<vmem>> -> memref<1x16x64xi32, #tpu.memory_space<vmem>>
          %dma_wait3A_322 = tpu.memref_squeeze %dma_wait3A_321 : memref<1x16x64xi32, #tpu.memory_space<vmem>> -> memref<16x64xi32, #tpu.memory_space<vmem>>
          %dma_wait3A_323 = arith.constant 0 : i32
          %dma_wait3A_324 = arith.constant 0 : i32
          %dma_wait3A_325 = tpu.memref_slice %arg4[%arg1, %dma_wait3A_323, %dma_wait3A_324] : memref<16x320x64xi32, #tpu.memory_space<hbm>> -> memref<1x320x64xi32, #tpu.memory_space<hbm>>
          %dma_wait3A_326 = tpu.memref_squeeze %dma_wait3A_325 : memref<1x320x64xi32, #tpu.memory_space<hbm>> -> memref<320x64xi32, #tpu.memory_space<hbm>>
          %dma_wait3A_327 = arith.constant 0 : i32
          %dma_wait3A_328 = tpu.memref_slice %dma_wait3A_326[%mul3A_298, %dma_wait3A_327] : memref<320x64xi32, #tpu.memory_space<hbm>> -> memref<16x64xi32, #tpu.memory_space<hbm>>
          %dma_wait3A_329 = arith.constant 0 : i32
          %dma_wait3A_330 = arith.constant 0 : i32
          %dma_wait3A_331 = tpu.memref_slice %arg7[%rem3A_296, %dma_wait3A_329, %dma_wait3A_330] : memref<2x16x64xi32, #tpu.memory_space<vmem>> -> memref<1x16x64xi32, #tpu.memory_space<vmem>>
          %dma_wait3A_332 = tpu.memref_squeeze %dma_wait3A_331 : memref<1x16x64xi32, #tpu.memory_space<vmem>> -> memref<16x64xi32, #tpu.memory_space<vmem>>
          %dma_wait3A_333 = arith.constant 0 : i32
          %dma_wait3A_334 = arith.constant 0 : i32
          %dma_wait3A_335 = tpu.memref_slice %arg4[%arg1, %dma_wait3A_333, %dma_wait3A_334] : memref<16x320x64xi32, #tpu.memory_space<hbm>> -> memref<1x320x64xi32, #tpu.memory_space<hbm>>
          %dma_wait3A_336 = tpu.memref_squeeze %dma_wait3A_335 : memref<1x320x64xi32, #tpu.memory_space<hbm>> -> memref<320x64xi32, #tpu.memory_space<hbm>>
          %dma_wait3A_337 = arith.constant 0 : i32
          %dma_wait3A_338 = tpu.memref_slice %dma_wait3A_336[%mul3A_298, %dma_wait3A_337] : memref<320x64xi32, #tpu.memory_space<hbm>> -> memref<16x64xi32, #tpu.memory_space<hbm>>
          tpu.wait_dma2 semaphore(%arg11 : memref<!tpu.dma_semaphore, #tpu.memory_space<semaphore_mem>>) src(%dma_wait3A_338 : memref<16x64xi32, #tpu.memory_space<hbm>>) dst(%dma_wait3A_332 : memref<16x64xi32, #tpu.memory_space<vmem>>)
        } else {
        }
        %add3A_269 = arith.constant 4 : i32
        %add3A_270 = arith.addi %scan3A_191, %add3A_269 : i32
        %sub3A_271 = arith.constant 1 : i32
        %sub3A_272 = arith.subi %add3A_270, %sub3A_271 : i32
        %div3A_273 = arith.constant 16 : i32
        %div3A_274 = arith.divsi %sub3A_272, %div3A_273 : i32
        %rem3A_275 = arith.constant 2 : i32
        %rem3A_276 = arith.remsi %div3A_274, %rem3A_275 : i32
        %rem3A_277 = arith.constant 16 : i32
        %rem3A_278 = arith.remsi %sub3A_272, %rem3A_277 : i32
        %rem3A_279 = arith.constant 4 : i32
        %rem3A_280 = arith.remsi %sub3A_272, %rem3A_279 : i32
        %dma_start3A_281 = arith.constant 0 : i32
        %dma_start3A_282 = arith.constant 0 : i32
        %dma_start3A_283 = tpu.memref_slice %arg8[%rem3A_280, %dma_start3A_281, %dma_start3A_282] : memref<4x64x128xf32, #tpu.memory_space<vmem>> -> memref<1x64x128xf32, #tpu.memory_space<vmem>>
        %dma_start3A_284 = tpu.memref_squeeze %dma_start3A_283 : memref<1x64x128xf32, #tpu.memory_space<vmem>> -> memref<64x128xf32, #tpu.memory_space<vmem>>
        %dma_start3A_285 = arith.constant 0 : i32
        %dma_start3A_286 = tpu.memref_slice %arg6[%rem3A_276, %rem3A_278, %dma_start3A_285] : memref<2x16x64xi32, #tpu.memory_space<vmem>> -> memref<1x1x64xi32, #tpu.memory_space<vmem>>
        %dma_start3A_287 = tpu.memref_squeeze %dma_start3A_286 : memref<1x1x64xi32, #tpu.memory_space<vmem>> -> memref<64xi32, #tpu.memory_space<vmem>>
        %dma_start3A_288 = arith.constant 0 : i32
        %dma_start3A_289 = arith.constant 0 : i32
        %dma_start3A_290 = tpu.memref_slice %arg2[%arg0, %dma_start3A_288, %dma_start3A_289] : memref<2x10240x128xf32, #tpu.memory_space<hbm>> -> memref<1x10240x128xf32, #tpu.memory_space<hbm>>
        %dma_start3A_291 = tpu.memref_squeeze %dma_start3A_290 : memref<1x10240x128xf32, #tpu.memory_space<hbm>> -> memref<10240x128xf32, #tpu.memory_space<hbm>>
        %dma_start3A_292 = arith.constant 0 : i32
        %dma_start3A_293 = arith.constant 0 : i32
        %dma_start3A_294 = tpu.memref_slice %dma_start3A_291[%dma_start3A_292, %dma_start3A_293] : memref<10240x128xf32, #tpu.memory_space<hbm>> -> memref<10240x128xf32, #tpu.memory_space<hbm>>
        tpu.enqueue_indirect_dma source(%dma_start3A_294 : memref<10240x128xf32, #tpu.memory_space<hbm>>) target(%dma_start3A_284 : memref<64x128xf32, #tpu.memory_space<vmem>>) offsets(%dma_start3A_287 : memref<64xi32, #tpu.memory_space<vmem>>) semaphore(%arg10 : memref<!tpu.dma_semaphore, #tpu.memory_space<semaphore_mem>>)
      } else {
      }
    }
    %scan3A_168 = arith.constant 320 : i32
    %div3A_169 = arith.constant 319 : i32
    %div3A_170 = arith.constant 16 : i32
    %div3A_171 = arith.divsi %div3A_169, %div3A_170 : i32
    %rem3A_172 = arith.constant 2 : i32
    %rem3A_173 = arith.remsi %div3A_171, %rem3A_172 : i32
    %rem3A_174 = arith.constant 319 : i32
    %rem3A_175 = arith.constant 16 : i32
    %rem3A_176 = arith.remsi %rem3A_174, %rem3A_175 : i32
    %rem3A_177 = arith.constant 319 : i32
    %rem3A_178 = arith.constant 4 : i32
    %rem3A_179 = arith.remsi %rem3A_177, %rem3A_178 : i32
    %dma_wait3A_180 = arith.constant 0 : i32
    %dma_wait3A_181 = arith.constant 0 : i32
    %dma_wait3A_182 = tpu.memref_slice %arg8[%rem3A_179, %dma_wait3A_180, %dma_wait3A_181] : memref<4x64x128xf32, #tpu.memory_space<vmem>> -> memref<1x64x128xf32, #tpu.memory_space<vmem>>
    %dma_wait3A_183 = tpu.memref_squeeze %dma_wait3A_182 : memref<1x64x128xf32, #tpu.memory_space<vmem>> -> memref<64x128xf32, #tpu.memory_space<vmem>>
    %dma_wait3A_184 = arith.constant 0 : i32
    %dma_wait3A_185 = tpu.memref_slice %arg7[%rem3A_173, %rem3A_176, %dma_wait3A_184] : memref<2x16x64xi32, #tpu.memory_space<vmem>> -> memref<1x1x64xi32, #tpu.memory_space<vmem>>
    %dma_wait3A_186 = tpu.memref_squeeze %dma_wait3A_185 : memref<1x1x64xi32, #tpu.memory_space<vmem>> -> memref<64xi32, #tpu.memory_space<vmem>>
    %dma_wait3A_187 = arith.constant 0 : i32
    %dma_wait3A_188 = arith.constant 0 : i32
    %dma_wait3A_189 = tpu.memref_slice %arg9[%dma_wait3A_187, %dma_wait3A_188] : memref<10240x128xf32, #tpu.memory_space<vmem_shared>> -> memref<10240x128xf32, #tpu.memory_space<vmem_shared>>
    tpu.wait_indirect_dma semaphore(%arg12 : memref<!tpu.dma_semaphore, #tpu.memory_space<semaphore_mem>>) src(%dma_wait3A_183 : memref<64x128xf32, #tpu.memory_space<vmem>>) dst(%dma_wait3A_189 : memref<10240x128xf32, #tpu.memory_space<vmem_shared>>)
    %barrier3A_190 = arith.constant 0 : index
    tpu.barrier barrier_id(%barrier3A_190)
    "tpu.region"() ({
      %run_scoped3A = tpu.sem_alloc : memref<!tpu.dma_semaphore, #tpu.memory_space<semaphore_mem>>
      %dma_start3A_191 = arith.constant 0 : i32
      %dma_start3A_192 = arith.constant 0 : i32
      %dma_start3A_193 = tpu.memref_slice %arg5[%arg0, %dma_start3A_191, %dma_start3A_192] : memref<2x10240x128xf32, #tpu.memory_space<hbm>> -> memref<1x10240x128xf32, #tpu.memory_space<hbm>>
      %dma_start3A_194 = tpu.memref_squeeze %dma_start3A_193 : memref<1x10240x128xf32, #tpu.memory_space<hbm>> -> memref<10240x128xf32, #tpu.memory_space<hbm>>
      %dma_start3A_195 = arith.constant 0 : i32
      %dma_start3A_196 = tpu.memref_slice %dma_start3A_194[%mul3A_0, %dma_start3A_195] : memref<10240x128xf32, #tpu.memory_space<hbm>> -> memref<640x128xf32, #tpu.memory_space<hbm>>
      %dma_start3A_197 = arith.constant 0 : i32
      %dma_start3A_198 = tpu.memref_slice %arg9[%mul3A_0, %dma_start3A_197] : memref<10240x128xf32, #tpu.memory_space<vmem_shared>> -> memref<640x128xf32, #tpu.memory_space<vmem_shared>>
      tpu.enqueue_dma source(%dma_start3A_198 : memref<640x128xf32, #tpu.memory_space<vmem_shared>>) target(%dma_start3A_196 : memref<640x128xf32, #tpu.memory_space<hbm>>) target_semaphore(%run_scoped3A : memref<!tpu.dma_semaphore, #tpu.memory_space<semaphore_mem>>)
      %dma_wait3A_199 = arith.constant 0 : i32
      %dma_wait3A_200 = arith.constant 0 : i32
      %dma_wait3A_201 = tpu.memref_slice %arg5[%arg0, %dma_wait3A_199, %dma_wait3A_200] : memref<2x10240x128xf32, #tpu.memory_space<hbm>> -> memref<1x10240x128xf32, #tpu.memory_space<hbm>>
      %dma_wait3A_202 = tpu.memref_squeeze %dma_wait3A_201 : memref<1x10240x128xf32, #tpu.memory_space<hbm>> -> memref<10240x128xf32, #tpu.memory_space<hbm>>
      %dma_wait3A_203 = arith.constant 0 : i32
      %dma_wait3A_204 = tpu.memref_slice %dma_wait3A_202[%mul3A_0, %dma_wait3A_203] : memref<10240x128xf32, #tpu.memory_space<hbm>> -> memref<640x128xf32, #tpu.memory_space<hbm>>
      %dma_wait3A_205 = arith.constant 0 : i32
      %dma_wait3A_206 = tpu.memref_slice %arg9[%mul3A_0, %dma_wait3A_205] : memref<10240x128xf32, #tpu.memory_space<vmem_shared>> -> memref<640x128xf32, #tpu.memory_space<vmem_shared>>
      tpu.wait_dma2 semaphore(%run_scoped3A : memref<!tpu.dma_semaphore, #tpu.memory_space<semaphore_mem>>) src(%dma_wait3A_206 : memref<640x128xf32, #tpu.memory_space<vmem_shared>>) dst(%dma_wait3A_204 : memref<640x128xf32, #tpu.memory_space<hbm>>)
      tpu.yield
    }) : () -> ()
    return
  }
}

#map = affine_map<(d0, d1) -> (0, 0, 0)>
#map1 = affine_map<(d0, d1) -> (0, 0)>
module attributes {stable_mosaic.version = 14 : i64} {
  func.func @_deg_body(%arg0: i32, %arg1: i32, %arg2: memref<32x160x64xi32, #tpu.memory_space<hbm>>, %arg3: memref<2x10240xf32, #tpu.memory_space<hbm>>, %arg4: memref<160x64xi32, #tpu.memory_space<vmem>>, %arg5: memref<64xf32, #tpu.memory_space<vmem>>, %arg6: memref<640xf32, #tpu.memory_space<vmem>>, %arg7: memref<10240xf32, #tpu.memory_space<vmem_shared>>, %arg8: memref<!tpu.dma_semaphore, #tpu.memory_space<semaphore_mem>>) attributes {dimension_semantics = [#tpu.dimension_semantics<core_parallel>, #tpu.dimension_semantics<subcore_parallel>], iteration_bounds = array<i64: 2, 16>, scalar_prefetch = 0 : i64, scratch_operands = 5 : i64, tpu.core_type = #tpu.core_type<sc_vector_subcore>, window_params = [{transform_indices = #map}, {transform_indices = #map1}]} {
    %mul3A = arith.constant 16 : i32
    %mul3A_0 = arith.muli %arg0, %mul3A : i32
    %add3A = arith.addi %mul3A_0, %arg1 : i32
    %broadcast_in_dim3A = arith.constant 1.000000e+00 : f32
    %broadcast_in_dim3A_1 = vector.broadcast %broadcast_in_dim3A : f32 to vector<16xf32>
    %swap3A = arith.constant 0 : index
    %swap3A_2 = tpu.vector_load %arg5[%swap3A] {strides = array<i32>} : memref<64xf32, #tpu.memory_space<vmem>>, vector<16xf32>,
    %swap3A_3 = vector.shape_cast %swap3A_2 : vector<16xf32> to vector<16xf32>
    %swap3A_4 = vector.shape_cast %broadcast_in_dim3A_1 : vector<16xf32> to vector<16xf32>
    tpu.vector_store %arg5[%swap3A], %swap3A_4 {strides = array<i32>} : memref<64xf32, #tpu.memory_space<vmem>>, vector<16xf32>,
    %broadcast_in_dim3A_5 = arith.constant 1.000000e+00 : f32
    %broadcast_in_dim3A_6 = vector.broadcast %broadcast_in_dim3A_5 : f32 to vector<16xf32>
    %swap3A_7 = arith.constant 16 : index
    %swap3A_8 = tpu.vector_load %arg5[%swap3A_7] {strides = array<i32>} : memref<64xf32, #tpu.memory_space<vmem>>, vector<16xf32>,
    %swap3A_9 = vector.shape_cast %swap3A_8 : vector<16xf32> to vector<16xf32>
    %swap3A_10 = vector.shape_cast %broadcast_in_dim3A_6 : vector<16xf32> to vector<16xf32>
    tpu.vector_store %arg5[%swap3A_7], %swap3A_10 {strides = array<i32>} : memref<64xf32, #tpu.memory_space<vmem>>, vector<16xf32>,
    %broadcast_in_dim3A_11 = arith.constant 1.000000e+00 : f32
    %broadcast_in_dim3A_12 = vector.broadcast %broadcast_in_dim3A_11 : f32 to vector<16xf32>
    %swap3A_13 = arith.constant 32 : index
    %swap3A_14 = tpu.vector_load %arg5[%swap3A_13] {strides = array<i32>} : memref<64xf32, #tpu.memory_space<vmem>>, vector<16xf32>,
    %swap3A_15 = vector.shape_cast %swap3A_14 : vector<16xf32> to vector<16xf32>
    %swap3A_16 = vector.shape_cast %broadcast_in_dim3A_12 : vector<16xf32> to vector<16xf32>
    tpu.vector_store %arg5[%swap3A_13], %swap3A_16 {strides = array<i32>} : memref<64xf32, #tpu.memory_space<vmem>>, vector<16xf32>,
    %broadcast_in_dim3A_17 = arith.constant 1.000000e+00 : f32
    %broadcast_in_dim3A_18 = vector.broadcast %broadcast_in_dim3A_17 : f32 to vector<16xf32>
    %swap3A_19 = arith.constant 48 : index
    %swap3A_20 = tpu.vector_load %arg5[%swap3A_19] {strides = array<i32>} : memref<64xf32, #tpu.memory_space<vmem>>, vector<16xf32>,
    %swap3A_21 = vector.shape_cast %swap3A_20 : vector<16xf32> to vector<16xf32>
    %swap3A_22 = vector.shape_cast %broadcast_in_dim3A_18 : vector<16xf32> to vector<16xf32>
    tpu.vector_store %arg5[%swap3A_19], %swap3A_22 {strides = array<i32>} : memref<64xf32, #tpu.memory_space<vmem>>, vector<16xf32>,
    %broadcast_in_dim3A_23 = arith.constant 0.000000e+00 : f32
    %broadcast_in_dim3A_24 = vector.broadcast %broadcast_in_dim3A_23 : f32 to vector<16xf32>
    %swap3A_25 = arith.constant 0 : index
    %swap3A_26 = tpu.vector_load %arg6[%swap3A_25] {strides = array<i32>} : memref<640xf32, #tpu.memory_space<vmem>>, vector<16xf32>,
    %swap3A_27 = vector.shape_cast %swap3A_26 : vector<16xf32> to vector<16xf32>
    %swap3A_28 = vector.shape_cast %broadcast_in_dim3A_24 : vector<16xf32> to vector<16xf32>
    tpu.vector_store %arg6[%swap3A_25], %swap3A_28 {strides = array<i32>} : memref<640xf32, #tpu.memory_space<vmem>>, vector<16xf32>,
    %broadcast_in_dim3A_29 = arith.constant 0.000000e+00 : f32
    %broadcast_in_dim3A_30 = vector.broadcast %broadcast_in_dim3A_29 : f32 to vector<16xf32>
    %swap3A_31 = arith.constant 16 : index
    %swap3A_32 = tpu.vector_load %arg6[%swap3A_31] {strides = array<i32>} : memref<640xf32, #tpu.memory_space<vmem>>, vector<16xf32>,
    %swap3A_33 = vector.shape_cast %swap3A_32 : vector<16xf32> to vector<16xf32>
    %swap3A_34 = vector.shape_cast %broadcast_in_dim3A_30 : vector<16xf32> to vector<16xf32>
    tpu.vector_store %arg6[%swap3A_31], %swap3A_34 {strides = array<i32>} : memref<640xf32, #tpu.memory_space<vmem>>, vector<16xf32>,
    %broadcast_in_dim3A_35 = arith.constant 0.000000e+00 : f32
    %broadcast_in_dim3A_36 = vector.broadcast %broadcast_in_dim3A_35 : f32 to vector<16xf32>
    %swap3A_37 = arith.constant 32 : index
    %swap3A_38 = tpu.vector_load %arg6[%swap3A_37] {strides = array<i32>} : memref<640xf32, #tpu.memory_space<vmem>>, vector<16xf32>,
    %swap3A_39 = vector.shape_cast %swap3A_38 : vector<16xf32> to vector<16xf32>
    %swap3A_40 = vector.shape_cast %broadcast_in_dim3A_36 : vector<16xf32> to vector<16xf32>
    tpu.vector_store %arg6[%swap3A_37], %swap3A_40 {strides = array<i32>} : memref<640xf32, #tpu.memory_space<vmem>>, vector<16xf32>,
    %broadcast_in_dim3A_41 = arith.constant 0.000000e+00 : f32
    %broadcast_in_dim3A_42 = vector.broadcast %broadcast_in_dim3A_41 : f32 to vector<16xf32>
    %swap3A_43 = arith.constant 48 : index
    %swap3A_44 = tpu.vector_load %arg6[%swap3A_43] {strides = array<i32>} : memref<640xf32, #tpu.memory_space<vmem>>, vector<16xf32>,
    %swap3A_45 = vector.shape_cast %swap3A_44 : vector<16xf32> to vector<16xf32>
    %swap3A_46 = vector.shape_cast %broadcast_in_dim3A_42 : vector<16xf32> to vector<16xf32>
    tpu.vector_store %arg6[%swap3A_43], %swap3A_46 {strides = array<i32>} : memref<640xf32, #tpu.memory_space<vmem>>, vector<16xf32>,
    %broadcast_in_dim3A_47 = arith.constant 0.000000e+00 : f32
    %broadcast_in_dim3A_48 = vector.broadcast %broadcast_in_dim3A_47 : f32 to vector<16xf32>
    %swap3A_49 = arith.constant 64 : index
    %swap3A_50 = tpu.vector_load %arg6[%swap3A_49] {strides = array<i32>} : memref<640xf32, #tpu.memory_space<vmem>>, vector<16xf32>,
    %swap3A_51 = vector.shape_cast %swap3A_50 : vector<16xf32> to vector<16xf32>
    %swap3A_52 = vector.shape_cast %broadcast_in_dim3A_48 : vector<16xf32> to vector<16xf32>
    tpu.vector_store %arg6[%swap3A_49], %swap3A_52 {strides = array<i32>} : memref<640xf32, #tpu.memory_space<vmem>>, vector<16xf32>,
    %broadcast_in_dim3A_53 = arith.constant 0.000000e+00 : f32
    %broadcast_in_dim3A_54 = vector.broadcast %broadcast_in_dim3A_53 : f32 to vector<16xf32>
    %swap3A_55 = arith.constant 80 : index
    %swap3A_56 = tpu.vector_load %arg6[%swap3A_55] {strides = array<i32>} : memref<640xf32, #tpu.memory_space<vmem>>, vector<16xf32>,
    %swap3A_57 = vector.shape_cast %swap3A_56 : vector<16xf32> to vector<16xf32>
    %swap3A_58 = vector.shape_cast %broadcast_in_dim3A_54 : vector<16xf32> to vector<16xf32>
    tpu.vector_store %arg6[%swap3A_55], %swap3A_58 {strides = array<i32>} : memref<640xf32, #tpu.memory_space<vmem>>, vector<16xf32>,
    %broadcast_in_dim3A_59 = arith.constant 0.000000e+00 : f32
    %broadcast_in_dim3A_60 = vector.broadcast %broadcast_in_dim3A_59 : f32 to vector<16xf32>
    %swap3A_61 = arith.constant 96 : index
    %swap3A_62 = tpu.vector_load %arg6[%swap3A_61] {strides = array<i32>} : memref<640xf32, #tpu.memory_space<vmem>>, vector<16xf32>,
    %swap3A_63 = vector.shape_cast %swap3A_62 : vector<16xf32> to vector<16xf32>
    %swap3A_64 = vector.shape_cast %broadcast_in_dim3A_60 : vector<16xf32> to vector<16xf32>
    tpu.vector_store %arg6[%swap3A_61], %swap3A_64 {strides = array<i32>} : memref<640xf32, #tpu.memory_space<vmem>>, vector<16xf32>,
    %broadcast_in_dim3A_65 = arith.constant 0.000000e+00 : f32
    %broadcast_in_dim3A_66 = vector.broadcast %broadcast_in_dim3A_65 : f32 to vector<16xf32>
    %swap3A_67 = arith.constant 112 : index
    %swap3A_68 = tpu.vector_load %arg6[%swap3A_67] {strides = array<i32>} : memref<640xf32, #tpu.memory_space<vmem>>, vector<16xf32>,
    %swap3A_69 = vector.shape_cast %swap3A_68 : vector<16xf32> to vector<16xf32>
    %swap3A_70 = vector.shape_cast %broadcast_in_dim3A_66 : vector<16xf32> to vector<16xf32>
    tpu.vector_store %arg6[%swap3A_67], %swap3A_70 {strides = array<i32>} : memref<640xf32, #tpu.memory_space<vmem>>, vector<16xf32>,
    %broadcast_in_dim3A_71 = arith.constant 0.000000e+00 : f32
    %broadcast_in_dim3A_72 = vector.broadcast %broadcast_in_dim3A_71 : f32 to vector<16xf32>
    %swap3A_73 = arith.constant 128 : index
    %swap3A_74 = tpu.vector_load %arg6[%swap3A_73] {strides = array<i32>} : memref<640xf32, #tpu.memory_space<vmem>>, vector<16xf32>,
    %swap3A_75 = vector.shape_cast %swap3A_74 : vector<16xf32> to vector<16xf32>
    %swap3A_76 = vector.shape_cast %broadcast_in_dim3A_72 : vector<16xf32> to vector<16xf32>
    tpu.vector_store %arg6[%swap3A_73], %swap3A_76 {strides = array<i32>} : memref<640xf32, #tpu.memory_space<vmem>>, vector<16xf32>,
    %broadcast_in_dim3A_77 = arith.constant 0.000000e+00 : f32
    %broadcast_in_dim3A_78 = vector.broadcast %broadcast_in_dim3A_77 : f32 to vector<16xf32>
    %swap3A_79 = arith.constant 144 : index
    %swap3A_80 = tpu.vector_load %arg6[%swap3A_79] {strides = array<i32>} : memref<640xf32, #tpu.memory_space<vmem>>, vector<16xf32>,
    %swap3A_81 = vector.shape_cast %swap3A_80 : vector<16xf32> to vector<16xf32>
    %swap3A_82 = vector.shape_cast %broadcast_in_dim3A_78 : vector<16xf32> to vector<16xf32>
    tpu.vector_store %arg6[%swap3A_79], %swap3A_82 {strides = array<i32>} : memref<640xf32, #tpu.memory_space<vmem>>, vector<16xf32>,
    %broadcast_in_dim3A_83 = arith.constant 0.000000e+00 : f32
    %broadcast_in_dim3A_84 = vector.broadcast %broadcast_in_dim3A_83 : f32 to vector<16xf32>
    %swap3A_85 = arith.constant 160 : index
    %swap3A_86 = tpu.vector_load %arg6[%swap3A_85] {strides = array<i32>} : memref<640xf32, #tpu.memory_space<vmem>>, vector<16xf32>,
    %swap3A_87 = vector.shape_cast %swap3A_86 : vector<16xf32> to vector<16xf32>
    %swap3A_88 = vector.shape_cast %broadcast_in_dim3A_84 : vector<16xf32> to vector<16xf32>
    tpu.vector_store %arg6[%swap3A_85], %swap3A_88 {strides = array<i32>} : memref<640xf32, #tpu.memory_space<vmem>>, vector<16xf32>,
    %broadcast_in_dim3A_89 = arith.constant 0.000000e+00 : f32
    %broadcast_in_dim3A_90 = vector.broadcast %broadcast_in_dim3A_89 : f32 to vector<16xf32>
    %swap3A_91 = arith.constant 176 : index
    %swap3A_92 = tpu.vector_load %arg6[%swap3A_91] {strides = array<i32>} : memref<640xf32, #tpu.memory_space<vmem>>, vector<16xf32>,
    %swap3A_93 = vector.shape_cast %swap3A_92 : vector<16xf32> to vector<16xf32>
    %swap3A_94 = vector.shape_cast %broadcast_in_dim3A_90 : vector<16xf32> to vector<16xf32>
    tpu.vector_store %arg6[%swap3A_91], %swap3A_94 {strides = array<i32>} : memref<640xf32, #tpu.memory_space<vmem>>, vector<16xf32>,
    %broadcast_in_dim3A_95 = arith.constant 0.000000e+00 : f32
    %broadcast_in_dim3A_96 = vector.broadcast %broadcast_in_dim3A_95 : f32 to vector<16xf32>
    %swap3A_97 = arith.constant 192 : index
    %swap3A_98 = tpu.vector_load %arg6[%swap3A_97] {strides = array<i32>} : memref<640xf32, #tpu.memory_space<vmem>>, vector<16xf32>,
    %swap3A_99 = vector.shape_cast %swap3A_98 : vector<16xf32> to vector<16xf32>
    %swap3A_100 = vector.shape_cast %broadcast_in_dim3A_96 : vector<16xf32> to vector<16xf32>
    tpu.vector_store %arg6[%swap3A_97], %swap3A_100 {strides = array<i32>} : memref<640xf32, #tpu.memory_space<vmem>>, vector<16xf32>,
    %broadcast_in_dim3A_101 = arith.constant 0.000000e+00 : f32
    %broadcast_in_dim3A_102 = vector.broadcast %broadcast_in_dim3A_101 : f32 to vector<16xf32>
    %swap3A_103 = arith.constant 208 : index
    %swap3A_104 = tpu.vector_load %arg6[%swap3A_103] {strides = array<i32>} : memref<640xf32, #tpu.memory_space<vmem>>, vector<16xf32>,
    %swap3A_105 = vector.shape_cast %swap3A_104 : vector<16xf32> to vector<16xf32>
    %swap3A_106 = vector.shape_cast %broadcast_in_dim3A_102 : vector<16xf32> to vector<16xf32>
    tpu.vector_store %arg6[%swap3A_103], %swap3A_106 {strides = array<i32>} : memref<640xf32, #tpu.memory_space<vmem>>, vector<16xf32>,
    %broadcast_in_dim3A_107 = arith.constant 0.000000e+00 : f32
    %broadcast_in_dim3A_108 = vector.broadcast %broadcast_in_dim3A_107 : f32 to vector<16xf32>
    %swap3A_109 = arith.constant 224 : index
    %swap3A_110 = tpu.vector_load %arg6[%swap3A_109] {strides = array<i32>} : memref<640xf32, #tpu.memory_space<vmem>>, vector<16xf32>,
    %swap3A_111 = vector.shape_cast %swap3A_110 : vector<16xf32> to vector<16xf32>
    %swap3A_112 = vector.shape_cast %broadcast_in_dim3A_108 : vector<16xf32> to vector<16xf32>
    tpu.vector_store %arg6[%swap3A_109], %swap3A_112 {strides = array<i32>} : memref<640xf32, #tpu.memory_space<vmem>>, vector<16xf32>,
    %broadcast_in_dim3A_113 = arith.constant 0.000000e+00 : f32
    %broadcast_in_dim3A_114 = vector.broadcast %broadcast_in_dim3A_113 : f32 to vector<16xf32>
    %swap3A_115 = arith.constant 240 : index
    %swap3A_116 = tpu.vector_load %arg6[%swap3A_115] {strides = array<i32>} : memref<640xf32, #tpu.memory_space<vmem>>, vector<16xf32>,
    %swap3A_117 = vector.shape_cast %swap3A_116 : vector<16xf32> to vector<16xf32>
    %swap3A_118 = vector.shape_cast %broadcast_in_dim3A_114 : vector<16xf32> to vector<16xf32>
    tpu.vector_store %arg6[%swap3A_115], %swap3A_118 {strides = array<i32>} : memref<640xf32, #tpu.memory_space<vmem>>, vector<16xf32>,
    %broadcast_in_dim3A_119 = arith.constant 0.000000e+00 : f32
    %broadcast_in_dim3A_120 = vector.broadcast %broadcast_in_dim3A_119 : f32 to vector<16xf32>
    %swap3A_121 = arith.constant 256 : index
    %swap3A_122 = tpu.vector_load %arg6[%swap3A_121] {strides = array<i32>} : memref<640xf32, #tpu.memory_space<vmem>>, vector<16xf32>,
    %swap3A_123 = vector.shape_cast %swap3A_122 : vector<16xf32> to vector<16xf32>
    %swap3A_124 = vector.shape_cast %broadcast_in_dim3A_120 : vector<16xf32> to vector<16xf32>
    tpu.vector_store %arg6[%swap3A_121], %swap3A_124 {strides = array<i32>} : memref<640xf32, #tpu.memory_space<vmem>>, vector<16xf32>,
    %broadcast_in_dim3A_125 = arith.constant 0.000000e+00 : f32
    %broadcast_in_dim3A_126 = vector.broadcast %broadcast_in_dim3A_125 : f32 to vector<16xf32>
    %swap3A_127 = arith.constant 272 : index
    %swap3A_128 = tpu.vector_load %arg6[%swap3A_127] {strides = array<i32>} : memref<640xf32, #tpu.memory_space<vmem>>, vector<16xf32>,
    %swap3A_129 = vector.shape_cast %swap3A_128 : vector<16xf32> to vector<16xf32>
    %swap3A_130 = vector.shape_cast %broadcast_in_dim3A_126 : vector<16xf32> to vector<16xf32>
    tpu.vector_store %arg6[%swap3A_127], %swap3A_130 {strides = array<i32>} : memref<640xf32, #tpu.memory_space<vmem>>, vector<16xf32>,
    %broadcast_in_dim3A_131 = arith.constant 0.000000e+00 : f32
    %broadcast_in_dim3A_132 = vector.broadcast %broadcast_in_dim3A_131 : f32 to vector<16xf32>
    %swap3A_133 = arith.constant 288 : index
    %swap3A_134 = tpu.vector_load %arg6[%swap3A_133] {strides = array<i32>} : memref<640xf32, #tpu.memory_space<vmem>>, vector<16xf32>,
    %swap3A_135 = vector.shape_cast %swap3A_134 : vector<16xf32> to vector<16xf32>
    %swap3A_136 = vector.shape_cast %broadcast_in_dim3A_132 : vector<16xf32> to vector<16xf32>
    tpu.vector_store %arg6[%swap3A_133], %swap3A_136 {strides = array<i32>} : memref<640xf32, #tpu.memory_space<vmem>>, vector<16xf32>,
    %broadcast_in_dim3A_137 = arith.constant 0.000000e+00 : f32
    %broadcast_in_dim3A_138 = vector.broadcast %broadcast_in_dim3A_137 : f32 to vector<16xf32>
    %swap3A_139 = arith.constant 304 : index
    %swap3A_140 = tpu.vector_load %arg6[%swap3A_139] {strides = array<i32>} : memref<640xf32, #tpu.memory_space<vmem>>, vector<16xf32>,
    %swap3A_141 = vector.shape_cast %swap3A_140 : vector<16xf32> to vector<16xf32>
    %swap3A_142 = vector.shape_cast %broadcast_in_dim3A_138 : vector<16xf32> to vector<16xf32>
    tpu.vector_store %arg6[%swap3A_139], %swap3A_142 {strides = array<i32>} : memref<640xf32, #tpu.memory_space<vmem>>, vector<16xf32>,
    %broadcast_in_dim3A_143 = arith.constant 0.000000e+00 : f32
    %broadcast_in_dim3A_144 = vector.broadcast %broadcast_in_dim3A_143 : f32 to vector<16xf32>
    %swap3A_145 = arith.constant 320 : index
    %swap3A_146 = tpu.vector_load %arg6[%swap3A_145] {strides = array<i32>} : memref<640xf32, #tpu.memory_space<vmem>>, vector<16xf32>,
    %swap3A_147 = vector.shape_cast %swap3A_146 : vector<16xf32> to vector<16xf32>
    %swap3A_148 = vector.shape_cast %broadcast_in_dim3A_144 : vector<16xf32> to vector<16xf32>
    tpu.vector_store %arg6[%swap3A_145], %swap3A_148 {strides = array<i32>} : memref<640xf32, #tpu.memory_space<vmem>>, vector<16xf32>,
    %broadcast_in_dim3A_149 = arith.constant 0.000000e+00 : f32
    %broadcast_in_dim3A_150 = vector.broadcast %broadcast_in_dim3A_149 : f32 to vector<16xf32>
    %swap3A_151 = arith.constant 336 : index
    %swap3A_152 = tpu.vector_load %arg6[%swap3A_151] {strides = array<i32>} : memref<640xf32, #tpu.memory_space<vmem>>, vector<16xf32>,
    %swap3A_153 = vector.shape_cast %swap3A_152 : vector<16xf32> to vector<16xf32>
    %swap3A_154 = vector.shape_cast %broadcast_in_dim3A_150 : vector<16xf32> to vector<16xf32>
    tpu.vector_store %arg6[%swap3A_151], %swap3A_154 {strides = array<i32>} : memref<640xf32, #tpu.memory_space<vmem>>, vector<16xf32>,
    %broadcast_in_dim3A_155 = arith.constant 0.000000e+00 : f32
    %broadcast_in_dim3A_156 = vector.broadcast %broadcast_in_dim3A_155 : f32 to vector<16xf32>
    %swap3A_157 = arith.constant 352 : index
    %swap3A_158 = tpu.vector_load %arg6[%swap3A_157] {strides = array<i32>} : memref<640xf32, #tpu.memory_space<vmem>>, vector<16xf32>,
    %swap3A_159 = vector.shape_cast %swap3A_158 : vector<16xf32> to vector<16xf32>
    %swap3A_160 = vector.shape_cast %broadcast_in_dim3A_156 : vector<16xf32> to vector<16xf32>
    tpu.vector_store %arg6[%swap3A_157], %swap3A_160 {strides = array<i32>} : memref<640xf32, #tpu.memory_space<vmem>>, vector<16xf32>,
    %broadcast_in_dim3A_161 = arith.constant 0.000000e+00 : f32
    %broadcast_in_dim3A_162 = vector.broadcast %broadcast_in_dim3A_161 : f32 to vector<16xf32>
    %swap3A_163 = arith.constant 368 : index
    %swap3A_164 = tpu.vector_load %arg6[%swap3A_163] {strides = array<i32>} : memref<640xf32, #tpu.memory_space<vmem>>, vector<16xf32>,
    %swap3A_165 = vector.shape_cast %swap3A_164 : vector<16xf32> to vector<16xf32>
    %swap3A_166 = vector.shape_cast %broadcast_in_dim3A_162 : vector<16xf32> to vector<16xf32>
    tpu.vector_store %arg6[%swap3A_163], %swap3A_166 {strides = array<i32>} : memref<640xf32, #tpu.memory_space<vmem>>, vector<16xf32>,
    %broadcast_in_dim3A_167 = arith.constant 0.000000e+00 : f32
    %broadcast_in_dim3A_168 = vector.broadcast %broadcast_in_dim3A_167 : f32 to vector<16xf32>
    %swap3A_169 = arith.constant 384 : index
    %swap3A_170 = tpu.vector_load %arg6[%swap3A_169] {strides = array<i32>} : memref<640xf32, #tpu.memory_space<vmem>>, vector<16xf32>,
    %swap3A_171 = vector.shape_cast %swap3A_170 : vector<16xf32> to vector<16xf32>
    %swap3A_172 = vector.shape_cast %broadcast_in_dim3A_168 : vector<16xf32> to vector<16xf32>
    tpu.vector_store %arg6[%swap3A_169], %swap3A_172 {strides = array<i32>} : memref<640xf32, #tpu.memory_space<vmem>>, vector<16xf32>,
    %broadcast_in_dim3A_173 = arith.constant 0.000000e+00 : f32
    %broadcast_in_dim3A_174 = vector.broadcast %broadcast_in_dim3A_173 : f32 to vector<16xf32>
    %swap3A_175 = arith.constant 400 : index
    %swap3A_176 = tpu.vector_load %arg6[%swap3A_175] {strides = array<i32>} : memref<640xf32, #tpu.memory_space<vmem>>, vector<16xf32>,
    %swap3A_177 = vector.shape_cast %swap3A_176 : vector<16xf32> to vector<16xf32>
    %swap3A_178 = vector.shape_cast %broadcast_in_dim3A_174 : vector<16xf32> to vector<16xf32>
    tpu.vector_store %arg6[%swap3A_175], %swap3A_178 {strides = array<i32>} : memref<640xf32, #tpu.memory_space<vmem>>, vector<16xf32>,
    %broadcast_in_dim3A_179 = arith.constant 0.000000e+00 : f32
    %broadcast_in_dim3A_180 = vector.broadcast %broadcast_in_dim3A_179 : f32 to vector<16xf32>
    %swap3A_181 = arith.constant 416 : index
    %swap3A_182 = tpu.vector_load %arg6[%swap3A_181] {strides = array<i32>} : memref<640xf32, #tpu.memory_space<vmem>>, vector<16xf32>,
    %swap3A_183 = vector.shape_cast %swap3A_182 : vector<16xf32> to vector<16xf32>
    %swap3A_184 = vector.shape_cast %broadcast_in_dim3A_180 : vector<16xf32> to vector<16xf32>
    tpu.vector_store %arg6[%swap3A_181], %swap3A_184 {strides = array<i32>} : memref<640xf32, #tpu.memory_space<vmem>>, vector<16xf32>,
    %broadcast_in_dim3A_185 = arith.constant 0.000000e+00 : f32
    %broadcast_in_dim3A_186 = vector.broadcast %broadcast_in_dim3A_185 : f32 to vector<16xf32>
    %swap3A_187 = arith.constant 432 : index
    %swap3A_188 = tpu.vector_load %arg6[%swap3A_187] {strides = array<i32>} : memref<640xf32, #tpu.memory_space<vmem>>, vector<16xf32>,
    %swap3A_189 = vector.shape_cast %swap3A_188 : vector<16xf32> to vector<16xf32>
    %swap3A_190 = vector.shape_cast %broadcast_in_dim3A_186 : vector<16xf32> to vector<16xf32>
    tpu.vector_store %arg6[%swap3A_187], %swap3A_190 {strides = array<i32>} : memref<640xf32, #tpu.memory_space<vmem>>, vector<16xf32>,
    %broadcast_in_dim3A_191 = arith.constant 0.000000e+00 : f32
    %broadcast_in_dim3A_192 = vector.broadcast %broadcast_in_dim3A_191 : f32 to vector<16xf32>
    %swap3A_193 = arith.constant 448 : index
    %swap3A_194 = tpu.vector_load %arg6[%swap3A_193] {strides = array<i32>} : memref<640xf32, #tpu.memory_space<vmem>>, vector<16xf32>,
    %swap3A_195 = vector.shape_cast %swap3A_194 : vector<16xf32> to vector<16xf32>
    %swap3A_196 = vector.shape_cast %broadcast_in_dim3A_192 : vector<16xf32> to vector<16xf32>
    tpu.vector_store %arg6[%swap3A_193], %swap3A_196 {strides = array<i32>} : memref<640xf32, #tpu.memory_space<vmem>>, vector<16xf32>,
    %broadcast_in_dim3A_197 = arith.constant 0.000000e+00 : f32
    %broadcast_in_dim3A_198 = vector.broadcast %broadcast_in_dim3A_197 : f32 to vector<16xf32>
    %swap3A_199 = arith.constant 464 : index
    %swap3A_200 = tpu.vector_load %arg6[%swap3A_199] {strides = array<i32>} : memref<640xf32, #tpu.memory_space<vmem>>, vector<16xf32>,
    %swap3A_201 = vector.shape_cast %swap3A_200 : vector<16xf32> to vector<16xf32>
    %swap3A_202 = vector.shape_cast %broadcast_in_dim3A_198 : vector<16xf32> to vector<16xf32>
    tpu.vector_store %arg6[%swap3A_199], %swap3A_202 {strides = array<i32>} : memref<640xf32, #tpu.memory_space<vmem>>, vector<16xf32>,
    %broadcast_in_dim3A_203 = arith.constant 0.000000e+00 : f32
    %broadcast_in_dim3A_204 = vector.broadcast %broadcast_in_dim3A_203 : f32 to vector<16xf32>
    %swap3A_205 = arith.constant 480 : index
    %swap3A_206 = tpu.vector_load %arg6[%swap3A_205] {strides = array<i32>} : memref<640xf32, #tpu.memory_space<vmem>>, vector<16xf32>,
    %swap3A_207 = vector.shape_cast %swap3A_206 : vector<16xf32> to vector<16xf32>
    %swap3A_208 = vector.shape_cast %broadcast_in_dim3A_204 : vector<16xf32> to vector<16xf32>
    tpu.vector_store %arg6[%swap3A_205], %swap3A_208 {strides = array<i32>} : memref<640xf32, #tpu.memory_space<vmem>>, vector<16xf32>,
    %broadcast_in_dim3A_209 = arith.constant 0.000000e+00 : f32
    %broadcast_in_dim3A_210 = vector.broadcast %broadcast_in_dim3A_209 : f32 to vector<16xf32>
    %swap3A_211 = arith.constant 496 : index
    %swap3A_212 = tpu.vector_load %arg6[%swap3A_211] {strides = array<i32>} : memref<640xf32, #tpu.memory_space<vmem>>, vector<16xf32>,
    %swap3A_213 = vector.shape_cast %swap3A_212 : vector<16xf32> to vector<16xf32>
    %swap3A_214 = vector.shape_cast %broadcast_in_dim3A_210 : vector<16xf32> to vector<16xf32>
    tpu.vector_store %arg6[%swap3A_211], %swap3A_214 {strides = array<i32>} : memref<640xf32, #tpu.memory_space<vmem>>, vector<16xf32>,
    %broadcast_in_dim3A_215 = arith.constant 0.000000e+00 : f32
    %broadcast_in_dim3A_216 = vector.broadcast %broadcast_in_dim3A_215 : f32 to vector<16xf32>
    %swap3A_217 = arith.constant 512 : index
    %swap3A_218 = tpu.vector_load %arg6[%swap3A_217] {strides = array<i32>} : memref<640xf32, #tpu.memory_space<vmem>>, vector<16xf32>,
    %swap3A_219 = vector.shape_cast %swap3A_218 : vector<16xf32> to vector<16xf32>
    %swap3A_220 = vector.shape_cast %broadcast_in_dim3A_216 : vector<16xf32> to vector<16xf32>
    tpu.vector_store %arg6[%swap3A_217], %swap3A_220 {strides = array<i32>} : memref<640xf32, #tpu.memory_space<vmem>>, vector<16xf32>,
    %broadcast_in_dim3A_221 = arith.constant 0.000000e+00 : f32
    %broadcast_in_dim3A_222 = vector.broadcast %broadcast_in_dim3A_221 : f32 to vector<16xf32>
    %swap3A_223 = arith.constant 528 : index
    %swap3A_224 = tpu.vector_load %arg6[%swap3A_223] {strides = array<i32>} : memref<640xf32, #tpu.memory_space<vmem>>, vector<16xf32>,
    %swap3A_225 = vector.shape_cast %swap3A_224 : vector<16xf32> to vector<16xf32>
    %swap3A_226 = vector.shape_cast %broadcast_in_dim3A_222 : vector<16xf32> to vector<16xf32>
    tpu.vector_store %arg6[%swap3A_223], %swap3A_226 {strides = array<i32>} : memref<640xf32, #tpu.memory_space<vmem>>, vector<16xf32>,
    %broadcast_in_dim3A_227 = arith.constant 0.000000e+00 : f32
    %broadcast_in_dim3A_228 = vector.broadcast %broadcast_in_dim3A_227 : f32 to vector<16xf32>
    %swap3A_229 = arith.constant 544 : index
    %swap3A_230 = tpu.vector_load %arg6[%swap3A_229] {strides = array<i32>} : memref<640xf32, #tpu.memory_space<vmem>>, vector<16xf32>,
    %swap3A_231 = vector.shape_cast %swap3A_230 : vector<16xf32> to vector<16xf32>
    %swap3A_232 = vector.shape_cast %broadcast_in_dim3A_228 : vector<16xf32> to vector<16xf32>
    tpu.vector_store %arg6[%swap3A_229], %swap3A_232 {strides = array<i32>} : memref<640xf32, #tpu.memory_space<vmem>>, vector<16xf32>,
    %broadcast_in_dim3A_233 = arith.constant 0.000000e+00 : f32
    %broadcast_in_dim3A_234 = vector.broadcast %broadcast_in_dim3A_233 : f32 to vector<16xf32>
    %swap3A_235 = arith.constant 560 : index
    %swap3A_236 = tpu.vector_load %arg6[%swap3A_235] {strides = array<i32>} : memref<640xf32, #tpu.memory_space<vmem>>, vector<16xf32>,
    %swap3A_237 = vector.shape_cast %swap3A_236 : vector<16xf32> to vector<16xf32>
    %swap3A_238 = vector.shape_cast %broadcast_in_dim3A_234 : vector<16xf32> to vector<16xf32>
    tpu.vector_store %arg6[%swap3A_235], %swap3A_238 {strides = array<i32>} : memref<640xf32, #tpu.memory_space<vmem>>, vector<16xf32>,
    %broadcast_in_dim3A_239 = arith.constant 0.000000e+00 : f32
    %broadcast_in_dim3A_240 = vector.broadcast %broadcast_in_dim3A_239 : f32 to vector<16xf32>
    %swap3A_241 = arith.constant 576 : index
    %swap3A_242 = tpu.vector_load %arg6[%swap3A_241] {strides = array<i32>} : memref<640xf32, #tpu.memory_space<vmem>>, vector<16xf32>,
    %swap3A_243 = vector.shape_cast %swap3A_242 : vector<16xf32> to vector<16xf32>
    %swap3A_244 = vector.shape_cast %broadcast_in_dim3A_240 : vector<16xf32> to vector<16xf32>
    tpu.vector_store %arg6[%swap3A_241], %swap3A_244 {strides = array<i32>} : memref<640xf32, #tpu.memory_space<vmem>>, vector<16xf32>,
    %broadcast_in_dim3A_245 = arith.constant 0.000000e+00 : f32
    %broadcast_in_dim3A_246 = vector.broadcast %broadcast_in_dim3A_245 : f32 to vector<16xf32>
    %swap3A_247 = arith.constant 592 : index
    %swap3A_248 = tpu.vector_load %arg6[%swap3A_247] {strides = array<i32>} : memref<640xf32, #tpu.memory_space<vmem>>, vector<16xf32>,
    %swap3A_249 = vector.shape_cast %swap3A_248 : vector<16xf32> to vector<16xf32>
    %swap3A_250 = vector.shape_cast %broadcast_in_dim3A_246 : vector<16xf32> to vector<16xf32>
    tpu.vector_store %arg6[%swap3A_247], %swap3A_250 {strides = array<i32>} : memref<640xf32, #tpu.memory_space<vmem>>, vector<16xf32>,
    %broadcast_in_dim3A_251 = arith.constant 0.000000e+00 : f32
    %broadcast_in_dim3A_252 = vector.broadcast %broadcast_in_dim3A_251 : f32 to vector<16xf32>
    %swap3A_253 = arith.constant 608 : index
    %swap3A_254 = tpu.vector_load %arg6[%swap3A_253] {strides = array<i32>} : memref<640xf32, #tpu.memory_space<vmem>>, vector<16xf32>,
    %swap3A_255 = vector.shape_cast %swap3A_254 : vector<16xf32> to vector<16xf32>
    %swap3A_256 = vector.shape_cast %broadcast_in_dim3A_252 : vector<16xf32> to vector<16xf32>
    tpu.vector_store %arg6[%swap3A_253], %swap3A_256 {strides = array<i32>} : memref<640xf32, #tpu.memory_space<vmem>>, vector<16xf32>,
    %broadcast_in_dim3A_257 = arith.constant 0.000000e+00 : f32
    %broadcast_in_dim3A_258 = vector.broadcast %broadcast_in_dim3A_257 : f32 to vector<16xf32>
    %swap3A_259 = arith.constant 624 : index
    %swap3A_260 = tpu.vector_load %arg6[%swap3A_259] {strides = array<i32>} : memref<640xf32, #tpu.memory_space<vmem>>, vector<16xf32>,
    %swap3A_261 = vector.shape_cast %swap3A_260 : vector<16xf32> to vector<16xf32>
    %swap3A_262 = vector.shape_cast %broadcast_in_dim3A_258 : vector<16xf32> to vector<16xf32>
    tpu.vector_store %arg6[%swap3A_259], %swap3A_262 {strides = array<i32>} : memref<640xf32, #tpu.memory_space<vmem>>, vector<16xf32>,
    %mul3A_263 = arith.constant 640 : i32
    %mul3A_264 = arith.muli %arg1, %mul3A_263 : i32
    "tpu.region"() ({
      %run_scoped3A = tpu.sem_alloc : memref<!tpu.dma_semaphore, #tpu.memory_space<semaphore_mem>>
      %dma_start3A_287 = tpu.memref_slice %arg7[%mul3A_264] : memref<10240xf32, #tpu.memory_space<vmem_shared>> -> memref<640xf32, #tpu.memory_space<vmem_shared>>
      %dma_start3A_288 = tpu.memref_slice %arg7[%mul3A_264] : memref<10240xf32, #tpu.memory_space<vmem_shared>> -> memref<640xf32, #tpu.memory_space<vmem_shared>>
      tpu.enqueue_dma source(%arg6 : memref<640xf32, #tpu.memory_space<vmem>>) target(%dma_start3A_288 : memref<640xf32, #tpu.memory_space<vmem_shared>>) target_semaphore(%run_scoped3A : memref<!tpu.dma_semaphore, #tpu.memory_space<semaphore_mem>>)
      %dma_wait3A_289 = tpu.memref_slice %arg7[%mul3A_264] : memref<10240xf32, #tpu.memory_space<vmem_shared>> -> memref<640xf32, #tpu.memory_space<vmem_shared>>
      %dma_wait3A_290 = tpu.memref_slice %arg7[%mul3A_264] : memref<10240xf32, #tpu.memory_space<vmem_shared>> -> memref<640xf32, #tpu.memory_space<vmem_shared>>
      tpu.wait_dma2 semaphore(%run_scoped3A : memref<!tpu.dma_semaphore, #tpu.memory_space<semaphore_mem>>) src(%arg6 : memref<640xf32, #tpu.memory_space<vmem>>) dst(%dma_wait3A_290 : memref<640xf32, #tpu.memory_space<vmem_shared>>)
      tpu.yield
    }) : () -> ()
    %dma_start3A = arith.constant 0 : i32
    %dma_start3A_265 = arith.constant 0 : i32
    %dma_start3A_266 = tpu.memref_slice %arg2[%add3A, %dma_start3A, %dma_start3A_265] : memref<32x160x64xi32, #tpu.memory_space<hbm>> -> memref<1x160x64xi32, #tpu.memory_space<hbm>>
    %dma_start3A_267 = tpu.memref_squeeze %dma_start3A_266 : memref<1x160x64xi32, #tpu.memory_space<hbm>> -> memref<160x64xi32, #tpu.memory_space<hbm>>
    %dma_start3A_268 = arith.constant 0 : i32
    %dma_start3A_269 = arith.constant 0 : i32
    %dma_start3A_270 = tpu.memref_slice %arg2[%add3A, %dma_start3A_268, %dma_start3A_269] : memref<32x160x64xi32, #tpu.memory_space<hbm>> -> memref<1x160x64xi32, #tpu.memory_space<hbm>>
    %dma_start3A_271 = tpu.memref_squeeze %dma_start3A_270 : memref<1x160x64xi32, #tpu.memory_space<hbm>> -> memref<160x64xi32, #tpu.memory_space<hbm>>
    tpu.enqueue_dma source(%dma_start3A_271 : memref<160x64xi32, #tpu.memory_space<hbm>>) target(%arg4 : memref<160x64xi32, #tpu.memory_space<vmem>>) target_semaphore(%arg8 : memref<!tpu.dma_semaphore, #tpu.memory_space<semaphore_mem>>)
    %dma_wait3A = arith.constant 0 : i32
    %dma_wait3A_272 = arith.constant 0 : i32
    %dma_wait3A_273 = tpu.memref_slice %arg2[%add3A, %dma_wait3A, %dma_wait3A_272] : memref<32x160x64xi32, #tpu.memory_space<hbm>> -> memref<1x160x64xi32, #tpu.memory_space<hbm>>
    %dma_wait3A_274 = tpu.memref_squeeze %dma_wait3A_273 : memref<1x160x64xi32, #tpu.memory_space<hbm>> -> memref<160x64xi32, #tpu.memory_space<hbm>>
    %dma_wait3A_275 = arith.constant 0 : i32
    %dma_wait3A_276 = arith.constant 0 : i32
    %dma_wait3A_277 = tpu.memref_slice %arg2[%add3A, %dma_wait3A_275, %dma_wait3A_276] : memref<32x160x64xi32, #tpu.memory_space<hbm>> -> memref<1x160x64xi32, #tpu.memory_space<hbm>>
    %dma_wait3A_278 = tpu.memref_squeeze %dma_wait3A_277 : memref<1x160x64xi32, #tpu.memory_space<hbm>> -> memref<160x64xi32, #tpu.memory_space<hbm>>
    tpu.wait_dma2 semaphore(%arg8 : memref<!tpu.dma_semaphore, #tpu.memory_space<semaphore_mem>>) src(%dma_wait3A_278 : memref<160x64xi32, #tpu.memory_space<hbm>>) dst(%arg4 : memref<160x64xi32, #tpu.memory_space<vmem>>)
    %barrier3A = arith.constant 0 : index
    tpu.barrier barrier_id(%barrier3A)
    %scan3A = arith.constant 0 : i32
    %scan3A_279 = arith.constant 0 : i32
    %scan3A_280 = arith.constant 160 : i32
    %scan3A_281 = arith.addi %scan3A_279, %scan3A_280 : i32
    %scan3A_282 = arith.constant 1 : i32
    scf.for %scan3A_287 = %scan3A_279 to %scan3A_281 step %scan3A_282  : i32 {
      "tpu.region"() ({
        %run_scoped3A = tpu.sem_alloc : memref<!tpu.dma_semaphore, #tpu.memory_space<semaphore_mem>>
        %dma_start3A_288 = arith.constant 0 : i32
        %dma_start3A_289 = tpu.memref_slice %arg4[%scan3A_287, %dma_start3A_288] : memref<160x64xi32, #tpu.memory_space<vmem>> -> memref<1x64xi32, #tpu.memory_space<vmem>>
        %dma_start3A_290 = tpu.memref_squeeze %dma_start3A_289 : memref<1x64xi32, #tpu.memory_space<vmem>> -> memref<64xi32, #tpu.memory_space<vmem>>
        %dma_start3A_291 = arith.constant 0 : i32
        %dma_start3A_292 = tpu.memref_slice %arg7[%dma_start3A_291] : memref<10240xf32, #tpu.memory_space<vmem_shared>> -> memref<10240xf32, #tpu.memory_space<vmem_shared>>
        tpu.enqueue_indirect_dma source(%arg5 : memref<64xf32, #tpu.memory_space<vmem>>) target(%dma_start3A_292 : memref<10240xf32, #tpu.memory_space<vmem_shared>>) offsets(%dma_start3A_290 : memref<64xi32, #tpu.memory_space<vmem>>) semaphore(%run_scoped3A : memref<!tpu.dma_semaphore, #tpu.memory_space<semaphore_mem>>) {add = true}
        %dma_wait3A_293 = arith.constant 0 : i32
        %dma_wait3A_294 = tpu.memref_slice %arg4[%scan3A_287, %dma_wait3A_293] : memref<160x64xi32, #tpu.memory_space<vmem>> -> memref<1x64xi32, #tpu.memory_space<vmem>>
        %dma_wait3A_295 = tpu.memref_squeeze %dma_wait3A_294 : memref<1x64xi32, #tpu.memory_space<vmem>> -> memref<64xi32, #tpu.memory_space<vmem>>
        %dma_wait3A_296 = arith.constant 0 : i32
        %dma_wait3A_297 = tpu.memref_slice %arg7[%dma_wait3A_296] : memref<10240xf32, #tpu.memory_space<vmem_shared>> -> memref<10240xf32, #tpu.memory_space<vmem_shared>>
        tpu.wait_indirect_dma semaphore(%run_scoped3A : memref<!tpu.dma_semaphore, #tpu.memory_space<semaphore_mem>>) src(%arg5 : memref<64xf32, #tpu.memory_space<vmem>>) dst(%dma_wait3A_297 : memref<10240xf32, #tpu.memory_space<vmem_shared>>)
        tpu.yield
      }) : () -> ()
    }
    %scan3A_283 = arith.constant 160 : i32
    %barrier3A_284 = arith.constant 0 : index
    tpu.barrier barrier_id(%barrier3A_284)
    %mul3A_285 = arith.constant 640 : i32
    %mul3A_286 = arith.muli %arg1, %mul3A_285 : i32
    "tpu.region"() ({
      %run_scoped3A = tpu.sem_alloc : memref<!tpu.dma_semaphore, #tpu.memory_space<semaphore_mem>>
      %dma_start3A_287 = arith.constant 0 : i32
      %dma_start3A_288 = tpu.memref_slice %arg3[%arg0, %dma_start3A_287] : memref<2x10240xf32, #tpu.memory_space<hbm>> -> memref<1x10240xf32, #tpu.memory_space<hbm>>
      %dma_start3A_289 = tpu.memref_squeeze %dma_start3A_288 : memref<1x10240xf32, #tpu.memory_space<hbm>> -> memref<10240xf32, #tpu.memory_space<hbm>>
      %dma_start3A_290 = tpu.memref_slice %dma_start3A_289[%mul3A_286] : memref<10240xf32, #tpu.memory_space<hbm>> -> memref<640xf32, #tpu.memory_space<hbm>>
      %dma_start3A_291 = tpu.memref_slice %arg7[%mul3A_286] : memref<10240xf32, #tpu.memory_space<vmem_shared>> -> memref<640xf32, #tpu.memory_space<vmem_shared>>
      tpu.enqueue_dma source(%dma_start3A_291 : memref<640xf32, #tpu.memory_space<vmem_shared>>) target(%dma_start3A_290 : memref<640xf32, #tpu.memory_space<hbm>>) target_semaphore(%run_scoped3A : memref<!tpu.dma_semaphore, #tpu.memory_space<semaphore_mem>>)
      %dma_wait3A_292 = arith.constant 0 : i32
      %dma_wait3A_293 = tpu.memref_slice %arg3[%arg0, %dma_wait3A_292] : memref<2x10240xf32, #tpu.memory_space<hbm>> -> memref<1x10240xf32, #tpu.memory_space<hbm>>
      %dma_wait3A_294 = tpu.memref_squeeze %dma_wait3A_293 : memref<1x10240xf32, #tpu.memory_space<hbm>> -> memref<10240xf32, #tpu.memory_space<hbm>>
      %dma_wait3A_295 = tpu.memref_slice %dma_wait3A_294[%mul3A_286] : memref<10240xf32, #tpu.memory_space<hbm>> -> memref<640xf32, #tpu.memory_space<hbm>>
      %dma_wait3A_296 = tpu.memref_slice %arg7[%mul3A_286] : memref<10240xf32, #tpu.memory_space<vmem_shared>> -> memref<640xf32, #tpu.memory_space<vmem_shared>>
      tpu.wait_dma2 semaphore(%run_scoped3A : memref<!tpu.dma_semaphore, #tpu.memory_space<semaphore_mem>>) src(%dma_wait3A_296 : memref<640xf32, #tpu.memory_space<vmem_shared>>) dst(%dma_wait3A_295 : memref<640xf32, #tpu.memory_space<hbm>>)
      tpu.yield
    }) : () -> ()
    return
  }
}

#map = affine_map<(d0, d1) -> (0, 0, 0)>
module attributes {stable_mosaic.version = 14 : i64} {
  func.func @_agg_body(%arg0: i32, %arg1: i32, %arg2: memref<2x10240x128xf32, #tpu.memory_space<hbm>>, %arg3: memref<16x320x64xi32, #tpu.memory_space<hbm>>, %arg4: memref<16x320x64xi32, #tpu.memory_space<hbm>>, %arg5: memref<2x10240x128xf32, #tpu.memory_space<hbm>>, %arg6: memref<2x16x64xi32, #tpu.memory_space<vmem>>, %arg7: memref<2x16x64xi32, #tpu.memory_space<vmem>>, %arg8: memref<4x64x128xf32, #tpu.memory_space<vmem>>, %arg9: memref<10240x128xf32, #tpu.memory_space<vmem_shared>>, %arg10: memref<!tpu.dma_semaphore, #tpu.memory_space<semaphore_mem>>, %arg11: memref<!tpu.dma_semaphore, #tpu.memory_space<semaphore_mem>>, %arg12: memref<!tpu.dma_semaphore, #tpu.memory_space<semaphore_mem>>) attributes {dimension_semantics = [#tpu.dimension_semantics<core_parallel>, #tpu.dimension_semantics<subcore_parallel>], iteration_bounds = array<i64: 2, 16>, scalar_prefetch = 0 : i64, scratch_operands = 7 : i64, tpu.core_type = #tpu.core_type<sc_vector_subcore>, window_params = [{transform_indices = #map}, {transform_indices = #map}, {transform_indices = #map}, {transform_indices = #map}]} {
    %mul3A = arith.constant 640 : i32
    %mul3A_0 = arith.muli %arg1, %mul3A : i32
    "tpu.region"() ({
      %run_scoped3A = tpu.sem_alloc : memref<!tpu.dma_semaphore, #tpu.memory_space<semaphore_mem>>
      %dma_start3A_191 = arith.constant 0 : i32
      %dma_start3A_192 = tpu.memref_slice %arg9[%mul3A_0, %dma_start3A_191] : memref<10240x128xf32, #tpu.memory_space<vmem_shared>> -> memref<640x128xf32, #tpu.memory_space<vmem_shared>>
      %dma_start3A_193 = arith.constant 0 : i32
      %dma_start3A_194 = arith.constant 0 : i32
      %dma_start3A_195 = tpu.memref_slice %arg2[%arg0, %dma_start3A_193, %dma_start3A_194] : memref<2x10240x128xf32, #tpu.memory_space<hbm>> -> memref<1x10240x128xf32, #tpu.memory_space<hbm>>
      %dma_start3A_196 = tpu.memref_squeeze %dma_start3A_195 : memref<1x10240x128xf32, #tpu.memory_space<hbm>> -> memref<10240x128xf32, #tpu.memory_space<hbm>>
      %dma_start3A_197 = arith.constant 0 : i32
      %dma_start3A_198 = tpu.memref_slice %dma_start3A_196[%mul3A_0, %dma_start3A_197] : memref<10240x128xf32, #tpu.memory_space<hbm>> -> memref<640x128xf32, #tpu.memory_space<hbm>>
      tpu.enqueue_dma source(%dma_start3A_198 : memref<640x128xf32, #tpu.memory_space<hbm>>) target(%dma_start3A_192 : memref<640x128xf32, #tpu.memory_space<vmem_shared>>) target_semaphore(%run_scoped3A : memref<!tpu.dma_semaphore, #tpu.memory_space<semaphore_mem>>)
      %dma_wait3A_199 = arith.constant 0 : i32
      %dma_wait3A_200 = tpu.memref_slice %arg9[%mul3A_0, %dma_wait3A_199] : memref<10240x128xf32, #tpu.memory_space<vmem_shared>> -> memref<640x128xf32, #tpu.memory_space<vmem_shared>>
      %dma_wait3A_201 = arith.constant 0 : i32
      %dma_wait3A_202 = arith.constant 0 : i32
      %dma_wait3A_203 = tpu.memref_slice %arg2[%arg0, %dma_wait3A_201, %dma_wait3A_202] : memref<2x10240x128xf32, #tpu.memory_space<hbm>> -> memref<1x10240x128xf32, #tpu.memory_space<hbm>>
      %dma_wait3A_204 = tpu.memref_squeeze %dma_wait3A_203 : memref<1x10240x128xf32, #tpu.memory_space<hbm>> -> memref<10240x128xf32, #tpu.memory_space<hbm>>
      %dma_wait3A_205 = arith.constant 0 : i32
      %dma_wait3A_206 = tpu.memref_slice %dma_wait3A_204[%mul3A_0, %dma_wait3A_205] : memref<10240x128xf32, #tpu.memory_space<hbm>> -> memref<640x128xf32, #tpu.memory_space<hbm>>
      tpu.wait_dma2 semaphore(%run_scoped3A : memref<!tpu.dma_semaphore, #tpu.memory_space<semaphore_mem>>) src(%dma_wait3A_206 : memref<640x128xf32, #tpu.memory_space<hbm>>) dst(%dma_wait3A_200 : memref<640x128xf32, #tpu.memory_space<vmem_shared>>)
      tpu.yield
    }) : () -> ()
    %dma_start3A = arith.constant 0 : i32
    %dma_start3A_1 = arith.constant 0 : i32
    %dma_start3A_2 = arith.constant 0 : i32
    %dma_start3A_3 = tpu.memref_slice %arg6[%dma_start3A, %dma_start3A_1, %dma_start3A_2] : memref<2x16x64xi32, #tpu.memory_space<vmem>> -> memref<1x16x64xi32, #tpu.memory_space<vmem>>
    %dma_start3A_4 = tpu.memref_squeeze %dma_start3A_3 : memref<1x16x64xi32, #tpu.memory_space<vmem>> -> memref<16x64xi32, #tpu.memory_space<vmem>>
    %dma_start3A_5 = arith.constant 0 : i32
    %dma_start3A_6 = arith.constant 0 : i32
    %dma_start3A_7 = tpu.memref_slice %arg3[%arg1, %dma_start3A_5, %dma_start3A_6] : memref<16x320x64xi32, #tpu.memory_space<hbm>> -> memref<1x320x64xi32, #tpu.memory_space<hbm>>
    %dma_start3A_8 = tpu.memref_squeeze %dma_start3A_7 : memref<1x320x64xi32, #tpu.memory_space<hbm>> -> memref<320x64xi32, #tpu.memory_space<hbm>>
    %dma_start3A_9 = arith.constant 0 : i32
    %dma_start3A_10 = arith.constant 0 : i32
    %dma_start3A_11 = tpu.memref_slice %dma_start3A_8[%dma_start3A_9, %dma_start3A_10] : memref<320x64xi32, #tpu.memory_space<hbm>> -> memref<16x64xi32, #tpu.memory_space<hbm>>
    %dma_start3A_12 = arith.constant 0 : i32
    %dma_start3A_13 = arith.constant 0 : i32
    %dma_start3A_14 = tpu.memref_slice %arg6[%dma_start3A, %dma_start3A_12, %dma_start3A_13] : memref<2x16x64xi32, #tpu.memory_space<vmem>> -> memref<1x16x64xi32, #tpu.memory_space<vmem>>
    %dma_start3A_15 = tpu.memref_squeeze %dma_start3A_14 : memref<1x16x64xi32, #tpu.memory_space<vmem>> -> memref<16x64xi32, #tpu.memory_space<vmem>>
    %dma_start3A_16 = arith.constant 0 : i32
    %dma_start3A_17 = arith.constant 0 : i32
    %dma_start3A_18 = tpu.memref_slice %arg3[%arg1, %dma_start3A_16, %dma_start3A_17] : memref<16x320x64xi32, #tpu.memory_space<hbm>> -> memref<1x320x64xi32, #tpu.memory_space<hbm>>
    %dma_start3A_19 = tpu.memref_squeeze %dma_start3A_18 : memref<1x320x64xi32, #tpu.memory_space<hbm>> -> memref<320x64xi32, #tpu.memory_space<hbm>>
    %dma_start3A_20 = arith.constant 0 : i32
    %dma_start3A_21 = arith.constant 0 : i32
    %dma_start3A_22 = tpu.memref_slice %dma_start3A_19[%dma_start3A_20, %dma_start3A_21] : memref<320x64xi32, #tpu.memory_space<hbm>> -> memref<16x64xi32, #tpu.memory_space<hbm>>
    tpu.enqueue_dma source(%dma_start3A_22 : memref<16x64xi32, #tpu.memory_space<hbm>>) target(%dma_start3A_15 : memref<16x64xi32, #tpu.memory_space<vmem>>) target_semaphore(%arg11 : memref<!tpu.dma_semaphore, #tpu.memory_space<semaphore_mem>>)
    %dma_start3A_23 = arith.constant 0 : i32
    %dma_start3A_24 = arith.constant 0 : i32
    %dma_start3A_25 = arith.constant 0 : i32
    %dma_start3A_26 = tpu.memref_slice %arg7[%dma_start3A_23, %dma_start3A_24, %dma_start3A_25] : memref<2x16x64xi32, #tpu.memory_space<vmem>> -> memref<1x16x64xi32, #tpu.memory_space<vmem>>
    %dma_start3A_27 = tpu.memref_squeeze %dma_start3A_26 : memref<1x16x64xi32, #tpu.memory_space<vmem>> -> memref<16x64xi32, #tpu.memory_space<vmem>>
    %dma_start3A_28 = arith.constant 0 : i32
    %dma_start3A_29 = arith.constant 0 : i32
    %dma_start3A_30 = tpu.memref_slice %arg4[%arg1, %dma_start3A_28, %dma_start3A_29] : memref<16x320x64xi32, #tpu.memory_space<hbm>> -> memref<1x320x64xi32, #tpu.memory_space<hbm>>
    %dma_start3A_31 = tpu.memref_squeeze %dma_start3A_30 : memref<1x320x64xi32, #tpu.memory_space<hbm>> -> memref<320x64xi32, #tpu.memory_space<hbm>>
    %dma_start3A_32 = arith.constant 0 : i32
    %dma_start3A_33 = arith.constant 0 : i32
    %dma_start3A_34 = tpu.memref_slice %dma_start3A_31[%dma_start3A_32, %dma_start3A_33] : memref<320x64xi32, #tpu.memory_space<hbm>> -> memref<16x64xi32, #tpu.memory_space<hbm>>
    %dma_start3A_35 = arith.constant 0 : i32
    %dma_start3A_36 = arith.constant 0 : i32
    %dma_start3A_37 = tpu.memref_slice %arg7[%dma_start3A_23, %dma_start3A_35, %dma_start3A_36] : memref<2x16x64xi32, #tpu.memory_space<vmem>> -> memref<1x16x64xi32, #tpu.memory_space<vmem>>
    %dma_start3A_38 = tpu.memref_squeeze %dma_start3A_37 : memref<1x16x64xi32, #tpu.memory_space<vmem>> -> memref<16x64xi32, #tpu.memory_space<vmem>>
    %dma_start3A_39 = arith.constant 0 : i32
    %dma_start3A_40 = arith.constant 0 : i32
    %dma_start3A_41 = tpu.memref_slice %arg4[%arg1, %dma_start3A_39, %dma_start3A_40] : memref<16x320x64xi32, #tpu.memory_space<hbm>> -> memref<1x320x64xi32, #tpu.memory_space<hbm>>
    %dma_start3A_42 = tpu.memref_squeeze %dma_start3A_41 : memref<1x320x64xi32, #tpu.memory_space<hbm>> -> memref<320x64xi32, #tpu.memory_space<hbm>>
    %dma_start3A_43 = arith.constant 0 : i32
    %dma_start3A_44 = arith.constant 0 : i32
    %dma_start3A_45 = tpu.memref_slice %dma_start3A_42[%dma_start3A_43, %dma_start3A_44] : memref<320x64xi32, #tpu.memory_space<hbm>> -> memref<16x64xi32, #tpu.memory_space<hbm>>
    tpu.enqueue_dma source(%dma_start3A_45 : memref<16x64xi32, #tpu.memory_space<hbm>>) target(%dma_start3A_38 : memref<16x64xi32, #tpu.memory_space<vmem>>) target_semaphore(%arg11 : memref<!tpu.dma_semaphore, #tpu.memory_space<semaphore_mem>>)
    %dma_wait3A = arith.constant 0 : i32
    %dma_wait3A_46 = arith.constant 0 : i32
    %dma_wait3A_47 = arith.constant 0 : i32
    %dma_wait3A_48 = tpu.memref_slice %arg6[%dma_wait3A, %dma_wait3A_46, %dma_wait3A_47] : memref<2x16x64xi32, #tpu.memory_space<vmem>> -> memref<1x16x64xi32, #tpu.memory_space<vmem>>
    %dma_wait3A_49 = tpu.memref_squeeze %dma_wait3A_48 : memref<1x16x64xi32, #tpu.memory_space<vmem>> -> memref<16x64xi32, #tpu.memory_space<vmem>>
    %dma_wait3A_50 = arith.constant 0 : i32
    %dma_wait3A_51 = arith.constant 0 : i32
    %dma_wait3A_52 = tpu.memref_slice %arg3[%arg1, %dma_wait3A_50, %dma_wait3A_51] : memref<16x320x64xi32, #tpu.memory_space<hbm>> -> memref<1x320x64xi32, #tpu.memory_space<hbm>>
    %dma_wait3A_53 = tpu.memref_squeeze %dma_wait3A_52 : memref<1x320x64xi32, #tpu.memory_space<hbm>> -> memref<320x64xi32, #tpu.memory_space<hbm>>
    %dma_wait3A_54 = arith.constant 0 : i32
    %dma_wait3A_55 = arith.constant 0 : i32
    %dma_wait3A_56 = tpu.memref_slice %dma_wait3A_53[%dma_wait3A_54, %dma_wait3A_55] : memref<320x64xi32, #tpu.memory_space<hbm>> -> memref<16x64xi32, #tpu.memory_space<hbm>>
    %dma_wait3A_57 = arith.constant 0 : i32
    %dma_wait3A_58 = arith.constant 0 : i32
    %dma_wait3A_59 = tpu.memref_slice %arg6[%dma_wait3A, %dma_wait3A_57, %dma_wait3A_58] : memref<2x16x64xi32, #tpu.memory_space<vmem>> -> memref<1x16x64xi32, #tpu.memory_space<vmem>>
    %dma_wait3A_60 = tpu.memref_squeeze %dma_wait3A_59 : memref<1x16x64xi32, #tpu.memory_space<vmem>> -> memref<16x64xi32, #tpu.memory_space<vmem>>
    %dma_wait3A_61 = arith.constant 0 : i32
    %dma_wait3A_62 = arith.constant 0 : i32
    %dma_wait3A_63 = tpu.memref_slice %arg3[%arg1, %dma_wait3A_61, %dma_wait3A_62] : memref<16x320x64xi32, #tpu.memory_space<hbm>> -> memref<1x320x64xi32, #tpu.memory_space<hbm>>
    %dma_wait3A_64 = tpu.memref_squeeze %dma_wait3A_63 : memref<1x320x64xi32, #tpu.memory_space<hbm>> -> memref<320x64xi32, #tpu.memory_space<hbm>>
    %dma_wait3A_65 = arith.constant 0 : i32
    %dma_wait3A_66 = arith.constant 0 : i32
    %dma_wait3A_67 = tpu.memref_slice %dma_wait3A_64[%dma_wait3A_65, %dma_wait3A_66] : memref<320x64xi32, #tpu.memory_space<hbm>> -> memref<16x64xi32, #tpu.memory_space<hbm>>
    tpu.wait_dma2 semaphore(%arg11 : memref<!tpu.dma_semaphore, #tpu.memory_space<semaphore_mem>>) src(%dma_wait3A_67 : memref<16x64xi32, #tpu.memory_space<hbm>>) dst(%dma_wait3A_60 : memref<16x64xi32, #tpu.memory_space<vmem>>)
    %dma_wait3A_68 = arith.constant 0 : i32
    %dma_wait3A_69 = arith.constant 0 : i32
    %dma_wait3A_70 = arith.constant 0 : i32
    %dma_wait3A_71 = tpu.memref_slice %arg7[%dma_wait3A_68, %dma_wait3A_69, %dma_wait3A_70] : memref<2x16x64xi32, #tpu.memory_space<vmem>> -> memref<1x16x64xi32, #tpu.memory_space<vmem>>
    %dma_wait3A_72 = tpu.memref_squeeze %dma_wait3A_71 : memref<1x16x64xi32, #tpu.memory_space<vmem>> -> memref<16x64xi32, #tpu.memory_space<vmem>>
    %dma_wait3A_73 = arith.constant 0 : i32
    %dma_wait3A_74 = arith.constant 0 : i32
    %dma_wait3A_75 = tpu.memref_slice %arg4[%arg1, %dma_wait3A_73, %dma_wait3A_74] : memref<16x320x64xi32, #tpu.memory_space<hbm>> -> memref<1x320x64xi32, #tpu.memory_space<hbm>>
    %dma_wait3A_76 = tpu.memref_squeeze %dma_wait3A_75 : memref<1x320x64xi32, #tpu.memory_space<hbm>> -> memref<320x64xi32, #tpu.memory_space<hbm>>
    %dma_wait3A_77 = arith.constant 0 : i32
    %dma_wait3A_78 = arith.constant 0 : i32
    %dma_wait3A_79 = tpu.memref_slice %dma_wait3A_76[%dma_wait3A_77, %dma_wait3A_78] : memref<320x64xi32, #tpu.memory_space<hbm>> -> memref<16x64xi32, #tpu.memory_space<hbm>>
    %dma_wait3A_80 = arith.constant 0 : i32
    %dma_wait3A_81 = arith.constant 0 : i32
    %dma_wait3A_82 = tpu.memref_slice %arg7[%dma_wait3A_68, %dma_wait3A_80, %dma_wait3A_81] : memref<2x16x64xi32, #tpu.memory_space<vmem>> -> memref<1x16x64xi32, #tpu.memory_space<vmem>>
    %dma_wait3A_83 = tpu.memref_squeeze %dma_wait3A_82 : memref<1x16x64xi32, #tpu.memory_space<vmem>> -> memref<16x64xi32, #tpu.memory_space<vmem>>
    %dma_wait3A_84 = arith.constant 0 : i32
    %dma_wait3A_85 = arith.constant 0 : i32
    %dma_wait3A_86 = tpu.memref_slice %arg4[%arg1, %dma_wait3A_84, %dma_wait3A_85] : memref<16x320x64xi32, #tpu.memory_space<hbm>> -> memref<1x320x64xi32, #tpu.memory_space<hbm>>
    %dma_wait3A_87 = tpu.memref_squeeze %dma_wait3A_86 : memref<1x320x64xi32, #tpu.memory_space<hbm>> -> memref<320x64xi32, #tpu.memory_space<hbm>>
    %dma_wait3A_88 = arith.constant 0 : i32
    %dma_wait3A_89 = arith.constant 0 : i32
    %dma_wait3A_90 = tpu.memref_slice %dma_wait3A_87[%dma_wait3A_88, %dma_wait3A_89] : memref<320x64xi32, #tpu.memory_space<hbm>> -> memref<16x64xi32, #tpu.memory_space<hbm>>
    tpu.wait_dma2 semaphore(%arg11 : memref<!tpu.dma_semaphore, #tpu.memory_space<semaphore_mem>>) src(%dma_wait3A_90 : memref<16x64xi32, #tpu.memory_space<hbm>>) dst(%dma_wait3A_83 : memref<16x64xi32, #tpu.memory_space<vmem>>)
    %barrier3A = arith.constant 0 : index
    tpu.barrier barrier_id(%barrier3A)
    %div3A = arith.constant 0 : i32
    %div3A_91 = arith.constant 16 : i32
    %div3A_92 = arith.divsi %div3A, %div3A_91 : i32
    %rem3A = arith.constant 2 : i32
    %rem3A_93 = arith.remsi %div3A_92, %rem3A : i32
    %rem3A_94 = arith.constant 0 : i32
    %rem3A_95 = arith.constant 16 : i32
    %rem3A_96 = arith.remsi %rem3A_94, %rem3A_95 : i32
    %rem3A_97 = arith.constant 0 : i32
    %rem3A_98 = arith.constant 4 : i32
    %rem3A_99 = arith.remsi %rem3A_97, %rem3A_98 : i32
    %dma_start3A_100 = arith.constant 0 : i32
    %dma_start3A_101 = arith.constant 0 : i32
    %dma_start3A_102 = tpu.memref_slice %arg8[%rem3A_99, %dma_start3A_100, %dma_start3A_101] : memref<4x64x128xf32, #tpu.memory_space<vmem>> -> memref<1x64x128xf32, #tpu.memory_space<vmem>>
    %dma_start3A_103 = tpu.memref_squeeze %dma_start3A_102 : memref<1x64x128xf32, #tpu.memory_space<vmem>> -> memref<64x128xf32, #tpu.memory_space<vmem>>
    %dma_start3A_104 = arith.constant 0 : i32
    %dma_start3A_105 = tpu.memref_slice %arg6[%rem3A_93, %rem3A_96, %dma_start3A_104] : memref<2x16x64xi32, #tpu.memory_space<vmem>> -> memref<1x1x64xi32, #tpu.memory_space<vmem>>
    %dma_start3A_106 = tpu.memref_squeeze %dma_start3A_105 : memref<1x1x64xi32, #tpu.memory_space<vmem>> -> memref<64xi32, #tpu.memory_space<vmem>>
    %dma_start3A_107 = arith.constant 0 : i32
    %dma_start3A_108 = arith.constant 0 : i32
    %dma_start3A_109 = tpu.memref_slice %arg2[%arg0, %dma_start3A_107, %dma_start3A_108] : memref<2x10240x128xf32, #tpu.memory_space<hbm>> -> memref<1x10240x128xf32, #tpu.memory_space<hbm>>
    %dma_start3A_110 = tpu.memref_squeeze %dma_start3A_109 : memref<1x10240x128xf32, #tpu.memory_space<hbm>> -> memref<10240x128xf32, #tpu.memory_space<hbm>>
    %dma_start3A_111 = arith.constant 0 : i32
    %dma_start3A_112 = arith.constant 0 : i32
    %dma_start3A_113 = tpu.memref_slice %dma_start3A_110[%dma_start3A_111, %dma_start3A_112] : memref<10240x128xf32, #tpu.memory_space<hbm>> -> memref<10240x128xf32, #tpu.memory_space<hbm>>
    tpu.enqueue_indirect_dma source(%dma_start3A_113 : memref<10240x128xf32, #tpu.memory_space<hbm>>) target(%dma_start3A_103 : memref<64x128xf32, #tpu.memory_space<vmem>>) offsets(%dma_start3A_106 : memref<64xi32, #tpu.memory_space<vmem>>) semaphore(%arg10 : memref<!tpu.dma_semaphore, #tpu.memory_space<semaphore_mem>>)
    %div3A_114 = arith.constant 1 : i32
    %div3A_115 = arith.constant 16 : i32
    %div3A_116 = arith.divsi %div3A_114, %div3A_115 : i32
    %rem3A_117 = arith.constant 2 : i32
    %rem3A_118 = arith.remsi %div3A_116, %rem3A_117 : i32
    %rem3A_119 = arith.constant 1 : i32
    %rem3A_120 = arith.constant 16 : i32
    %rem3A_121 = arith.remsi %rem3A_119, %rem3A_120 : i32
    %rem3A_122 = arith.constant 1 : i32
    %rem3A_123 = arith.constant 4 : i32
    %rem3A_124 = arith.remsi %rem3A_122, %rem3A_123 : i32
    %dma_start3A_125 = arith.constant 0 : i32
    %dma_start3A_126 = arith.constant 0 : i32
    %dma_start3A_127 = tpu.memref_slice %arg8[%rem3A_124, %dma_start3A_125, %dma_start3A_126] : memref<4x64x128xf32, #tpu.memory_space<vmem>> -> memref<1x64x128xf32, #tpu.memory_space<vmem>>
    %dma_start3A_128 = tpu.memref_squeeze %dma_start3A_127 : memref<1x64x128xf32, #tpu.memory_space<vmem>> -> memref<64x128xf32, #tpu.memory_space<vmem>>
    %dma_start3A_129 = arith.constant 0 : i32
    %dma_start3A_130 = tpu.memref_slice %arg6[%rem3A_118, %rem3A_121, %dma_start3A_129] : memref<2x16x64xi32, #tpu.memory_space<vmem>> -> memref<1x1x64xi32, #tpu.memory_space<vmem>>
    %dma_start3A_131 = tpu.memref_squeeze %dma_start3A_130 : memref<1x1x64xi32, #tpu.memory_space<vmem>> -> memref<64xi32, #tpu.memory_space<vmem>>
    %dma_start3A_132 = arith.constant 0 : i32
    %dma_start3A_133 = arith.constant 0 : i32
    %dma_start3A_134 = tpu.memref_slice %arg2[%arg0, %dma_start3A_132, %dma_start3A_133] : memref<2x10240x128xf32, #tpu.memory_space<hbm>> -> memref<1x10240x128xf32, #tpu.memory_space<hbm>>
    %dma_start3A_135 = tpu.memref_squeeze %dma_start3A_134 : memref<1x10240x128xf32, #tpu.memory_space<hbm>> -> memref<10240x128xf32, #tpu.memory_space<hbm>>
    %dma_start3A_136 = arith.constant 0 : i32
    %dma_start3A_137 = arith.constant 0 : i32
    %dma_start3A_138 = tpu.memref_slice %dma_start3A_135[%dma_start3A_136, %dma_start3A_137] : memref<10240x128xf32, #tpu.memory_space<hbm>> -> memref<10240x128xf32, #tpu.memory_space<hbm>>
    tpu.enqueue_indirect_dma source(%dma_start3A_138 : memref<10240x128xf32, #tpu.memory_space<hbm>>) target(%dma_start3A_128 : memref<64x128xf32, #tpu.memory_space<vmem>>) offsets(%dma_start3A_131 : memref<64xi32, #tpu.memory_space<vmem>>) semaphore(%arg10 : memref<!tpu.dma_semaphore, #tpu.memory_space<semaphore_mem>>)
    %div3A_139 = arith.constant 2 : i32
    %div3A_140 = arith.constant 16 : i32
    %div3A_141 = arith.divsi %div3A_139, %div3A_140 : i32
    %rem3A_142 = arith.constant 2 : i32
    %rem3A_143 = arith.remsi %div3A_141, %rem3A_142 : i32
    %rem3A_144 = arith.constant 2 : i32
    %rem3A_145 = arith.constant 16 : i32
    %rem3A_146 = arith.remsi %rem3A_144, %rem3A_145 : i32
    %rem3A_147 = arith.constant 2 : i32
    %rem3A_148 = arith.constant 4 : i32
    %rem3A_149 = arith.remsi %rem3A_147, %rem3A_148 : i32
    %dma_start3A_150 = arith.constant 0 : i32
    %dma_start3A_151 = arith.constant 0 : i32
    %dma_start3A_152 = tpu.memref_slice %arg8[%rem3A_149, %dma_start3A_150, %dma_start3A_151] : memref<4x64x128xf32, #tpu.memory_space<vmem>> -> memref<1x64x128xf32, #tpu.memory_space<vmem>>
    %dma_start3A_153 = tpu.memref_squeeze %dma_start3A_152 : memref<1x64x128xf32, #tpu.memory_space<vmem>> -> memref<64x128xf32, #tpu.memory_space<vmem>>
    %dma_start3A_154 = arith.constant 0 : i32
    %dma_start3A_155 = tpu.memref_slice %arg6[%rem3A_143, %rem3A_146, %dma_start3A_154] : memref<2x16x64xi32, #tpu.memory_space<vmem>> -> memref<1x1x64xi32, #tpu.memory_space<vmem>>
    %dma_start3A_156 = tpu.memref_squeeze %dma_start3A_155 : memref<1x1x64xi32, #tpu.memory_space<vmem>> -> memref<64xi32, #tpu.memory_space<vmem>>
    %dma_start3A_157 = arith.constant 0 : i32
    %dma_start3A_158 = arith.constant 0 : i32
    %dma_start3A_159 = tpu.memref_slice %arg2[%arg0, %dma_start3A_157, %dma_start3A_158] : memref<2x10240x128xf32, #tpu.memory_space<hbm>> -> memref<1x10240x128xf32, #tpu.memory_space<hbm>>
    %dma_start3A_160 = tpu.memref_squeeze %dma_start3A_159 : memref<1x10240x128xf32, #tpu.memory_space<hbm>> -> memref<10240x128xf32, #tpu.memory_space<hbm>>
    %dma_start3A_161 = arith.constant 0 : i32
    %dma_start3A_162 = arith.constant 0 : i32
    %dma_start3A_163 = tpu.memref_slice %dma_start3A_160[%dma_start3A_161, %dma_start3A_162] : memref<10240x128xf32, #tpu.memory_space<hbm>> -> memref<10240x128xf32, #tpu.memory_space<hbm>>
    tpu.enqueue_indirect_dma source(%dma_start3A_163 : memref<10240x128xf32, #tpu.memory_space<hbm>>) target(%dma_start3A_153 : memref<64x128xf32, #tpu.memory_space<vmem>>) offsets(%dma_start3A_156 : memref<64xi32, #tpu.memory_space<vmem>>) semaphore(%arg10 : memref<!tpu.dma_semaphore, #tpu.memory_space<semaphore_mem>>)
    %scan3A = arith.constant 0 : i32
    %scan3A_164 = arith.constant 0 : i32
    %scan3A_165 = arith.constant 320 : i32
    %scan3A_166 = arith.addi %scan3A_164, %scan3A_165 : i32
    %scan3A_167 = arith.constant 1 : i32
    scf.for %scan3A_191 = %scan3A_164 to %scan3A_166 step %scan3A_167  : i32 {
      %div3A_192 = arith.constant 16 : i32
      %div3A_193 = arith.divsi %scan3A_191, %div3A_192 : i32
      %div3A_194 = arith.constant 16 : i32
      %div3A_195 = arith.divsi %scan3A_191, %div3A_194 : i32
      %rem3A_196 = arith.constant 2 : i32
      %rem3A_197 = arith.remsi %div3A_195, %rem3A_196 : i32
      %rem3A_198 = arith.constant 16 : i32
      %rem3A_199 = arith.remsi %scan3A_191, %rem3A_198 : i32
      %rem3A_200 = arith.constant 4 : i32
      %rem3A_201 = arith.remsi %scan3A_191, %rem3A_200 : i32
      %dma_wait3A_202 = arith.constant 0 : i32
      %dma_wait3A_203 = arith.constant 0 : i32
      %dma_wait3A_204 = tpu.memref_slice %arg8[%rem3A_201, %dma_wait3A_202, %dma_wait3A_203] : memref<4x64x128xf32, #tpu.memory_space<vmem>> -> memref<1x64x128xf32, #tpu.memory_space<vmem>>
      %dma_wait3A_205 = tpu.memref_squeeze %dma_wait3A_204 : memref<1x64x128xf32, #tpu.memory_space<vmem>> -> memref<64x128xf32, #tpu.memory_space<vmem>>
      %dma_wait3A_206 = arith.constant 0 : i32
      %dma_wait3A_207 = tpu.memref_slice %arg6[%rem3A_197, %rem3A_199, %dma_wait3A_206] : memref<2x16x64xi32, #tpu.memory_space<vmem>> -> memref<1x1x64xi32, #tpu.memory_space<vmem>>
      %dma_wait3A_208 = tpu.memref_squeeze %dma_wait3A_207 : memref<1x1x64xi32, #tpu.memory_space<vmem>> -> memref<64xi32, #tpu.memory_space<vmem>>
      %dma_wait3A_209 = arith.constant 0 : i32
      %dma_wait3A_210 = arith.constant 0 : i32
      %dma_wait3A_211 = tpu.memref_slice %arg2[%arg0, %dma_wait3A_209, %dma_wait3A_210] : memref<2x10240x128xf32, #tpu.memory_space<hbm>> -> memref<1x10240x128xf32, #tpu.memory_space<hbm>>
      %dma_wait3A_212 = tpu.memref_squeeze %dma_wait3A_211 : memref<1x10240x128xf32, #tpu.memory_space<hbm>> -> memref<10240x128xf32, #tpu.memory_space<hbm>>
      %dma_wait3A_213 = arith.constant 0 : i32
      %dma_wait3A_214 = arith.constant 0 : i32
      %dma_wait3A_215 = tpu.memref_slice %dma_wait3A_212[%dma_wait3A_213, %dma_wait3A_214] : memref<10240x128xf32, #tpu.memory_space<hbm>> -> memref<10240x128xf32, #tpu.memory_space<hbm>>
      tpu.wait_indirect_dma semaphore(%arg10 : memref<!tpu.dma_semaphore, #tpu.memory_space<semaphore_mem>>) src(%dma_wait3A_215 : memref<10240x128xf32, #tpu.memory_space<hbm>>) dst(%dma_wait3A_205 : memref<64x128xf32, #tpu.memory_space<vmem>>)
      %ge3A = arith.constant 1 : i32
      %ge3A_216 = arith.cmpi sge, %scan3A_191, %ge3A : i32
      %convert_element_type3A = arith.extui %ge3A_216 : i1 to i32
      %cond3A = arith.constant 0 : i32
      %cond3A_217 = arith.cmpi ne, %convert_element_type3A, %cond3A : i32
      scf.if %cond3A_217 {
        %sub3A_252 = arith.constant 1 : i32
        %sub3A_253 = arith.subi %scan3A_191, %sub3A_252 : i32
        %div3A_254 = arith.constant 16 : i32
        %div3A_255 = arith.divsi %sub3A_253, %div3A_254 : i32
        %rem3A_256 = arith.constant 2 : i32
        %rem3A_257 = arith.remsi %div3A_255, %rem3A_256 : i32
        %rem3A_258 = arith.constant 16 : i32
        %rem3A_259 = arith.remsi %sub3A_253, %rem3A_258 : i32
        %rem3A_260 = arith.constant 4 : i32
        %rem3A_261 = arith.remsi %sub3A_253, %rem3A_260 : i32
        %dma_wait3A_262 = arith.constant 0 : i32
        %dma_wait3A_263 = arith.constant 0 : i32
        %dma_wait3A_264 = tpu.memref_slice %arg8[%rem3A_261, %dma_wait3A_262, %dma_wait3A_263] : memref<4x64x128xf32, #tpu.memory_space<vmem>> -> memref<1x64x128xf32, #tpu.memory_space<vmem>>
        %dma_wait3A_265 = tpu.memref_squeeze %dma_wait3A_264 : memref<1x64x128xf32, #tpu.memory_space<vmem>> -> memref<64x128xf32, #tpu.memory_space<vmem>>
        %dma_wait3A_266 = arith.constant 0 : i32
        %dma_wait3A_267 = tpu.memref_slice %arg7[%rem3A_257, %rem3A_259, %dma_wait3A_266] : memref<2x16x64xi32, #tpu.memory_space<vmem>> -> memref<1x1x64xi32, #tpu.memory_space<vmem>>
        %dma_wait3A_268 = tpu.memref_squeeze %dma_wait3A_267 : memref<1x1x64xi32, #tpu.memory_space<vmem>> -> memref<64xi32, #tpu.memory_space<vmem>>
        %dma_wait3A_269 = arith.constant 0 : i32
        %dma_wait3A_270 = arith.constant 0 : i32
        %dma_wait3A_271 = tpu.memref_slice %arg9[%dma_wait3A_269, %dma_wait3A_270] : memref<10240x128xf32, #tpu.memory_space<vmem_shared>> -> memref<10240x128xf32, #tpu.memory_space<vmem_shared>>
        tpu.wait_indirect_dma semaphore(%arg12 : memref<!tpu.dma_semaphore, #tpu.memory_space<semaphore_mem>>) src(%dma_wait3A_265 : memref<64x128xf32, #tpu.memory_space<vmem>>) dst(%dma_wait3A_271 : memref<10240x128xf32, #tpu.memory_space<vmem_shared>>)
      } else {
      }
      %div3A_218 = arith.constant 16 : i32
      %div3A_219 = arith.divsi %scan3A_191, %div3A_218 : i32
      %rem3A_220 = arith.constant 2 : i32
      %rem3A_221 = arith.remsi %div3A_219, %rem3A_220 : i32
      %rem3A_222 = arith.constant 16 : i32
      %rem3A_223 = arith.remsi %scan3A_191, %rem3A_222 : i32
      %rem3A_224 = arith.constant 4 : i32
      %rem3A_225 = arith.remsi %scan3A_191, %rem3A_224 : i32
      %dma_start3A_226 = arith.constant 0 : i32
      %dma_start3A_227 = arith.constant 0 : i32
      %dma_start3A_228 = tpu.memref_slice %arg8[%rem3A_225, %dma_start3A_226, %dma_start3A_227] : memref<4x64x128xf32, #tpu.memory_space<vmem>> -> memref<1x64x128xf32, #tpu.memory_space<vmem>>
      %dma_start3A_229 = tpu.memref_squeeze %dma_start3A_228 : memref<1x64x128xf32, #tpu.memory_space<vmem>> -> memref<64x128xf32, #tpu.memory_space<vmem>>
      %dma_start3A_230 = arith.constant 0 : i32
      %dma_start3A_231 = tpu.memref_slice %arg7[%rem3A_221, %rem3A_223, %dma_start3A_230] : memref<2x16x64xi32, #tpu.memory_space<vmem>> -> memref<1x1x64xi32, #tpu.memory_space<vmem>>
      %dma_start3A_232 = tpu.memref_squeeze %dma_start3A_231 : memref<1x1x64xi32, #tpu.memory_space<vmem>> -> memref<64xi32, #tpu.memory_space<vmem>>
      %dma_start3A_233 = arith.constant 0 : i32
      %dma_start3A_234 = arith.constant 0 : i32
      %dma_start3A_235 = tpu.memref_slice %arg9[%dma_start3A_233, %dma_start3A_234] : memref<10240x128xf32, #tpu.memory_space<vmem_shared>> -> memref<10240x128xf32, #tpu.memory_space<vmem_shared>>
      tpu.enqueue_indirect_dma source(%dma_start3A_229 : memref<64x128xf32, #tpu.memory_space<vmem>>) target(%dma_start3A_235 : memref<10240x128xf32, #tpu.memory_space<vmem_shared>>) offsets(%dma_start3A_232 : memref<64xi32, #tpu.memory_space<vmem>>) semaphore(%arg12 : memref<!tpu.dma_semaphore, #tpu.memory_space<semaphore_mem>>) {add = true}
      %rem3A_236 = arith.constant 16 : i32
      %rem3A_237 = arith.remsi %scan3A_191, %rem3A_236 : i32
      %eq3A = arith.constant 0 : i32
      %eq3A_238 = arith.cmpi eq, %rem3A_237, %eq3A : i32
      %add3A = arith.constant 1 : i32
      %add3A_239 = arith.addi %div3A_193, %add3A : i32
      %lt3A = arith.constant 20 : i32
      %lt3A_240 = arith.cmpi slt, %add3A_239, %lt3A : i32
      %and3A = arith.andi %eq3A_238, %lt3A_240 : i1
      %convert_element_type3A_241 = arith.extui %and3A : i1 to i32
      %cond3A_242 = arith.constant 0 : i32
      %cond3A_243 = arith.cmpi ne, %convert_element_type3A_241, %cond3A_242 : i32
      scf.if %cond3A_243 {
        %add3A_252 = arith.constant 1 : i32
        %add3A_253 = arith.addi %div3A_193, %add3A_252 : i32
        %add3A_254 = arith.constant 1 : i32
        %add3A_255 = arith.addi %div3A_193, %add3A_254 : i32
        %rem3A_256 = arith.constant 2 : i32
        %rem3A_257 = arith.remsi %add3A_255, %rem3A_256 : i32
        %mul3A_258 = arith.constant 16 : i32
        %mul3A_259 = arith.muli %add3A_253, %mul3A_258 : i32
        %dma_start3A_260 = arith.constant 0 : i32
        %dma_start3A_261 = arith.constant 0 : i32
        %dma_start3A_262 = tpu.memref_slice %arg6[%rem3A_257, %dma_start3A_260, %dma_start3A_261] : memref<2x16x64xi32, #tpu.memory_space<vmem>> -> memref<1x16x64xi32, #tpu.memory_space<vmem>>
        %dma_start3A_263 = tpu.memref_squeeze %dma_start3A_262 : memref<1x16x64xi32, #tpu.memory_space<vmem>> -> memref<16x64xi32, #tpu.memory_space<vmem>>
        %dma_start3A_264 = arith.constant 0 : i32
        %dma_start3A_265 = arith.constant 0 : i32
        %dma_start3A_266 = tpu.memref_slice %arg3[%arg1, %dma_start3A_264, %dma_start3A_265] : memref<16x320x64xi32, #tpu.memory_space<hbm>> -> memref<1x320x64xi32, #tpu.memory_space<hbm>>
        %dma_start3A_267 = tpu.memref_squeeze %dma_start3A_266 : memref<1x320x64xi32, #tpu.memory_space<hbm>> -> memref<320x64xi32, #tpu.memory_space<hbm>>
        %dma_start3A_268 = arith.constant 0 : i32
        %dma_start3A_269 = tpu.memref_slice %dma_start3A_267[%mul3A_259, %dma_start3A_268] : memref<320x64xi32, #tpu.memory_space<hbm>> -> memref<16x64xi32, #tpu.memory_space<hbm>>
        %dma_start3A_270 = arith.constant 0 : i32
        %dma_start3A_271 = arith.constant 0 : i32
        %dma_start3A_272 = tpu.memref_slice %arg6[%rem3A_257, %dma_start3A_270, %dma_start3A_271] : memref<2x16x64xi32, #tpu.memory_space<vmem>> -> memref<1x16x64xi32, #tpu.memory_space<vmem>>
        %dma_start3A_273 = tpu.memref_squeeze %dma_start3A_272 : memref<1x16x64xi32, #tpu.memory_space<vmem>> -> memref<16x64xi32, #tpu.memory_space<vmem>>
        %dma_start3A_274 = arith.constant 0 : i32
        %dma_start3A_275 = arith.constant 0 : i32
        %dma_start3A_276 = tpu.memref_slice %arg3[%arg1, %dma_start3A_274, %dma_start3A_275] : memref<16x320x64xi32, #tpu.memory_space<hbm>> -> memref<1x320x64xi32, #tpu.memory_space<hbm>>
        %dma_start3A_277 = tpu.memref_squeeze %dma_start3A_276 : memref<1x320x64xi32, #tpu.memory_space<hbm>> -> memref<320x64xi32, #tpu.memory_space<hbm>>
        %dma_start3A_278 = arith.constant 0 : i32
        %dma_start3A_279 = tpu.memref_slice %dma_start3A_277[%mul3A_259, %dma_start3A_278] : memref<320x64xi32, #tpu.memory_space<hbm>> -> memref<16x64xi32, #tpu.memory_space<hbm>>
        tpu.enqueue_dma source(%dma_start3A_279 : memref<16x64xi32, #tpu.memory_space<hbm>>) target(%dma_start3A_273 : memref<16x64xi32, #tpu.memory_space<vmem>>) target_semaphore(%arg11 : memref<!tpu.dma_semaphore, #tpu.memory_space<semaphore_mem>>)
        %dma_start3A_280 = arith.constant 0 : i32
        %dma_start3A_281 = arith.constant 0 : i32
        %dma_start3A_282 = tpu.memref_slice %arg7[%rem3A_257, %dma_start3A_280, %dma_start3A_281] : memref<2x16x64xi32, #tpu.memory_space<vmem>> -> memref<1x16x64xi32, #tpu.memory_space<vmem>>
        %dma_start3A_283 = tpu.memref_squeeze %dma_start3A_282 : memref<1x16x64xi32, #tpu.memory_space<vmem>> -> memref<16x64xi32, #tpu.memory_space<vmem>>
        %dma_start3A_284 = arith.constant 0 : i32
        %dma_start3A_285 = arith.constant 0 : i32
        %dma_start3A_286 = tpu.memref_slice %arg4[%arg1, %dma_start3A_284, %dma_start3A_285] : memref<16x320x64xi32, #tpu.memory_space<hbm>> -> memref<1x320x64xi32, #tpu.memory_space<hbm>>
        %dma_start3A_287 = tpu.memref_squeeze %dma_start3A_286 : memref<1x320x64xi32, #tpu.memory_space<hbm>> -> memref<320x64xi32, #tpu.memory_space<hbm>>
        %dma_start3A_288 = arith.constant 0 : i32
        %dma_start3A_289 = tpu.memref_slice %dma_start3A_287[%mul3A_259, %dma_start3A_288] : memref<320x64xi32, #tpu.memory_space<hbm>> -> memref<16x64xi32, #tpu.memory_space<hbm>>
        %dma_start3A_290 = arith.constant 0 : i32
        %dma_start3A_291 = arith.constant 0 : i32
        %dma_start3A_292 = tpu.memref_slice %arg7[%rem3A_257, %dma_start3A_290, %dma_start3A_291] : memref<2x16x64xi32, #tpu.memory_space<vmem>> -> memref<1x16x64xi32, #tpu.memory_space<vmem>>
        %dma_start3A_293 = tpu.memref_squeeze %dma_start3A_292 : memref<1x16x64xi32, #tpu.memory_space<vmem>> -> memref<16x64xi32, #tpu.memory_space<vmem>>
        %dma_start3A_294 = arith.constant 0 : i32
        %dma_start3A_295 = arith.constant 0 : i32
        %dma_start3A_296 = tpu.memref_slice %arg4[%arg1, %dma_start3A_294, %dma_start3A_295] : memref<16x320x64xi32, #tpu.memory_space<hbm>> -> memref<1x320x64xi32, #tpu.memory_space<hbm>>
        %dma_start3A_297 = tpu.memref_squeeze %dma_start3A_296 : memref<1x320x64xi32, #tpu.memory_space<hbm>> -> memref<320x64xi32, #tpu.memory_space<hbm>>
        %dma_start3A_298 = arith.constant 0 : i32
        %dma_start3A_299 = tpu.memref_slice %dma_start3A_297[%mul3A_259, %dma_start3A_298] : memref<320x64xi32, #tpu.memory_space<hbm>> -> memref<16x64xi32, #tpu.memory_space<hbm>>
        tpu.enqueue_dma source(%dma_start3A_299 : memref<16x64xi32, #tpu.memory_space<hbm>>) target(%dma_start3A_293 : memref<16x64xi32, #tpu.memory_space<vmem>>) target_semaphore(%arg11 : memref<!tpu.dma_semaphore, #tpu.memory_space<semaphore_mem>>)
      } else {
      }
      %add3A_244 = arith.constant 4 : i32
      %add3A_245 = arith.addi %scan3A_191, %add3A_244 : i32
      %sub3A = arith.constant 1 : i32
      %sub3A_246 = arith.subi %add3A_245, %sub3A : i32
      %lt3A_247 = arith.constant 320 : i32
      %lt3A_248 = arith.cmpi slt, %sub3A_246, %lt3A_247 : i32
      %convert_element_type3A_249 = arith.extui %lt3A_248 : i1 to i32
      %cond3A_250 = arith.constant 0 : i32
      %cond3A_251 = arith.cmpi ne, %convert_element_type3A_249, %cond3A_250 : i32
      scf.if %cond3A_251 {
        %add3A_252 = arith.constant 4 : i32
        %add3A_253 = arith.addi %scan3A_191, %add3A_252 : i32
        %sub3A_254 = arith.constant 1 : i32
        %sub3A_255 = arith.subi %add3A_253, %sub3A_254 : i32
        %div3A_256 = arith.constant 16 : i32
        %div3A_257 = arith.divsi %sub3A_255, %div3A_256 : i32
        %add3A_258 = arith.constant 4 : i32
        %add3A_259 = arith.addi %scan3A_191, %add3A_258 : i32
        %sub3A_260 = arith.constant 1 : i32
        %sub3A_261 = arith.subi %add3A_259, %sub3A_260 : i32
        %rem3A_262 = arith.constant 16 : i32
        %rem3A_263 = arith.remsi %sub3A_261, %rem3A_262 : i32
        %eq3A_264 = arith.constant 0 : i32
        %eq3A_265 = arith.cmpi eq, %rem3A_263, %eq3A_264 : i32
        %convert_element_type3A_266 = arith.extui %eq3A_265 : i1 to i32
        %cond3A_267 = arith.constant 0 : i32
        %cond3A_268 = arith.cmpi ne, %convert_element_type3A_266, %cond3A_267 : i32
        scf.if %cond3A_268 {
          %rem3A_295 = arith.constant 2 : i32
          %rem3A_296 = arith.remsi %div3A_257, %rem3A_295 : i32
          %mul3A_297 = arith.constant 16 : i32
          %mul3A_298 = arith.muli %div3A_257, %mul3A_297 : i32
          %dma_wait3A_299 = arith.constant 0 : i32
          %dma_wait3A_300 = arith.constant 0 : i32
          %dma_wait3A_301 = tpu.memref_slice %arg6[%rem3A_296, %dma_wait3A_299, %dma_wait3A_300] : memref<2x16x64xi32, #tpu.memory_space<vmem>> -> memref<1x16x64xi32, #tpu.memory_space<vmem>>
          %dma_wait3A_302 = tpu.memref_squeeze %dma_wait3A_301 : memref<1x16x64xi32, #tpu.memory_space<vmem>> -> memref<16x64xi32, #tpu.memory_space<vmem>>
          %dma_wait3A_303 = arith.constant 0 : i32
          %dma_wait3A_304 = arith.constant 0 : i32
          %dma_wait3A_305 = tpu.memref_slice %arg3[%arg1, %dma_wait3A_303, %dma_wait3A_304] : memref<16x320x64xi32, #tpu.memory_space<hbm>> -> memref<1x320x64xi32, #tpu.memory_space<hbm>>
          %dma_wait3A_306 = tpu.memref_squeeze %dma_wait3A_305 : memref<1x320x64xi32, #tpu.memory_space<hbm>> -> memref<320x64xi32, #tpu.memory_space<hbm>>
          %dma_wait3A_307 = arith.constant 0 : i32
          %dma_wait3A_308 = tpu.memref_slice %dma_wait3A_306[%mul3A_298, %dma_wait3A_307] : memref<320x64xi32, #tpu.memory_space<hbm>> -> memref<16x64xi32, #tpu.memory_space<hbm>>
          %dma_wait3A_309 = arith.constant 0 : i32
          %dma_wait3A_310 = arith.constant 0 : i32
          %dma_wait3A_311 = tpu.memref_slice %arg6[%rem3A_296, %dma_wait3A_309, %dma_wait3A_310] : memref<2x16x64xi32, #tpu.memory_space<vmem>> -> memref<1x16x64xi32, #tpu.memory_space<vmem>>
          %dma_wait3A_312 = tpu.memref_squeeze %dma_wait3A_311 : memref<1x16x64xi32, #tpu.memory_space<vmem>> -> memref<16x64xi32, #tpu.memory_space<vmem>>
          %dma_wait3A_313 = arith.constant 0 : i32
          %dma_wait3A_314 = arith.constant 0 : i32
          %dma_wait3A_315 = tpu.memref_slice %arg3[%arg1, %dma_wait3A_313, %dma_wait3A_314] : memref<16x320x64xi32, #tpu.memory_space<hbm>> -> memref<1x320x64xi32, #tpu.memory_space<hbm>>
          %dma_wait3A_316 = tpu.memref_squeeze %dma_wait3A_315 : memref<1x320x64xi32, #tpu.memory_space<hbm>> -> memref<320x64xi32, #tpu.memory_space<hbm>>
          %dma_wait3A_317 = arith.constant 0 : i32
          %dma_wait3A_318 = tpu.memref_slice %dma_wait3A_316[%mul3A_298, %dma_wait3A_317] : memref<320x64xi32, #tpu.memory_space<hbm>> -> memref<16x64xi32, #tpu.memory_space<hbm>>
          tpu.wait_dma2 semaphore(%arg11 : memref<!tpu.dma_semaphore, #tpu.memory_space<semaphore_mem>>) src(%dma_wait3A_318 : memref<16x64xi32, #tpu.memory_space<hbm>>) dst(%dma_wait3A_312 : memref<16x64xi32, #tpu.memory_space<vmem>>)
          %dma_wait3A_319 = arith.constant 0 : i32
          %dma_wait3A_320 = arith.constant 0 : i32
          %dma_wait3A_321 = tpu.memref_slice %arg7[%rem3A_296, %dma_wait3A_319, %dma_wait3A_320] : memref<2x16x64xi32, #tpu.memory_space<vmem>> -> memref<1x16x64xi32, #tpu.memory_space<vmem>>
          %dma_wait3A_322 = tpu.memref_squeeze %dma_wait3A_321 : memref<1x16x64xi32, #tpu.memory_space<vmem>> -> memref<16x64xi32, #tpu.memory_space<vmem>>
          %dma_wait3A_323 = arith.constant 0 : i32
          %dma_wait3A_324 = arith.constant 0 : i32
          %dma_wait3A_325 = tpu.memref_slice %arg4[%arg1, %dma_wait3A_323, %dma_wait3A_324] : memref<16x320x64xi32, #tpu.memory_space<hbm>> -> memref<1x320x64xi32, #tpu.memory_space<hbm>>
          %dma_wait3A_326 = tpu.memref_squeeze %dma_wait3A_325 : memref<1x320x64xi32, #tpu.memory_space<hbm>> -> memref<320x64xi32, #tpu.memory_space<hbm>>
          %dma_wait3A_327 = arith.constant 0 : i32
          %dma_wait3A_328 = tpu.memref_slice %dma_wait3A_326[%mul3A_298, %dma_wait3A_327] : memref<320x64xi32, #tpu.memory_space<hbm>> -> memref<16x64xi32, #tpu.memory_space<hbm>>
          %dma_wait3A_329 = arith.constant 0 : i32
          %dma_wait3A_330 = arith.constant 0 : i32
          %dma_wait3A_331 = tpu.memref_slice %arg7[%rem3A_296, %dma_wait3A_329, %dma_wait3A_330] : memref<2x16x64xi32, #tpu.memory_space<vmem>> -> memref<1x16x64xi32, #tpu.memory_space<vmem>>
          %dma_wait3A_332 = tpu.memref_squeeze %dma_wait3A_331 : memref<1x16x64xi32, #tpu.memory_space<vmem>> -> memref<16x64xi32, #tpu.memory_space<vmem>>
          %dma_wait3A_333 = arith.constant 0 : i32
          %dma_wait3A_334 = arith.constant 0 : i32
          %dma_wait3A_335 = tpu.memref_slice %arg4[%arg1, %dma_wait3A_333, %dma_wait3A_334] : memref<16x320x64xi32, #tpu.memory_space<hbm>> -> memref<1x320x64xi32, #tpu.memory_space<hbm>>
          %dma_wait3A_336 = tpu.memref_squeeze %dma_wait3A_335 : memref<1x320x64xi32, #tpu.memory_space<hbm>> -> memref<320x64xi32, #tpu.memory_space<hbm>>
          %dma_wait3A_337 = arith.constant 0 : i32
          %dma_wait3A_338 = tpu.memref_slice %dma_wait3A_336[%mul3A_298, %dma_wait3A_337] : memref<320x64xi32, #tpu.memory_space<hbm>> -> memref<16x64xi32, #tpu.memory_space<hbm>>
          tpu.wait_dma2 semaphore(%arg11 : memref<!tpu.dma_semaphore, #tpu.memory_space<semaphore_mem>>) src(%dma_wait3A_338 : memref<16x64xi32, #tpu.memory_space<hbm>>) dst(%dma_wait3A_332 : memref<16x64xi32, #tpu.memory_space<vmem>>)
        } else {
        }
        %add3A_269 = arith.constant 4 : i32
        %add3A_270 = arith.addi %scan3A_191, %add3A_269 : i32
        %sub3A_271 = arith.constant 1 : i32
        %sub3A_272 = arith.subi %add3A_270, %sub3A_271 : i32
        %div3A_273 = arith.constant 16 : i32
        %div3A_274 = arith.divsi %sub3A_272, %div3A_273 : i32
        %rem3A_275 = arith.constant 2 : i32
        %rem3A_276 = arith.remsi %div3A_274, %rem3A_275 : i32
        %rem3A_277 = arith.constant 16 : i32
        %rem3A_278 = arith.remsi %sub3A_272, %rem3A_277 : i32
        %rem3A_279 = arith.constant 4 : i32
        %rem3A_280 = arith.remsi %sub3A_272, %rem3A_279 : i32
        %dma_start3A_281 = arith.constant 0 : i32
        %dma_start3A_282 = arith.constant 0 : i32
        %dma_start3A_283 = tpu.memref_slice %arg8[%rem3A_280, %dma_start3A_281, %dma_start3A_282] : memref<4x64x128xf32, #tpu.memory_space<vmem>> -> memref<1x64x128xf32, #tpu.memory_space<vmem>>
        %dma_start3A_284 = tpu.memref_squeeze %dma_start3A_283 : memref<1x64x128xf32, #tpu.memory_space<vmem>> -> memref<64x128xf32, #tpu.memory_space<vmem>>
        %dma_start3A_285 = arith.constant 0 : i32
        %dma_start3A_286 = tpu.memref_slice %arg6[%rem3A_276, %rem3A_278, %dma_start3A_285] : memref<2x16x64xi32, #tpu.memory_space<vmem>> -> memref<1x1x64xi32, #tpu.memory_space<vmem>>
        %dma_start3A_287 = tpu.memref_squeeze %dma_start3A_286 : memref<1x1x64xi32, #tpu.memory_space<vmem>> -> memref<64xi32, #tpu.memory_space<vmem>>
        %dma_start3A_288 = arith.constant 0 : i32
        %dma_start3A_289 = arith.constant 0 : i32
        %dma_start3A_290 = tpu.memref_slice %arg2[%arg0, %dma_start3A_288, %dma_start3A_289] : memref<2x10240x128xf32, #tpu.memory_space<hbm>> -> memref<1x10240x128xf32, #tpu.memory_space<hbm>>
        %dma_start3A_291 = tpu.memref_squeeze %dma_start3A_290 : memref<1x10240x128xf32, #tpu.memory_space<hbm>> -> memref<10240x128xf32, #tpu.memory_space<hbm>>
        %dma_start3A_292 = arith.constant 0 : i32
        %dma_start3A_293 = arith.constant 0 : i32
        %dma_start3A_294 = tpu.memref_slice %dma_start3A_291[%dma_start3A_292, %dma_start3A_293] : memref<10240x128xf32, #tpu.memory_space<hbm>> -> memref<10240x128xf32, #tpu.memory_space<hbm>>
        tpu.enqueue_indirect_dma source(%dma_start3A_294 : memref<10240x128xf32, #tpu.memory_space<hbm>>) target(%dma_start3A_284 : memref<64x128xf32, #tpu.memory_space<vmem>>) offsets(%dma_start3A_287 : memref<64xi32, #tpu.memory_space<vmem>>) semaphore(%arg10 : memref<!tpu.dma_semaphore, #tpu.memory_space<semaphore_mem>>)
      } else {
      }
    }
    %scan3A_168 = arith.constant 320 : i32
    %div3A_169 = arith.constant 319 : i32
    %div3A_170 = arith.constant 16 : i32
    %div3A_171 = arith.divsi %div3A_169, %div3A_170 : i32
    %rem3A_172 = arith.constant 2 : i32
    %rem3A_173 = arith.remsi %div3A_171, %rem3A_172 : i32
    %rem3A_174 = arith.constant 319 : i32
    %rem3A_175 = arith.constant 16 : i32
    %rem3A_176 = arith.remsi %rem3A_174, %rem3A_175 : i32
    %rem3A_177 = arith.constant 319 : i32
    %rem3A_178 = arith.constant 4 : i32
    %rem3A_179 = arith.remsi %rem3A_177, %rem3A_178 : i32
    %dma_wait3A_180 = arith.constant 0 : i32
    %dma_wait3A_181 = arith.constant 0 : i32
    %dma_wait3A_182 = tpu.memref_slice %arg8[%rem3A_179, %dma_wait3A_180, %dma_wait3A_181] : memref<4x64x128xf32, #tpu.memory_space<vmem>> -> memref<1x64x128xf32, #tpu.memory_space<vmem>>
    %dma_wait3A_183 = tpu.memref_squeeze %dma_wait3A_182 : memref<1x64x128xf32, #tpu.memory_space<vmem>> -> memref<64x128xf32, #tpu.memory_space<vmem>>
    %dma_wait3A_184 = arith.constant 0 : i32
    %dma_wait3A_185 = tpu.memref_slice %arg7[%rem3A_173, %rem3A_176, %dma_wait3A_184] : memref<2x16x64xi32, #tpu.memory_space<vmem>> -> memref<1x1x64xi32, #tpu.memory_space<vmem>>
    %dma_wait3A_186 = tpu.memref_squeeze %dma_wait3A_185 : memref<1x1x64xi32, #tpu.memory_space<vmem>> -> memref<64xi32, #tpu.memory_space<vmem>>
    %dma_wait3A_187 = arith.constant 0 : i32
    %dma_wait3A_188 = arith.constant 0 : i32
    %dma_wait3A_189 = tpu.memref_slice %arg9[%dma_wait3A_187, %dma_wait3A_188] : memref<10240x128xf32, #tpu.memory_space<vmem_shared>> -> memref<10240x128xf32, #tpu.memory_space<vmem_shared>>
    tpu.wait_indirect_dma semaphore(%arg12 : memref<!tpu.dma_semaphore, #tpu.memory_space<semaphore_mem>>) src(%dma_wait3A_183 : memref<64x128xf32, #tpu.memory_space<vmem>>) dst(%dma_wait3A_189 : memref<10240x128xf32, #tpu.memory_space<vmem_shared>>)
    %barrier3A_190 = arith.constant 0 : index
    tpu.barrier barrier_id(%barrier3A_190)
    "tpu.region"() ({
      %run_scoped3A = tpu.sem_alloc : memref<!tpu.dma_semaphore, #tpu.memory_space<semaphore_mem>>
      %dma_start3A_191 = arith.constant 0 : i32
      %dma_start3A_192 = arith.constant 0 : i32
      %dma_start3A_193 = tpu.memref_slice %arg5[%arg0, %dma_start3A_191, %dma_start3A_192] : memref<2x10240x128xf32, #tpu.memory_space<hbm>> -> memref<1x10240x128xf32, #tpu.memory_space<hbm>>
      %dma_start3A_194 = tpu.memref_squeeze %dma_start3A_193 : memref<1x10240x128xf32, #tpu.memory_space<hbm>> -> memref<10240x128xf32, #tpu.memory_space<hbm>>
      %dma_start3A_195 = arith.constant 0 : i32
      %dma_start3A_196 = tpu.memref_slice %dma_start3A_194[%mul3A_0, %dma_start3A_195] : memref<10240x128xf32, #tpu.memory_space<hbm>> -> memref<640x128xf32, #tpu.memory_space<hbm>>
      %dma_start3A_197 = arith.constant 0 : i32
      %dma_start3A_198 = tpu.memref_slice %arg9[%mul3A_0, %dma_start3A_197] : memref<10240x128xf32, #tpu.memory_space<vmem_shared>> -> memref<640x128xf32, #tpu.memory_space<vmem_shared>>
      tpu.enqueue_dma source(%dma_start3A_198 : memref<640x128xf32, #tpu.memory_space<vmem_shared>>) target(%dma_start3A_196 : memref<640x128xf32, #tpu.memory_space<hbm>>) target_semaphore(%run_scoped3A : memref<!tpu.dma_semaphore, #tpu.memory_space<semaphore_mem>>)
      %dma_wait3A_199 = arith.constant 0 : i32
      %dma_wait3A_200 = arith.constant 0 : i32
      %dma_wait3A_201 = tpu.memref_slice %arg5[%arg0, %dma_wait3A_199, %dma_wait3A_200] : memref<2x10240x128xf32, #tpu.memory_space<hbm>> -> memref<1x10240x128xf32, #tpu.memory_space<hbm>>
      %dma_wait3A_202 = tpu.memref_squeeze %dma_wait3A_201 : memref<1x10240x128xf32, #tpu.memory_space<hbm>> -> memref<10240x128xf32, #tpu.memory_space<hbm>>
      %dma_wait3A_203 = arith.constant 0 : i32
      %dma_wait3A_204 = tpu.memref_slice %dma_wait3A_202[%mul3A_0, %dma_wait3A_203] : memref<10240x128xf32, #tpu.memory_space<hbm>> -> memref<640x128xf32, #tpu.memory_space<hbm>>
      %dma_wait3A_205 = arith.constant 0 : i32
      %dma_wait3A_206 = tpu.memref_slice %arg9[%mul3A_0, %dma_wait3A_205] : memref<10240x128xf32, #tpu.memory_space<vmem_shared>> -> memref<640x128xf32, #tpu.memory_space<vmem_shared>>
      tpu.wait_dma2 semaphore(%run_scoped3A : memref<!tpu.dma_semaphore, #tpu.memory_space<semaphore_mem>>) src(%dma_wait3A_206 : memref<640x128xf32, #tpu.memory_space<vmem_shared>>) dst(%dma_wait3A_204 : memref<640x128xf32, #tpu.memory_space<hbm>>)
      tpu.yield
    }) : () -> ()
    return
  }
}

module attributes {stable_mosaic.version = 14 : i64} {
  func.func @_mm1_body(%arg0: i32, %arg1: memref<2x1024x1xf32, #tpu.memory_space<vmem>>, %arg2: memref<1024x128xf32, #tpu.memory_space<vmem>>, %arg3: memref<128x256xf32, #tpu.memory_space<vmem>>, %arg4: memref<2x1024x128xf32, #tpu.memory_space<vmem>>, %arg5: memref<1024x1xf32, #tpu.memory_space<vmem>>) attributes {dimension_semantics = [#tpu.dimension_semantics<arbitrary>], iteration_bounds = array<i64: 10>, scalar_prefetch = 0 : i64, scratch_operands = 0 : i64, tpu.core_type = #tpu.core_type<tc>, window_params = [{transform_indices = @transform_0, window_bounds = array<i64: 2, 1024, 1>}, {transform_indices = @transform_1, window_bounds = array<i64: 1024, 128>}, {pipeline_mode = #tpu.pipeline_mode<synchronous>, transform_indices = @transform_2, window_bounds = array<i64: 128, 256>}, {transform_indices = @transform_3, window_bounds = array<i64: 2, 1024, 128>}, {transform_indices = @transform_4, window_bounds = array<i64: 1024, 1>}]} {
    %get3A = arith.constant 0 : index
    %get3A_0 = arith.constant 0 : index
    %get3A_1 = arith.constant 0 : index
    %get3A_2 = vector.load %arg1[%get3A, %get3A_0, %get3A_1] : memref<2x1024x1xf32, #tpu.memory_space<vmem>>, vector<1x1024x1xf32>
    %get3A_3 = vector.shape_cast %get3A_2 : vector<1x1024x1xf32> to vector<1024x1xf32>
    %get3A_4 = arith.constant 1 : index
    %get3A_5 = arith.constant 0 : index
    %get3A_6 = arith.constant 0 : index
    %get3A_7 = vector.load %arg1[%get3A_4, %get3A_5, %get3A_6] : memref<2x1024x1xf32, #tpu.memory_space<vmem>>, vector<1x1024x1xf32>
    %get3A_8 = vector.shape_cast %get3A_7 : vector<1x1024x1xf32> to vector<1024x1xf32>
    %add3A = arith.addf %get3A_3, %get3A_8 : vector<1024x1xf32>
    %add3A_9 = arith.constant 1.000000e+00 : f32
    %add3A_10 = vector.broadcast %add3A_9 : f32 to vector<1024x1xf32>
    %add3A_11 = arith.addf %add3A, %add3A_10 : vector<1024x1xf32>
    %rsqrt3A = math.rsqrt %add3A_11 : vector<1024x1xf32>
    %swap3A = arith.constant 0 : index
    %swap3A_12 = arith.constant 0 : index
    %swap3A_13 = vector.load %arg5[%swap3A, %swap3A_12] : memref<1024x1xf32, #tpu.memory_space<vmem>>, vector<1024x1xf32>
    tpu.vector_store %arg5[%swap3A, %swap3A_12], %rsqrt3A {strides = array<i32>} : memref<1024x1xf32, #tpu.memory_space<vmem>>, vector<1024x1xf32>,
    %get3A_14 = arith.constant 0 : index
    %get3A_15 = arith.constant 0 : index
    %get3A_16 = vector.load %arg2[%get3A_14, %get3A_15] : memref<1024x128xf32, #tpu.memory_space<vmem>>, vector<1024x128xf32>
    %get3A_17 = arith.constant 0 : index
    %get3A_18 = arith.constant 0 : index
    %get3A_19 = vector.load %arg3[%get3A_17, %get3A_18] : memref<128x256xf32, #tpu.memory_space<vmem>>, vector<128x256xf32>
    %dot_general3A = arith.constant dense<0.000000e+00> : vector<1024x256xf32>
    %dot_general3A_20 = tpu.matmul %get3A_16, %get3A_19, %dot_general3A {dimension_numbers = #tpu.dot_dimension_numbers<[1], [0], [0], [1], [0, 0, 1, 1], [], []>, transpose_lhs_hint = false} : vector<1024x128xf32>, vector<128x256xf32>, vector<1024x256xf32> -> vector<1024x256xf32>
    %mul3A = vector.broadcast %rsqrt3A : vector<1024x1xf32> to vector<1024x256xf32>
    %mul3A_21 = arith.mulf %mul3A, %dot_general3A_20 : vector<1024x256xf32>
    %slice3A = vector.extract_strided_slice %mul3A_21 {offsets = [0, 0], sizes = [1024, 128], strides = [1, 1]} : vector<1024x256xf32> to vector<1024x128xf32>
    %swap3A_22 = arith.constant 0 : index
    %swap3A_23 = arith.constant 0 : index
    %swap3A_24 = arith.constant 0 : index
    %swap3A_25 = vector.load %arg4[%swap3A_22, %swap3A_23, %swap3A_24] : memref<2x1024x128xf32, #tpu.memory_space<vmem>>, vector<1x1024x128xf32>
    %swap3A_26 = vector.shape_cast %swap3A_25 : vector<1x1024x128xf32> to vector<1024x128xf32>
    %swap3A_27 = vector.shape_cast %slice3A : vector<1024x128xf32> to vector<1x1024x128xf32>
    tpu.vector_store %arg4[%swap3A_22, %swap3A_23, %swap3A_24], %swap3A_27 {strides = array<i32>} : memref<2x1024x128xf32, #tpu.memory_space<vmem>>, vector<1x1024x128xf32>,
    %slice3A_28 = vector.extract_strided_slice %mul3A_21 {offsets = [0, 128], sizes = [1024, 128], strides = [1, 1]} : vector<1024x256xf32> to vector<1024x128xf32>
    %swap3A_29 = arith.constant 1 : index
    %swap3A_30 = arith.constant 0 : index
    %swap3A_31 = arith.constant 0 : index
    %swap3A_32 = vector.load %arg4[%swap3A_29, %swap3A_30, %swap3A_31] : memref<2x1024x128xf32, #tpu.memory_space<vmem>>, vector<1x1024x128xf32>
    %swap3A_33 = vector.shape_cast %swap3A_32 : vector<1x1024x128xf32> to vector<1024x128xf32>
    %swap3A_34 = vector.shape_cast %slice3A_28 : vector<1024x128xf32> to vector<1x1024x128xf32>
    tpu.vector_store %arg4[%swap3A_29, %swap3A_30, %swap3A_31], %swap3A_34 {strides = array<i32>} : memref<2x1024x128xf32, #tpu.memory_space<vmem>>, vector<1x1024x128xf32>,
    return
  }
  func.func @transform_0(%arg0: i32) -> (i32, i32, i32) {
    %c0_i32 = arith.constant 0 : i32
    %c0_i32_0 = arith.constant 0 : i32
    %c0_i32_1 = arith.constant 0 : i32
    return %c0_i32, %arg0, %c0_i32_0 : i32, i32, i32
  }
  func.func @transform_1(%arg0: i32) -> (i32, i32) {
    %c0_i32 = arith.constant 0 : i32
    %c0_i32_0 = arith.constant 0 : i32
    return %arg0, %c0_i32 : i32, i32
  }
  func.func @transform_2(%arg0: i32) -> (i32, i32) {
    %c0_i32 = arith.constant 0 : i32
    %c0_i32_0 = arith.constant 0 : i32
    %c0_i32_1 = arith.constant 0 : i32
    return %c0_i32, %c0_i32_0 : i32, i32
  }
  func.func @transform_3(%arg0: i32) -> (i32, i32, i32) {
    %c0_i32 = arith.constant 0 : i32
    %c0_i32_0 = arith.constant 0 : i32
    %c0_i32_1 = arith.constant 0 : i32
    return %c0_i32, %arg0, %c0_i32_0 : i32, i32, i32
  }
  func.func @transform_4(%arg0: i32) -> (i32, i32) {
    %c0_i32 = arith.constant 0 : i32
    %c0_i32_0 = arith.constant 0 : i32
    return %arg0, %c0_i32 : i32, i32
  }
}

module attributes {stable_mosaic.version = 14 : i64} {
  func.func @_mm2_body(%arg0: i32, %arg1: memref<2x1024x128xf32, #tpu.memory_space<vmem>>, %arg2: memref<1024x1xf32, #tpu.memory_space<vmem>>, %arg3: memref<1x256xf32, #tpu.memory_space<vmem>>, %arg4: memref<256x256xf32, #tpu.memory_space<vmem>>, %arg5: memref<2x1024x128xf32, #tpu.memory_space<vmem>>) attributes {dimension_semantics = [#tpu.dimension_semantics<arbitrary>], iteration_bounds = array<i64: 10>, scalar_prefetch = 0 : i64, scratch_operands = 0 : i64, tpu.core_type = #tpu.core_type<tc>, window_params = [{transform_indices = @transform_0, window_bounds = array<i64: 2, 1024, 128>}, {transform_indices = @transform_1, window_bounds = array<i64: 1024, 1>}, {pipeline_mode = #tpu.pipeline_mode<synchronous>, transform_indices = @transform_2, window_bounds = array<i64: 1, 256>}, {pipeline_mode = #tpu.pipeline_mode<synchronous>, transform_indices = @transform_3, window_bounds = array<i64: 256, 256>}, {transform_indices = @transform_4, window_bounds = array<i64: 2, 1024, 128>}]} {
    %get3A = arith.constant 0 : index
    %get3A_0 = arith.constant 0 : index
    %get3A_1 = arith.constant 0 : index
    %get3A_2 = vector.load %arg1[%get3A, %get3A_0, %get3A_1] : memref<2x1024x128xf32, #tpu.memory_space<vmem>>, vector<1x1024x128xf32>
    %get3A_3 = vector.shape_cast %get3A_2 : vector<1x1024x128xf32> to vector<1024x128xf32>
    %get3A_4 = arith.constant 1 : index
    %get3A_5 = arith.constant 0 : index
    %get3A_6 = arith.constant 0 : index
    %get3A_7 = vector.load %arg1[%get3A_4, %get3A_5, %get3A_6] : memref<2x1024x128xf32, #tpu.memory_space<vmem>>, vector<1x1024x128xf32>
    %get3A_8 = vector.shape_cast %get3A_7 : vector<1x1024x128xf32> to vector<1024x128xf32>
    %concatenate3A = tpu.concatenate %get3A_3, %get3A_8 in 1 : vector<1024x128xf32>, vector<1024x128xf32> -> vector<1024x256xf32>
    %get3A_9 = arith.constant 0 : index
    %get3A_10 = arith.constant 0 : index
    %get3A_11 = vector.load %arg2[%get3A_9, %get3A_10] : memref<1024x1xf32, #tpu.memory_space<vmem>>, vector<1024x1xf32>
    %mul3A = vector.broadcast %get3A_11 : vector<1024x1xf32> to vector<1024x256xf32>
    %mul3A_12 = arith.mulf %mul3A, %concatenate3A : vector<1024x256xf32>
    %get3A_13 = arith.constant 0 : index
    %get3A_14 = arith.constant 0 : index
    %get3A_15 = vector.load %arg3[%get3A_13, %get3A_14] : memref<1x256xf32, #tpu.memory_space<vmem>>, vector<1x256xf32>
    %add3A = vector.broadcast %get3A_15 : vector<1x256xf32> to vector<1024x256xf32>
    %add3A_16 = arith.addf %mul3A_12, %add3A : vector<1024x256xf32>
    %max3A = arith.constant 0.000000e+00 : f32
    %max3A_17 = vector.broadcast %max3A : f32 to vector<1024x256xf32>
    %max3A_18 = arith.maximumf %add3A_16, %max3A_17 : vector<1024x256xf32>
    %get3A_19 = arith.constant 0 : index
    %get3A_20 = arith.constant 0 : index
    %get3A_21 = vector.load %arg4[%get3A_19, %get3A_20] : memref<256x256xf32, #tpu.memory_space<vmem>>, vector<256x256xf32>
    %dot_general3A = arith.constant dense<0.000000e+00> : vector<1024x256xf32>
    %dot_general3A_22 = tpu.matmul %max3A_18, %get3A_21, %dot_general3A {dimension_numbers = #tpu.dot_dimension_numbers<[1], [0], [0], [1], [0, 0, 1, 1], [], []>, transpose_lhs_hint = false} : vector<1024x256xf32>, vector<256x256xf32>, vector<1024x256xf32> -> vector<1024x256xf32>
    %mul3A_23 = vector.broadcast %get3A_11 : vector<1024x1xf32> to vector<1024x256xf32>
    %mul3A_24 = arith.mulf %mul3A_23, %dot_general3A_22 : vector<1024x256xf32>
    %slice3A = vector.extract_strided_slice %mul3A_24 {offsets = [0, 0], sizes = [1024, 128], strides = [1, 1]} : vector<1024x256xf32> to vector<1024x128xf32>
    %swap3A = arith.constant 0 : index
    %swap3A_25 = arith.constant 0 : index
    %swap3A_26 = arith.constant 0 : index
    %swap3A_27 = vector.load %arg5[%swap3A, %swap3A_25, %swap3A_26] : memref<2x1024x128xf32, #tpu.memory_space<vmem>>, vector<1x1024x128xf32>
    %swap3A_28 = vector.shape_cast %swap3A_27 : vector<1x1024x128xf32> to vector<1024x128xf32>
    %swap3A_29 = vector.shape_cast %slice3A : vector<1024x128xf32> to vector<1x1024x128xf32>
    tpu.vector_store %arg5[%swap3A, %swap3A_25, %swap3A_26], %swap3A_29 {strides = array<i32>} : memref<2x1024x128xf32, #tpu.memory_space<vmem>>, vector<1x1024x128xf32>,
    %slice3A_30 = vector.extract_strided_slice %mul3A_24 {offsets = [0, 128], sizes = [1024, 128], strides = [1, 1]} : vector<1024x256xf32> to vector<1024x128xf32>
    %swap3A_31 = arith.constant 1 : index
    %swap3A_32 = arith.constant 0 : index
    %swap3A_33 = arith.constant 0 : index
    %swap3A_34 = vector.load %arg5[%swap3A_31, %swap3A_32, %swap3A_33] : memref<2x1024x128xf32, #tpu.memory_space<vmem>>, vector<1x1024x128xf32>
    %swap3A_35 = vector.shape_cast %swap3A_34 : vector<1x1024x128xf32> to vector<1024x128xf32>
    %swap3A_36 = vector.shape_cast %slice3A_30 : vector<1024x128xf32> to vector<1x1024x128xf32>
    tpu.vector_store %arg5[%swap3A_31, %swap3A_32, %swap3A_33], %swap3A_36 {strides = array<i32>} : memref<2x1024x128xf32, #tpu.memory_space<vmem>>, vector<1x1024x128xf32>,
    return
  }
  func.func @transform_0(%arg0: i32) -> (i32, i32, i32) {
    %c0_i32 = arith.constant 0 : i32
    %c0_i32_0 = arith.constant 0 : i32
    %c0_i32_1 = arith.constant 0 : i32
    return %c0_i32, %arg0, %c0_i32_0 : i32, i32, i32
  }
  func.func @transform_1(%arg0: i32) -> (i32, i32) {
    %c0_i32 = arith.constant 0 : i32
    %c0_i32_0 = arith.constant 0 : i32
    return %arg0, %c0_i32 : i32, i32
  }
  func.func @transform_2(%arg0: i32) -> (i32, i32) {
    %c0_i32 = arith.constant 0 : i32
    %c0_i32_0 = arith.constant 0 : i32
    %c0_i32_1 = arith.constant 0 : i32
    return %c0_i32, %c0_i32_0 : i32, i32
  }
  func.func @transform_3(%arg0: i32) -> (i32, i32) {
    %c0_i32 = arith.constant 0 : i32
    %c0_i32_0 = arith.constant 0 : i32
    %c0_i32_1 = arith.constant 0 : i32
    return %c0_i32, %c0_i32_0 : i32, i32
  }
  func.func @transform_4(%arg0: i32) -> (i32, i32, i32) {
    %c0_i32 = arith.constant 0 : i32
    %c0_i32_0 = arith.constant 0 : i32
    %c0_i32_1 = arith.constant 0 : i32
    return %c0_i32, %arg0, %c0_i32_0 : i32, i32, i32
  }
}

module attributes {stable_mosaic.version = 14 : i64} {
  func.func @_pool_body(%arg0: i32, %arg1: memref<2x1024x128xf32, #tpu.memory_space<vmem>>, %arg2: memref<1024x1xf32, #tpu.memory_space<vmem>>, %arg3: memref<1x256xf32, #tpu.memory_space<vmem>>, %arg4: memref<1024x1xi32, #tpu.memory_space<vmem>>, %arg5: memref<256x128xf32, #tpu.memory_space<vmem>>, %arg6: memref<1x128xf32, #tpu.memory_space<vmem>>, %arg7: memref<64x128xf32, #tpu.memory_space<vmem>>, %arg8: memref<64x256xf32, #tpu.memory_space<vmem>>) attributes {dimension_semantics = [#tpu.dimension_semantics<arbitrary>], iteration_bounds = array<i64: 10>, scalar_prefetch = 0 : i64, scratch_operands = 1 : i64, tpu.core_type = #tpu.core_type<tc>, window_params = [{transform_indices = @transform_0, window_bounds = array<i64: 2, 1024, 128>}, {transform_indices = @transform_1, window_bounds = array<i64: 1024, 1>}, {pipeline_mode = #tpu.pipeline_mode<synchronous>, transform_indices = @transform_2, window_bounds = array<i64: 1, 256>}, {transform_indices = @transform_3, window_bounds = array<i64: 1024, 1>}, {pipeline_mode = #tpu.pipeline_mode<synchronous>, transform_indices = @transform_4, window_bounds = array<i64: 256, 128>}, {pipeline_mode = #tpu.pipeline_mode<synchronous>, transform_indices = @transform_5, window_bounds = array<i64: 1, 128>}, {pipeline_mode = #tpu.pipeline_mode<synchronous>, transform_indices = @transform_6, window_bounds = array<i64: 64, 128>}]} {
    %eq3A = arith.constant 0 : i32
    %eq3A_0 = arith.cmpi eq, %arg0, %eq3A : i32
    %convert_element_type3A = arith.extui %eq3A_0 : i1 to i32
    %cond3A = arith.constant 0 : i32
    %cond3A_1 = arith.cmpi ne, %convert_element_type3A, %cond3A : i32
    scf.if %cond3A_1 {
      %broadcast_in_dim3A = arith.constant 0xFF800000 : f32
      %broadcast_in_dim3A_33 = vector.broadcast %broadcast_in_dim3A : f32 to vector<64x256xf32>
      %swap3A = arith.constant 0 : index
      %swap3A_34 = arith.constant 0 : index
      %swap3A_35 = vector.load %arg8[%swap3A, %swap3A_34] : memref<64x256xf32, #tpu.memory_space<vmem>>, vector<64x256xf32>
      tpu.vector_store %arg8[%swap3A, %swap3A_34], %broadcast_in_dim3A_33 {strides = array<i32>} : memref<64x256xf32, #tpu.memory_space<vmem>>, vector<64x256xf32>,
    } else {
    }
    %get3A = arith.constant 0 : index
    %get3A_2 = arith.constant 0 : index
    %get3A_3 = arith.constant 0 : index
    %get3A_4 = vector.load %arg1[%get3A, %get3A_2, %get3A_3] : memref<2x1024x128xf32, #tpu.memory_space<vmem>>, vector<1x1024x128xf32>
    %get3A_5 = vector.shape_cast %get3A_4 : vector<1x1024x128xf32> to vector<1024x128xf32>
    %get3A_6 = arith.constant 1 : index
    %get3A_7 = arith.constant 0 : index
    %get3A_8 = arith.constant 0 : index
    %get3A_9 = vector.load %arg1[%get3A_6, %get3A_7, %get3A_8] : memref<2x1024x128xf32, #tpu.memory_space<vmem>>, vector<1x1024x128xf32>
    %get3A_10 = vector.shape_cast %get3A_9 : vector<1x1024x128xf32> to vector<1024x128xf32>
    %concatenate3A = tpu.concatenate %get3A_5, %get3A_10 in 1 : vector<1024x128xf32>, vector<1024x128xf32> -> vector<1024x256xf32>
    %get3A_11 = arith.constant 0 : index
    %get3A_12 = arith.constant 0 : index
    %get3A_13 = vector.load %arg2[%get3A_11, %get3A_12] : memref<1024x1xf32, #tpu.memory_space<vmem>>, vector<1024x1xf32>
    %mul3A = vector.broadcast %get3A_13 : vector<1024x1xf32> to vector<1024x256xf32>
    %mul3A_14 = arith.mulf %mul3A, %concatenate3A : vector<1024x256xf32>
    %get3A_15 = arith.constant 0 : index
    %get3A_16 = arith.constant 0 : index
    %get3A_17 = vector.load %arg3[%get3A_15, %get3A_16] : memref<1x256xf32, #tpu.memory_space<vmem>>, vector<1x256xf32>
    %add3A = vector.broadcast %get3A_17 : vector<1x256xf32> to vector<1024x256xf32>
    %add3A_18 = arith.addf %mul3A_14, %add3A : vector<1024x256xf32>
    %max3A = arith.constant 0.000000e+00 : f32
    %max3A_19 = vector.broadcast %max3A : f32 to vector<1024x256xf32>
    %max3A_20 = arith.maximumf %add3A_18, %max3A_19 : vector<1024x256xf32>
    %get3A_21 = arith.constant 0 : index
    %get3A_22 = arith.constant 0 : index
    %get3A_23 = vector.load %arg4[%get3A_21, %get3A_22] : memref<1024x1xi32, #tpu.memory_space<vmem>>, vector<1024x1xi32>
    %scan3A = arith.constant 0 : i32
    %scan3A_24 = arith.constant 64 : i32
    %scan3A_25 = arith.addi %scan3A, %scan3A_24 : i32
    %scan3A_26 = arith.constant 1 : i32
    scf.for %scan3A_33 = %scan3A to %scan3A_25 step %scan3A_26  : i32 {
      %eq3A_34 = vector.broadcast %scan3A_33 : i32 to vector<1024x1xi32>
      %eq3A_35 = arith.cmpi eq, %get3A_23, %eq3A_34 : vector<1024x1xi32>
      %jit3A = arith.constant 0xFF800000 : f32
      %broadcast_in_dim3A = vector.shape_cast %eq3A_35 : vector<1024x1xi1> to vector<1024x1xi1>
      %broadcast_in_dim3A_36 = vector.broadcast %broadcast_in_dim3A : vector<1024x1xi1> to vector<1024x256xi1>
      %broadcast_in_dim3A_37 = vector.broadcast %jit3A : f32 to vector<1024x256xf32>
      %select_n3A = arith.select %broadcast_in_dim3A_36, %max3A_20, %broadcast_in_dim3A_37 : vector<1024x256xi1>, vector<1024x256xf32>
      %reduce_max3A = arith.constant dense<0xFF800000> : vector<256xf32>
      %reduce_max3A_38 = vector.multi_reduction <maximumf>, %select_n3A, %reduce_max3A [0] : vector<1024x256xf32> to vector<256xf32>
      %broadcast_in_dim3A_39 = vector.shape_cast %reduce_max3A_38 : vector<256xf32> to vector<1x256xf32>
      %get3A_40 = arith.index_cast %scan3A_33 : i32 to index
      %get3A_41 = arith.constant 0 : index
      %get3A_42 = vector.load %arg8[%get3A_40, %get3A_41] : memref<64x256xf32, #tpu.memory_space<vmem>>, vector<1x256xf32>
      %max3A_43 = arith.maximumf %get3A_42, %broadcast_in_dim3A_39 : vector<1x256xf32>
      %swap3A = arith.index_cast %scan3A_33 : i32 to index
      %swap3A_44 = arith.constant 0 : index
      %swap3A_45 = vector.load %arg8[%swap3A, %swap3A_44] : memref<64x256xf32, #tpu.memory_space<vmem>>, vector<1x256xf32>
      tpu.vector_store %arg8[%swap3A, %swap3A_44], %max3A_43 {strides = array<i32>} : memref<64x256xf32, #tpu.memory_space<vmem>>, vector<1x256xf32>,
    }
    %scan3A_27 = arith.constant 64 : i32
    %eq3A_28 = arith.constant 9 : i32
    %eq3A_29 = arith.cmpi eq, %arg0, %eq3A_28 : i32
    %convert_element_type3A_30 = arith.extui %eq3A_29 : i1 to i32
    %cond3A_31 = arith.constant 0 : i32
    %cond3A_32 = arith.cmpi ne, %convert_element_type3A_30, %cond3A_31 : i32
    scf.if %cond3A_32 {
      %get3A_33 = arith.constant 0 : index
      %get3A_34 = arith.constant 0 : index
      %get3A_35 = vector.load %arg8[%get3A_33, %get3A_34] : memref<64x256xf32, #tpu.memory_space<vmem>>, vector<64x256xf32>
      %get3A_36 = arith.constant 0 : index
      %get3A_37 = arith.constant 0 : index
      %get3A_38 = vector.load %arg5[%get3A_36, %get3A_37] : memref<256x128xf32, #tpu.memory_space<vmem>>, vector<256x128xf32>
      %dot_general3A = arith.constant dense<0.000000e+00> : vector<64x128xf32>
      %dot_general3A_39 = tpu.matmul %get3A_35, %get3A_38, %dot_general3A {dimension_numbers = #tpu.dot_dimension_numbers<[1], [0], [0], [1], [0, 0, 1, 1], [], []>, transpose_lhs_hint = false} : vector<64x256xf32>, vector<256x128xf32>, vector<64x128xf32> -> vector<64x128xf32>
      %get3A_40 = arith.constant 0 : index
      %get3A_41 = arith.constant 0 : index
      %get3A_42 = vector.load %arg6[%get3A_40, %get3A_41] : memref<1x128xf32, #tpu.memory_space<vmem>>, vector<1x128xf32>
      %add3A_43 = vector.broadcast %get3A_42 : vector<1x128xf32> to vector<64x128xf32>
      %add3A_44 = arith.addf %dot_general3A_39, %add3A_43 : vector<64x128xf32>
      %swap3A = arith.constant 0 : index
      %swap3A_45 = arith.constant 0 : index
      %swap3A_46 = vector.load %arg7[%swap3A, %swap3A_45] : memref<64x128xf32, #tpu.memory_space<vmem>>, vector<64x128xf32>
      tpu.vector_store %arg7[%swap3A, %swap3A_45], %add3A_44 {strides = array<i32>} : memref<64x128xf32, #tpu.memory_space<vmem>>, vector<64x128xf32>,
    } else {
    }
    return
  }
  func.func @transform_0(%arg0: i32) -> (i32, i32, i32) {
    %c0_i32 = arith.constant 0 : i32
    %c0_i32_0 = arith.constant 0 : i32
    %c0_i32_1 = arith.constant 0 : i32
    return %c0_i32, %arg0, %c0_i32_0 : i32, i32, i32
  }
  func.func @transform_1(%arg0: i32) -> (i32, i32) {
    %c0_i32 = arith.constant 0 : i32
    %c0_i32_0 = arith.constant 0 : i32
    return %arg0, %c0_i32 : i32, i32
  }
  func.func @transform_2(%arg0: i32) -> (i32, i32) {
    %c0_i32 = arith.constant 0 : i32
    %c0_i32_0 = arith.constant 0 : i32
    %c0_i32_1 = arith.constant 0 : i32
    return %c0_i32, %c0_i32_0 : i32, i32
  }
  func.func @transform_3(%arg0: i32) -> (i32, i32) {
    %c0_i32 = arith.constant 0 : i32
    %c0_i32_0 = arith.constant 0 : i32
    return %arg0, %c0_i32 : i32, i32
  }
  func.func @transform_4(%arg0: i32) -> (i32, i32) {
    %c0_i32 = arith.constant 0 : i32
    %c0_i32_0 = arith.constant 0 : i32
    %c0_i32_1 = arith.constant 0 : i32
    return %c0_i32, %c0_i32_0 : i32, i32
  }
  func.func @transform_5(%arg0: i32) -> (i32, i32) {
    %c0_i32 = arith.constant 0 : i32
    %c0_i32_0 = arith.constant 0 : i32
    %c0_i32_1 = arith.constant 0 : i32
    return %c0_i32, %c0_i32_0 : i32, i32
  }
  func.func @transform_6(%arg0: i32) -> (i32, i32) {
    %c0_i32 = arith.constant 0 : i32
    %c0_i32_0 = arith.constant 0 : i32
    %c0_i32_1 = arith.constant 0 : i32
    return %c0_i32, %c0_i32_0 : i32, i32
  }
}

</mosaic_0001>

<sc_bundles>
// kernel: kernel.11.cloned.1.call-start
scs
__scs_entry_jumppad:
0x0: {  	(pc) =	sbr.rel $0x88, $3  }
0x1: {  	(tag) =	ssettag $0x0;
	lr =	simm.s32 $0x1  }
0x2: {  	[smem:$0x3F98] =	sst lr;
	_ =	strace $0xD0000000  }
0x3: {  	_ = 	snop  }
0x4: {  	_ = 	snop  }
0x5: {  	_ = 	snop  }
0x6: {  	_ = 	snop  }
0x7: {  	_ = 	snop  }
__scs_overlays_trampoline_lowered:
0x8: {  	[smem:$0x3FA7] =	sst s0  }
0x9: {  	[smem:$0x3FA8] =	sst s1  }
0xa: {  	[smem:$0x3FA9] =	sst s2  }
0xb: {  	[smem:$0x3FAA] =	sst s3  }
0xc: {  	[smem:$0x3FAB] =	sst s4  }
0xd: {  	[smem:$0x3FAC] =	sst s5  }
0xe: {  	[smem:$0x3FAD] =	sst s6  }
0xf: {  	[smem:$0x3FAE] =	sst s7  }
0x10: {  	[smem:$0x3FAF] =	sst s8  }
0x11: {  	[smem:$0x3FB0] =	sst s9;
	s0 =	simm.s32 @!p0 $0x0  }
0x12: {  	s1 =	sld [smem:$0x3F96];
	s0 =	simm.s32 @p0 $0x1  }
0x13: {  	[smem:$0x3FB1] =	sst s0;
	s0 =	simm.s32 @!p1 $0x0  }
0x14: {  	s2 =	sld [smem:$0x3F95];
	s0 =	simm.s32 @p1 $0x1  }
0x15: {  	[smem:$0x3FB2] =	sst s0;
	s0 =	simm.s32 @!p2 $0x0  }
0x16: {  	s3 =	sld [smem:$0x3FDB];
	s0 =	simm.s32 @p2 $0x1  }
0x17: {  	s4 =	simm.s32 $0x1BF5;
	[smem:$0x3FB4] =	sst s0  }
0x18: {  	s0 =	sld [smem:$0x3F97];
	_ =	swait.ge [sflag:s4], $0x0  }
0x19: {  	s7 =	sld [smem:$0x3F98]  }
0x1a: {  	s8 =	sadd.s32 $0xFFFFE003, lr  }
0x1b: {  	s9 =	sadd.s32 $0xFFFFFEF7, lr;
	s5 =	simm.s32 $0xFFFFFFFF;
	p2 =	slt.u32 s8, $0xFFFFF086  }
0x1c: {  	p1 =	slt.u32 s9, $0xF7A;
	s5 =	simm.s32 @!p2 $0x0  }
0x1d: {  	s5 =	simm.s32 @p1 $0x1;
	p0 =	seq.s32 s7, s2  }
0x1e: {  	s7 =	smul.u32 @!p0 $0xF7A, s2;
	p2 =	seq.s32 @!p0 s5, $0x0  }
0x1f: {  	s9 =	smul.u32 $0xF7A, s1;
	s8 =	simm.s32 @!p0 $0x1BF5;
	p2 =	por !p2, p0  }
0x20: {  	[sflag:s8] =	ssyncset.s32 @!p0 $0xFFFFF086;
	s6 =	sadd.s32 @!p0 s3, s7;
	s7 =	simm.s32 @!p0 $0x108  }
0x21: {  	s3 =	sadd.s32 s3, s9;
	s6 =	sadd.s32 @!p0 $0x88, s6;
	s7 =	simm.s32 @p2 $0x1082  }
0x22: {  	[simem:s7], [sflag:s8] =	dma.local @!p0 [hbm:s6], $0xF7A  }
0x23: {  	s9 =	sor.u32 $0xD0000000, s2;
	s6 =	simm.s32 $0x108;
	_ =	swait.ge @!p0 [sflag:s8], $0x0  }
0x24: {  	s3 =	sadd.s32 $0x88, s3;
	s6 =	simm.s32 @!p1 $0x1082;
	[sflag:s4] =	ssyncset.s32 $0xFFFFF086  }
0x25: {  	[simem:s6], [sflag:s4] =	dma.local [hbm:s3], $0xF7A  }
0x26: {  	[smem:$0x3F98] =	sst s1;
	(tag) =	ssettag s2;
	_ =	strace s9  }
0x27: {  	s1 =	sld [smem:$0x3FA8]  }
0x28: {  	s2 =	sld [smem:$0x3FA9]  }
0x29: {  	s4 =	sld [smem:$0x3FAB]  }
0x2a: {  	p0 =	seq.s32 s5, $0x0;
	s5 =	sld [smem:$0x3FAC]  }
0x2b: {  	s6 =	sld [smem:$0x3FAD]  }
0x2c: {  	s7 =	sld [smem:$0x3FAE]  }
0x2d: {  	s3 =	simm.s32 $0x108;
	s8 =	sld [smem:$0x3FAF]  }
0x2e: {  	s3 =	simm.s32 @!p0 $0x1082;
	s9 =	sld [smem:$0x3FB0]  }
0x2f: {  	lr =	sadd.s32 s0, s3;
	s0 =	sld [smem:$0x3FA7]  }
0x30: {  	s3 =	sld [smem:$0x3FAA]  }
0x31: {  	[smem:$0x3FB3] =	sst s10  }
0x32: {  	s10 =	sld [smem:$0x3FB1];
	_ =	sdelay $0x3  }
0x33: {  	p0 =	seq.s32 s10, $0x1;
	s10 =	sld [smem:$0x3FB3];
	_ =	sdelay $0x3  }
0x34: {  	[smem:$0x3FB3] =	sst s10  }
0x35: {  	s10 =	sld [smem:$0x3FB2];
	_ =	sdelay $0x3  }
0x36: {  	p1 =	seq.s32 s10, $0x1;
	s10 =	sld [smem:$0x3FB3];
	_ =	sdelay $0x3  }
0x37: {  	[smem:$0x3FB3] =	sst s10  }
0x38: {  	s10 =	sld [smem:$0x3FB4]  }
0x39: {  	_ = 	snop;
	(pc) =	sbr.ind lr, $3  }
0x3a: {  	_ = 	snop  }
0x3b: {  	_ = 	snop  }
0x3c: {  	p2 =	seq.s32 s10, $0x1;
	s10 =	sld [smem:$0x3FB3]  }
0x3d: {  	_ =	shalt  }
0x3e: {  	_ =	shalt  }
0x3f: {  	_ =	shalt  }
0x40: {  	_ =	shalt  }
0x41: {  	_ =	shalt  }
0x42: {  	_ =	shalt  }
0x43: {  	_ =	shalt  }
0x44: {  	_ =	shalt  }
0x45: {  	_ =	shalt  }
0x46: {  	_ =	shalt  }
0x47: {  	_ =	shalt  }
0x48: {  	_ =	shalt  }
0x49: {  	_ =	shalt  }
0x4a: {  	_ =	shalt  }
0x4b: {  	_ =	shalt  }
0x4c: {  	_ =	shalt  }
0x4d: {  	_ =	shalt  }
0x4e: {  	_ =	shalt  }
0x4f: {  	_ =	shalt  }
0x50: {  	_ =	shalt  }
0x51: {  	_ =	shalt  }
0x52: {  	_ =	shalt  }
0x53: {  	_ =	shalt  }
0x54: {  	_ =	shalt  }
0x55: {  	_ =	shalt  }
0x56: {  	_ =	shalt  }
0x57: {  	_ =	shalt  }
0x58: {  	_ =	shalt  }
0x59: {  	_ =	shalt  }
0x5a: {  	_ =	shalt  }
0x5b: {  	_ =	shalt  }
0x5c: {  	_ =	shalt  }
0x5d: {  	_ =	shalt  }
0x5e: {  	_ =	shalt  }
0x5f: {  	_ =	shalt  }
0x60: {  	_ =	shalt  }
0x61: {  	_ =	shalt  }
0x62: {  	_ =	shalt  }
0x63: {  	_ =	shalt  }
0x64: {  	_ =	shalt  }
0x65: {  	_ =	shalt  }
0x66: {  	_ =	shalt  }
0x67: {  	_ =	shalt  }
0x68: {  	_ =	shalt  }
0x69: {  	_ =	shalt  }
0x6a: {  	_ =	shalt  }
0x6b: {  	_ =	shalt  }
0x6c: {  	_ =	shalt  }
0x6d: {  	_ =	shalt  }
0x6e: {  	_ =	shalt  }
0x6f: {  	_ =	shalt  }
0x70: {  	_ =	shalt  }
0x71: {  	_ =	shalt  }
0x72: {  	_ =	shalt  }
0x73: {  	_ =	shalt  }
0x74: {  	_ =	shalt  }
0x75: {  	_ =	shalt  }
0x76: {  	_ =	shalt  }
0x77: {  	_ =	shalt  }
0x78: {  	_ =	shalt  }
0x79: {  	_ =	shalt  }
0x7a: {  	_ =	shalt  }
0x7b: {  	_ =	shalt  }
0x7c: {  	_ =	shalt  }
0x7d: {  	_ =	shalt  }
0x7e: {  	_ =	shalt  }
0x7f: {  	_ =	shalt  }
0x80: {  	_ =	shalt  }
0x81: {  	_ =	shalt  }
0x82: {  	_ =	shalt  }
0x83: {  	_ =	shalt  }
0x84: {  	_ =	shalt  }
0x85: {  	_ =	shalt  }
0x86: {  	_ =	shalt  }
0x87: {  	_ =	shalt  }
.Lfunc_end0:
.L_simem_size_0:
called_computation.1_lowered:
.L_overlay_start_0:
0x88: {  	s2 =	sld [smem:$0x3FD9]  }
0x89: {  	s3 =	sld [smem:$0x3FFE];
	_ =	sdelay $0x1  }
0x8a: {  	s1 =	srdreg.scid  }
0x8b: {  	s0 =	sand.u32 $0x1, s1  }
0x8c: {  	s16 =	sshll.u32 s0, $0xA;
	s2 =	sadd.s32 s3, s2  }
0x8d: {  	s2 =	sadd.s32 s2, s16  }
0x8e: {  	[smem:$0x3FBF] =	sst s2  }
0x8f: {  	_ = 	snop  }
0x90: {  	(tm) =	ssettm $0x1  }
0x91: {  	s17 =	sld [smem:$0x3FFB];
	_ =	sdelay $0x3  }
0x92: {  	_ =	strace s17  }
0x93: {  	s2 =	sld [smem:$0x3FFC];
	_ =	sdelay $0x3  }
0x94: {  	_ =	strace s2  }
0x95: {  	s2 =	sld [smem:$0x3FFD];
	_ =	sdelay $0x3  }
0x96: {  	_ =	strace s2  }
0x97: {  	_ =	strace $0x8FFFFFFF  }
0x98: {  	s18 =	sld [smem:$0x3FDB];
	_ =	sdelay $0x1  }
0x99: {  	s19 =	simm.s32 $_scs_section_size  }
0x9a: {  	s4 =	simm.s32 $_size__tile_overlayer_lowered;
	s5 =	simm.s32 $_tile_overlayer_lowered  }
0x9b: {  	s22 =	simm.s32 $0x1BFF;
	s21 =	sshll.u32 s5, $0x1;
	s2 =	sadd.s32 s19, s18  }
0x9c: {  	s6 =	simm.s32 $0x0;
	s20 =	sshll.u32 s4, $0x1;
	s4 =	sadd.s32 s21, s2  }
0x9d: {  	[timem:s6], [sflag:s22] =	dma.local [hbm:s4], s20  }
0x9e: {  	_ =	swait.ge [sflag:s22], s20  }
0x9f: {  	s3 =	ssub.s32 $0x0, s20;
	[sflag:s22] =	ssyncset.done $0x0  }
0xa0: {  	[sflag:s22] =	ssyncadd.s32 s3;
	_ =	sdelay $0x1  }
0xa1: {  	s23 =	simm.s32 $0x1B8B  }
0xa2: {  	_ =	swait.ge [sflag:s23], $0x1  }
0xa3: {  	[sflag:s23] =	ssyncset.done $0x0  }
0xa4: {  	s25 =	simm.s32 $0x1B8E;
	s24 =	sld [smem:$0x3FFE];
	[sflag:s23] =	ssyncadd.s32 $0xFFFFFFFF  }
0xa5: {  	s26 =	simm.s32 $execute0_lowered;
	[smem:$0x3FD2] =	sst s25  }
0xa6: {  	s4 =	sshll.u32 s26, $0x1;
	_ =	strace $0x80000049;
	[dreg:$0x1] =	wrdreg $0xFFFFFFFF  }
0xa7: {  	s28 =	simm.s32 $_size_execute0_lowered;
	s2 =	sadd.s32 s2, s4;
	[dreg:$0x0] =	wrdreg $0x0  }
0xa8: {  	s4 =	sshll.u32 s28, $0x1;
	[dreg:$0x2] =	wrdreg s2  }
0xa9: {  	[dreg:$0x3] =	wrdreg s4  }
0xaa: {  	[dreg:$0x4] =	wrdreg $0xC0  }
0xab: {  	_ =	task [dreg:s6], $0x5FFFF  }
0xac: {  	[dreg:$0x1] =	wrdreg $0xFFFFFFFF  }
0xad: {  	[dreg:$0x0] =	wrdreg $0x60  }
0xae: {  	[dreg:$0x2] =	wrdreg s24  }
0xaf: {  	[dreg:$0x3] =	wrdreg $0xA0000  }
0xb0: {  	[dreg:$0x4] =	wrdreg $0x9  }
0xb1: {  	_ =	task.clear_ibuf [dreg:s6], $0x5FFFF;
	_ =	strace $0x90000049  }
0xb2: {  	s29 =	simm.s32 $0x9;
	_ =	strace $0x8000004B  }
0xb3: {  	_ =	swait.ge [sflag:s29], $0x1  }
0xb4: {  	[sflag:s29] =	ssyncadd.s32 $0xFFFFFFFF  }
0xb5: {  	_ =	strace $0x9000004B  }
0xb6: {  	_ =	sfence  }
0xb7: {  	s30 =	sld [smem:$0x0];
	_ =	sdelay $0x2  }
0xb8: {  	s31 =	sshll.u32 s1, $0xD;
	s1 =	sshrl.u32 s1, $0x2  }
0xb9: {  	s3 =	sand.u32 $0x4000, s31;
	s1 =	sadd.s32 s1, s30  }
0xba: {  	s0 =	sor.u32 s3, s0;
	s1 =	sshll.u32 s1, $0x11  }
0xbb: {  	s0 =	sor.u32 s1, s0  }
0xbc: {  	s0 =	sadd.s32 $0x8F2B, s0  }
0xbd: {  	[sflag:s0] =	ssyncadd.remote.s32 $0x1  }
0xbe: {  	_ =	sfence.sel $0xFFFF  }
0xbf: {  	[dreg:$0x0] =	wrdreg $0xFFFFFFFF;
	(pc) =	sbr.abs _section_cstart, $3  }
0xc0: {  	[dreg:$0x1] =	wrdreg $0xFFFFFFFF  }
0xc1: {  	_ =	task.clear_ibuf [dreg:s6], $0x2FFFF;
	_ =	strace $0x9FFFFFFF  }
0xc2: {  	(tm) =	ssettm $0x7FFFFFFF  }
0xc3: {  	_ =	shalt  }
tec
execute0_lowered:
.L_overlay_start_1:
0x0: {  	(tag) =	ssettag $0x1  }
0x1: {  	s0 =	rddreg [dreg:$0x0]  }
0x2: {  	s2 =	rddreg [dreg:$0x1];
	s3 =	simm.s32 $0x0;
	s6 =	stileid.u32  }
0x3: {  	s1 =	srdreg.scid;
	s11 =	simm.s32 $0x1000;
	s12 =	simm.s32 $0x2  }
0x4: {  	s13 =	simm.s32 $0x40;
	s14 =	simm.s32 $0x2000;
	s20 =	simm.s32 $0x800  }
0x5: {  	s22 =	simm.s32 $0x1800;
	s23 =	simm.s32 $0x180;
	s25 =	simm.s32 $0x1  }
0x6: {  	s28 =	simm.s32 $0x4;
	s29 =	simm.s32 $0x0;
	s4 =	smul.u32 $0x1400, s6  }
0x7: {  	[smem:$0x7FF] =	sst s3;
	s1 =	sand.u32 $0x1, s1;
	s26 =	smul.u32 $0x50000, s6  }
0x8: {  	s24 =	smul.u32 $0x2800, s6;
	s6 =	sshll.u32 s6, $0x6;
	_ =	strace $0x8000004A  }
0x9: {  	s5 =	smul.u32 $0x28000, s1;
	s1 =	ssub.s32 $0x2, s1;
	s6 =	sor.u32 $0x1C04, s6  }
0xa: {  	s8 =	sadd.s32 s4, s0;
	s30 =	sshrl.u32 s1, $0x1;
	s31 =	sshrl.u32 s26, $0x2  }
.Ltmp0:
0xb: {  	s26 =	simm.s32 $0x3;
	s0 =	sadd.s32 s5, s0;
	(pc) =	sbr.rel .LBB2_1-.Ltmp0, $4  }
0xc: {  	s1 =	ssub.s32 s1, s30;
	s10 =	sadd.s32 s31, s2;
	s7 =	sadd.s32 $0x2AC00, s8  }
0xd: {  	s8 =	sadd.s32 $0x16C00, s8;
	s4 =	sadd.s32 $0x3EC00, s0;
	s0 =	sadd.s32 $0x8EC00, s0  }
0xe: {  	s9 =	smax.u32 s1, $0x1;
	s10 =	sshrl.u32 s10, $0x3;
	s19 =	sadd.s32 $0x100, s7  }
0xf: {  	s21 =	sadd.s32 $0x100, s8;
	s5 =	sadd.s32 s24, s4;
	s24 =	sadd.s32 s24, s0  }
.LBB2_8:
0x10: {  	_ =	swait.ge [sflag:s26], $0x2000  }
0x11: {  	s29 =	sadd.s32 $0x1, s29;
	[sflag:s26] =	ssyncset.done $0x0  }
0x12: {  	p0 =	sne.s32 s29, s9;
	[sflag:s26] =	ssyncadd.s32 $0xFFFFE000  }
.Ltmp1:
0x13: {  	[bflag:$0x0] =	sbarrier.arrive $0xFFFF;
	(pc) =	sbr.rel @!p0 .LBB2_9-.Ltmp1, $4  }
0x14: {  	[hbm:s24], [sflag:s6] =	dma.local [spmem:s10], $0x2800  }
0x15: {  	_ =	swait.ge [sflag:s28], $0x2800  }
0x16: {  	[sflag:s28] =	ssyncset.done $0x0  }
0x17: {  	[sflag:s28] =	ssyncadd.s32 $0xFFFFD800  }
.LBB2_1:
0x18: {  	[spmem:s10], [sflag:s6] =	dma.local [hbm:s5], $0x2800  }
0x19: {  	_ =	swait.ge [sflag:s28], $0x2800  }
0x1a: {  	[sflag:s28] =	ssyncset.done $0x0  }
0x1b: {  	[sflag:s28] =	ssyncadd.s32 $0xFFFFD800  }
0x1c: {  	[tilespmem:s3], [sflag:$0x2] =	stream.linear.gather [hbm4b:s7+s3], $0x800, $0x38;
	[tilespmem:$0x1E000] =	vst v63  }
0x1d: {  	_ = 	snop  }
0x1e: {  	[tilespmem:s11], [sflag:$0x2] =	stream.linear.gather [hbm4b:s8+s3], $0x800, $0x38;
	[tilespmem:$0x1E000] =	vst v63  }
0x1f: {  	_ =	swait.ge [sflag:s12], $0x800  }
0x20: {  	[sflag:s12] =	ssyncset.done $0x0  }
0x21: {  	[sflag:s12] =	ssyncadd.s32 $0xFFFFF800  }
0x22: {  	_ =	swait.ge [sflag:s12], $0x800  }
0x23: {  	[sflag:s12] =	ssyncset.done $0x0  }
0x24: {  	[sflag:s12] =	ssyncadd.s32 $0xFFFFF800  }
0x25: {  	[bflag:$0x0] =	sbarrier.arrive $0xFFFF  }
0x26: {  	[tilespmem:s14], [sflag:$0x1] =	stream.indirect.gather [hbm4b:s4+s13], $0x80, s3, s13, $0xb8;
	[tilespmem:$0x1E000] =	vst v63  }
0x27: {  	s0 =	simm.s32 $0x80;
	s1 =	simm.s32 $0x4000  }
0x28: {  	[tilespmem:s1], [sflag:$0x1] =	stream.indirect.gather [hbm4b:s4+s13], $0x80, s0, s13, $0xb8;
	[tilespmem:$0x1E000] =	vst v63  }
0x29: {  	s17 =	simm.s32 $0x100;
	s18 =	simm.s32 $0x6000  }
0x2a: {  	[tilespmem:s18], [sflag:$0x1] =	stream.indirect.gather [hbm4b:s4+s13], $0x80, s17, s13, $0xb8;
	[tilespmem:$0x1E000] =	vst v63  }
0x2b: {  	_ =	swait.ge [sflag:s25], $0x2000  }
0x2c: {  	[sflag:s25] =	ssyncset.done $0x0  }
0x2d: {  	[sflag:s25] =	ssyncadd.s32 $0xFFFFE000  }
0x2e: {  	[spmem:s2] =	stream.indirect.scatter.add.f32 [tilespmem:s14], [sflag:$0x3], $0x80, s11, s13, $0xb8;
	[tilespmem:$0x1E000] =	vst v63  }
0x2f: {  	_ = 	snop  }
0x30: {  	[tilespmem:s20], [sflag:$0x2] =	stream.linear.gather [hbm4b:s19+s3], $0x800, $0x38;
	[tilespmem:$0x1E000] =	vst v63  }
.Ltmp2:
0x31: {  	_ = 	snop;
	(pc) =	sbr.rel .LBB2_2-.Ltmp2, $4  }
0x32: {  	_ = 	snop  }
0x33: {  	[tilespmem:s22], [sflag:$0x2] =	stream.linear.gather [hbm4b:s21+s3], $0x800, $0x38;
	[tilespmem:$0x1E000] =	vst v63  }
0x34: {  	s30 =	simm.s32 $0x8000;
	s31 =	simm.s32 $0x4;
	s0 =	simm.s32 $0x1  }
0x35: {  	[tilespmem:s30], [sflag:$0x1] =	stream.indirect.gather [hbm4b:s4+s13], $0x80, s23, s13, $0xb8;
	[tilespmem:$0x1E000] =	vst v63  }
.LBB2_3:
0x36: {  	s1 =	sshrl.u32 s1, $0x4  }
0x37: {  	s1 =	sadd.s32 $0x1, s1  }
0x38: {  	s15 =	sshll.u32 s1, $0xB;
	s1 =	sshll.u32 s1, $0x8  }
0x39: {  	s15 =	sand.u32 $0x800, s15;
	s16 =	sadd.s32 s7, s1  }
0x3a: {  	[tilespmem:s15], [sflag:$0x2] =	stream.linear.gather [hbm4b:s16+s3], $0x800, $0x38;
	[tilespmem:$0x1E000] =	vst v63  }
0x3b: {  	s1 =	sadd.s32 s8, s1;
	s15 =	sor.u32 $0x1000, s15  }
0x3c: {  	[tilespmem:s15], [sflag:$0x2] =	stream.linear.gather [hbm4b:s1+s3], $0x800, $0x38;
	[tilespmem:$0x1E000] =	vst v63  }
0x3d: {  	s1 =	smov.u32 s31  }
.LBB2_6:
0x3e: {  	s15 =	sand.u32 $0xF, s1  }
0x3f: {  	p0 =	sne.s32 s15, $0x0  }
0x40: {  	s16 =	simm.s32 @!p0 $0x2  }
0x41: {  	_ =	swait.ge @!p0 [sflag:s16], $0x800  }
0x42: {  	[sflag:s16] =	ssyncset.done @!p0 $0x0  }
0x43: {  	s17 =	sshll.u32 s1, $0xD;
	[sflag:s16] =	ssyncadd.s32 @!p0 $0xFFFFF800  }
0x44: {  	s18 =	sshll.u32 s1, $0x7;
	s17 =	sand.u32 $0x6000, s17;
	_ =	swait.ge @!p0 [sflag:s16], $0x800  }
0x45: {  	s1 =	sand.u32 $0x800, s18;
	s15 =	sshll.u32 s15, $0x7;
	[sflag:s16] =	ssyncset.done @!p0 $0x0  }
0x46: {  	s18 =	sadd.s32 $0x2000, s17;
	s1 =	sor.u32 s15, s1;
	[sflag:s16] =	ssyncadd.s32 @!p0 $0xFFFFF800  }
0x47: {  	[tilespmem:s18], [sflag:$0x1] =	stream.indirect.gather [hbm4b:s4+s13], $0x80, s1, s13, $0xb8;
	[tilespmem:$0x1E000] =	vst v63  }
.LBB2_7:
0x48: {  	s31 =	sadd.s32 $0x1, s31  }
0x49: {  	p0 =	sne.s32 s31, $0x143  }
.Ltmp3:
0x4a: {  	_ = 	snop;
	(pc) =	sbr.rel @!p0 .LBB2_8-.Ltmp3, $2  }
0x4b: {  	_ =	sdelay $0x2  }
0x4c: {  	s0 =	sadd.s32 $0x1, s0;
	s30 =	sadd.s32 $0x8000, s30  }
.LBB2_2:
0x4d: {  	s1 =	sadd.s32 $0xFFFFFFFD, s31  }
0x4e: {  	s16 =	sand.u32 $0xF, s1;
	p0 =	sgt.u32 s1, $0x12F  }
0x4f: {  	_ =	swait.ge [sflag:s25], $0x2000;
	p1 =	sne.s32 @!p0 s16, $0x0  }
0x50: {  	s15 =	sand.u32 $0x18000, s30;
	[sflag:s25] =	ssyncset.done $0x0;
	p0 =	por p0, p1  }
.Ltmp4:
0x51: {  	s17 =	sshll.u32 s1, $0x7;
	[sflag:s25] =	ssyncadd.s32 $0xFFFFE000;
	(pc) =	sbr.rel @!p0 .LBB2_3-.Ltmp4, $4  }
0x52: {  	s17 =	sand.u32 $0x800, s17;
	s18 =	sshll.u32 s16, $0x7;
	_ =	swait.ge [sflag:s26], $0x2000  }
0x53: {  	s15 =	sshrl.u32 s15, $0x2;
	s17 =	sor.u32 s18, s17;
	[sflag:s26] =	ssyncset.done $0x0  }
0x54: {  	s15 =	sadd.s32 $0x2000, s15;
	s17 =	sor.u32 $0x1000, s17;
	[sflag:s26] =	ssyncadd.s32 $0xFFFFE000  }
0x55: {  	[spmem:s2] =	stream.indirect.scatter.add.f32 [tilespmem:s15], [sflag:$0x3], $0x80, s17, s13, $0xb8;
	[tilespmem:$0x1E000] =	vst v63  }
0x56: {  	p0 =	sgt.u32 s1, $0x13C  }
.Ltmp5:
0x57: {  	_ = 	snop;
	(pc) =	sbr.rel @p0 .LBB2_7-.Ltmp5, $1  }
0x58: {  	_ =	sdelay $0x3  }
.Ltmp6:
0x59: {  	(pc) =	sbr.rel .LBB2_6-.Ltmp6, $2  }
0x5a: {  	_ =	sdelay $0x2  }
0x5b: {  	s1 =	sadd.s32 $0x3, s0  }
.LBB2_9:
0x5c: {  	_ =	sfence.sel $0x180000  }
0x5d: {  	[bflag:$0x0] =	sbarrier.arrive $0xFFFF  }
0x5e: {  	_ =	strace $0x9000004A  }
0x5f: {  	s0 =	stileid.u32;
	[bflag:$0x2] =	sbarrier.arrive $0xFFFF  }
0x60: {  	p0 =	sne.s32 s0, $0x0;
	s0 =	rddreg [dreg:$0x2]  }
0x61: {  	s0 =	sadd.s32 @!p0 $0x100000, s0  }
0x62: {  	[sflag:s0] =	ssyncadd.tile.s32 @!p0 $0x1;
	_ =	shalt  }
.Lfunc_end2:
_tile_overlayer_lowered:
.L_overlay_start_2:
0x63: {  	(tag) =	ssettag $0x2  }
0x64: {  	s0 =	rddreg [dreg:$0x0];
	s2 =	stileid.u32  }
0x65: {  	s1 =	rddreg [dreg:$0x1];
	p0 =	sne.s32 s2, $0x0  }
0x66: {  	s3 =	rddreg [dreg:$0x2];
	[bflag:$0x3] =	sbarrier.arrive $0xFFFF;
	s2 =	simm.s32 @!p0 $0x1C04  }
0x67: {  	[timem:s3], [sflag:s2] =	dma.local @!p0 [hbm:s0], s1  }
0x68: {  	s0 =	simm.s32 @!p0 $0x4  }
0x69: {  	_ =	swait.ge @!p0 [sflag:s0], s1  }
0x6a: {  	s1 =	ssub.s32 @!p0 $0x0, s1;
	[sflag:s0] =	ssyncset.done @!p0 $0x0  }
0x6b: {  	[sflag:s0] =	ssyncadd.s32 @!p0 s1  }
0x6c: {  	[bflag:$0x3] =	sbarrier.arrive $0xFFFF  }
0x6d: {  	_ =	shalt  }

// kernel: kernel.14.cloned.1.call-start
scs
__scs_entry_jumppad:
0x0: {  	(pc) =	sbr.rel $0x88, $3  }
0x1: {  	(tag) =	ssettag $0x0;
	lr =	simm.s32 $0x1  }
0x2: {  	[smem:$0x3F98] =	sst lr;
	_ =	strace $0xD0000000  }
0x3: {  	_ = 	snop  }
0x4: {  	_ = 	snop  }
0x5: {  	_ = 	snop  }
0x6: {  	_ = 	snop  }
0x7: {  	_ = 	snop  }
__scs_overlays_trampoline_lowered:
0x8: {  	[smem:$0x3FA7] =	sst s0  }
0x9: {  	[smem:$0x3FA8] =	sst s1  }
0xa: {  	[smem:$0x3FA9] =	sst s2  }
0xb: {  	[smem:$0x3FAA] =	sst s3  }
0xc: {  	[smem:$0x3FAB] =	sst s4  }
0xd: {  	[smem:$0x3FAC] =	sst s5  }
0xe: {  	[smem:$0x3FAD] =	sst s6  }
0xf: {  	[smem:$0x3FAE] =	sst s7  }
0x10: {  	[smem:$0x3FAF] =	sst s8  }
0x11: {  	[smem:$0x3FB0] =	sst s9;
	s0 =	simm.s32 @!p0 $0x0  }
0x12: {  	s1 =	sld [smem:$0x3F96];
	s0 =	simm.s32 @p0 $0x1  }
0x13: {  	[smem:$0x3FB1] =	sst s0;
	s0 =	simm.s32 @!p1 $0x0  }
0x14: {  	s2 =	sld [smem:$0x3F95];
	s0 =	simm.s32 @p1 $0x1  }
0x15: {  	[smem:$0x3FB2] =	sst s0;
	s0 =	simm.s32 @!p2 $0x0  }
0x16: {  	s3 =	sld [smem:$0x3FDB];
	s0 =	simm.s32 @p2 $0x1  }
0x17: {  	s4 =	simm.s32 $0x1BF5;
	[smem:$0x3FB4] =	sst s0  }
0x18: {  	s0 =	sld [smem:$0x3F97];
	_ =	swait.ge [sflag:s4], $0x0  }
0x19: {  	s7 =	sld [smem:$0x3F98]  }
0x1a: {  	s8 =	sadd.s32 $0xFFFFE003, lr  }
0x1b: {  	s9 =	sadd.s32 $0xFFFFFEF7, lr;
	s5 =	simm.s32 $0xFFFFFFFF;
	p2 =	slt.u32 s8, $0xFFFFF086  }
0x1c: {  	p1 =	slt.u32 s9, $0xF7A;
	s5 =	simm.s32 @!p2 $0x0  }
0x1d: {  	s5 =	simm.s32 @p1 $0x1;
	p0 =	seq.s32 s7, s2  }
0x1e: {  	s7 =	smul.u32 @!p0 $0xF7A, s2;
	p2 =	seq.s32 @!p0 s5, $0x0  }
0x1f: {  	s9 =	smul.u32 $0xF7A, s1;
	s8 =	simm.s32 @!p0 $0x1BF5;
	p2 =	por !p2, p0  }
0x20: {  	[sflag:s8] =	ssyncset.s32 @!p0 $0xFFFFF086;
	s6 =	sadd.s32 @!p0 s3, s7;
	s7 =	simm.s32 @!p0 $0x108  }
0x21: {  	s3 =	sadd.s32 s3, s9;
	s6 =	sadd.s32 @!p0 $0x88, s6;
	s7 =	simm.s32 @p2 $0x1082  }
0x22: {  	[simem:s7], [sflag:s8] =	dma.local @!p0 [hbm:s6], $0xF7A  }
0x23: {  	s9 =	sor.u32 $0xD0000000, s2;
	s6 =	simm.s32 $0x108;
	_ =	swait.ge @!p0 [sflag:s8], $0x0  }
0x24: {  	s3 =	sadd.s32 $0x88, s3;
	s6 =	simm.s32 @!p1 $0x1082;
	[sflag:s4] =	ssyncset.s32 $0xFFFFF086  }
0x25: {  	[simem:s6], [sflag:s4] =	dma.local [hbm:s3], $0xF7A  }
0x26: {  	[smem:$0x3F98] =	sst s1;
	(tag) =	ssettag s2;
	_ =	strace s9  }
0x27: {  	s1 =	sld [smem:$0x3FA8]  }
0x28: {  	s2 =	sld [smem:$0x3FA9]  }
0x29: {  	s4 =	sld [smem:$0x3FAB]  }
0x2a: {  	p0 =	seq.s32 s5, $0x0;
	s5 =	sld [smem:$0x3FAC]  }
0x2b: {  	s6 =	sld [smem:$0x3FAD]  }
0x2c: {  	s7 =	sld [smem:$0x3FAE]  }
0x2d: {  	s3 =	simm.s32 $0x108;
	s8 =	sld [smem:$0x3FAF]  }
0x2e: {  	s3 =	simm.s32 @!p0 $0x1082;
	s9 =	sld [smem:$0x3FB0]  }
0x2f: {  	lr =	sadd.s32 s0, s3;
	s0 =	sld [smem:$0x3FA7]  }
0x30: {  	s3 =	sld [smem:$0x3FAA]  }
0x31: {  	[smem:$0x3FB3] =	sst s10  }
0x32: {  	s10 =	sld [smem:$0x3FB1];
	_ =	sdelay $0x3  }
0x33: {  	p0 =	seq.s32 s10, $0x1;
	s10 =	sld [smem:$0x3FB3];
	_ =	sdelay $0x3  }
0x34: {  	[smem:$0x3FB3] =	sst s10  }
0x35: {  	s10 =	sld [smem:$0x3FB2];
	_ =	sdelay $0x3  }
0x36: {  	p1 =	seq.s32 s10, $0x1;
	s10 =	sld [smem:$0x3FB3];
	_ =	sdelay $0x3  }
0x37: {  	[smem:$0x3FB3] =	sst s10  }
0x38: {  	s10 =	sld [smem:$0x3FB4]  }
0x39: {  	_ = 	snop;
	(pc) =	sbr.ind lr, $3  }
0x3a: {  	_ = 	snop  }
0x3b: {  	_ = 	snop  }
0x3c: {  	p2 =	seq.s32 s10, $0x1;
	s10 =	sld [smem:$0x3FB3]  }
0x3d: {  	_ =	shalt  }
0x3e: {  	_ =	shalt  }
0x3f: {  	_ =	shalt  }
0x40: {  	_ =	shalt  }
0x41: {  	_ =	shalt  }
0x42: {  	_ =	shalt  }
0x43: {  	_ =	shalt  }
0x44: {  	_ =	shalt  }
0x45: {  	_ =	shalt  }
0x46: {  	_ =	shalt  }
0x47: {  	_ =	shalt  }
0x48: {  	_ =	shalt  }
0x49: {  	_ =	shalt  }
0x4a: {  	_ =	shalt  }
0x4b: {  	_ =	shalt  }
0x4c: {  	_ =	shalt  }
0x4d: {  	_ =	shalt  }
0x4e: {  	_ =	shalt  }
0x4f: {  	_ =	shalt  }
0x50: {  	_ =	shalt  }
0x51: {  	_ =	shalt  }
0x52: {  	_ =	shalt  }
0x53: {  	_ =	shalt  }
0x54: {  	_ =	shalt  }
0x55: {  	_ =	shalt  }
0x56: {  	_ =	shalt  }
0x57: {  	_ =	shalt  }
0x58: {  	_ =	shalt  }
0x59: {  	_ =	shalt  }
0x5a: {  	_ =	shalt  }
0x5b: {  	_ =	shalt  }
0x5c: {  	_ =	shalt  }
0x5d: {  	_ =	shalt  }
0x5e: {  	_ =	shalt  }
0x5f: {  	_ =	shalt  }
0x60: {  	_ =	shalt  }
0x61: {  	_ =	shalt  }
0x62: {  	_ =	shalt  }
0x63: {  	_ =	shalt  }
0x64: {  	_ =	shalt  }
0x65: {  	_ =	shalt  }
0x66: {  	_ =	shalt  }
0x67: {  	_ =	shalt  }
0x68: {  	_ =	shalt  }
0x69: {  	_ =	shalt  }
0x6a: {  	_ =	shalt  }
0x6b: {  	_ =	shalt  }
0x6c: {  	_ =	shalt  }
0x6d: {  	_ =	shalt  }
0x6e: {  	_ =	shalt  }
0x6f: {  	_ =	shalt  }
0x70: {  	_ =	shalt  }
0x71: {  	_ =	shalt  }
0x72: {  	_ =	shalt  }
0x73: {  	_ =	shalt  }
0x74: {  	_ =	shalt  }
0x75: {  	_ =	shalt  }
0x76: {  	_ =	shalt  }
0x77: {  	_ =	shalt  }
0x78: {  	_ =	shalt  }
0x79: {  	_ =	shalt  }
0x7a: {  	_ =	shalt  }
0x7b: {  	_ =	shalt  }
0x7c: {  	_ =	shalt  }
0x7d: {  	_ =	shalt  }
0x7e: {  	_ =	shalt  }
0x7f: {  	_ =	shalt  }
0x80: {  	_ =	shalt  }
0x81: {  	_ =	shalt  }
0x82: {  	_ =	shalt  }
0x83: {  	_ =	shalt  }
0x84: {  	_ =	shalt  }
0x85: {  	_ =	shalt  }
0x86: {  	_ =	shalt  }
0x87: {  	_ =	shalt  }
.Lfunc_end0:
.L_simem_size_0:
called_computation.2_lowered:
.L_overlay_start_0:
0x88: {  	s2 =	sld [smem:$0x3FD9]  }
0x89: {  	s3 =	sld [smem:$0x3FFE];
	_ =	sdelay $0x1  }
0x8a: {  	s1 =	srdreg.scid  }
0x8b: {  	s0 =	sand.u32 $0x1, s1  }
0x8c: {  	s16 =	sshll.u32 s0, $0xA;
	s2 =	sadd.s32 s3, s2  }
0x8d: {  	s2 =	sadd.s32 s2, s16  }
0x8e: {  	[smem:$0x3FBF] =	sst s2  }
0x8f: {  	_ = 	snop  }
0x90: {  	(tm) =	ssettm $0x1  }
0x91: {  	s17 =	sld [smem:$0x3FFB];
	_ =	sdelay $0x3  }
0x92: {  	_ =	strace s17  }
0x93: {  	s2 =	sld [smem:$0x3FFC];
	_ =	sdelay $0x3  }
0x94: {  	_ =	strace s2  }
0x95: {  	s2 =	sld [smem:$0x3FFD];
	_ =	sdelay $0x3  }
0x96: {  	_ =	strace s2  }
0x97: {  	_ =	strace $0x8FFFFFFF  }
0x98: {  	s18 =	sld [smem:$0x3FDB];
	_ =	sdelay $0x1  }
0x99: {  	s19 =	simm.s32 $_scs_section_size  }
0x9a: {  	s4 =	simm.s32 $_size__tile_overlayer_lowered;
	s5 =	simm.s32 $_tile_overlayer_lowered  }
0x9b: {  	s22 =	simm.s32 $0x1BFF;
	s21 =	sshll.u32 s5, $0x1;
	s2 =	sadd.s32 s19, s18  }
0x9c: {  	s6 =	simm.s32 $0x0;
	s20 =	sshll.u32 s4, $0x1;
	s4 =	sadd.s32 s21, s2  }
0x9d: {  	[timem:s6], [sflag:s22] =	dma.local [hbm:s4], s20  }
0x9e: {  	_ =	swait.ge [sflag:s22], s20  }
0x9f: {  	s3 =	ssub.s32 $0x0, s20;
	[sflag:s22] =	ssyncset.done $0x0  }
0xa0: {  	[sflag:s22] =	ssyncadd.s32 s3;
	_ =	sdelay $0x1  }
0xa1: {  	s23 =	simm.s32 $0x1B8B  }
0xa2: {  	_ =	swait.ge [sflag:s23], $0x1  }
0xa3: {  	[sflag:s23] =	ssyncset.done $0x0  }
0xa4: {  	s25 =	simm.s32 $0x1B8E;
	s24 =	sld [smem:$0x3FFE];
	[sflag:s23] =	ssyncadd.s32 $0xFFFFFFFF  }
0xa5: {  	s26 =	simm.s32 $execute0_lowered;
	[smem:$0x3FD2] =	sst s25  }
0xa6: {  	s4 =	sshll.u32 s26, $0x1;
	_ =	strace $0x8000004C;
	[dreg:$0x1] =	wrdreg $0xFFFFFFFF  }
0xa7: {  	s28 =	simm.s32 $_size_execute0_lowered;
	s2 =	sadd.s32 s2, s4;
	[dreg:$0x0] =	wrdreg $0x0  }
0xa8: {  	s4 =	sshll.u32 s28, $0x1;
	[dreg:$0x2] =	wrdreg s2  }
0xa9: {  	[dreg:$0x3] =	wrdreg s4  }
0xaa: {  	[dreg:$0x4] =	wrdreg $0xC0  }
0xab: {  	_ =	task [dreg:s6], $0x5FFFF  }
0xac: {  	[dreg:$0x1] =	wrdreg $0xFFFFFFFF  }
0xad: {  	[dreg:$0x0] =	wrdreg $0x60  }
0xae: {  	[dreg:$0x2] =	wrdreg s24  }
0xaf: {  	[dreg:$0x3] =	wrdreg $0xA0000  }
0xb0: {  	[dreg:$0x4] =	wrdreg $0x9  }
0xb1: {  	_ =	task.clear_ibuf [dreg:s6], $0x5FFFF;
	_ =	strace $0x9000004C  }
0xb2: {  	s29 =	simm.s32 $0x9;
	_ =	strace $0x8000004E  }
0xb3: {  	_ =	swait.ge [sflag:s29], $0x1  }
0xb4: {  	[sflag:s29] =	ssyncadd.s32 $0xFFFFFFFF  }
0xb5: {  	_ =	strace $0x9000004E  }
0xb6: {  	_ =	sfence  }
0xb7: {  	s30 =	sld [smem:$0x0];
	_ =	sdelay $0x2  }
0xb8: {  	s31 =	sshll.u32 s1, $0xD;
	s1 =	sshrl.u32 s1, $0x2  }
0xb9: {  	s3 =	sand.u32 $0x4000, s31;
	s1 =	sadd.s32 s1, s30  }
0xba: {  	s0 =	sor.u32 s3, s0;
	s1 =	sshll.u32 s1, $0x11  }
0xbb: {  	s0 =	sor.u32 s1, s0  }
0xbc: {  	s0 =	sadd.s32 $0x8F2B, s0  }
0xbd: {  	[sflag:s0] =	ssyncadd.remote.s32 $0x1  }
0xbe: {  	_ =	sfence.sel $0xFFFF  }
0xbf: {  	[dreg:$0x0] =	wrdreg $0xFFFFFFFF;
	(pc) =	sbr.abs _section_cstart, $3  }
0xc0: {  	[dreg:$0x1] =	wrdreg $0xFFFFFFFF  }
0xc1: {  	_ =	task.clear_ibuf [dreg:s6], $0x2FFFF;
	_ =	strace $0x9FFFFFFF  }
0xc2: {  	(tm) =	ssettm $0x7FFFFFFF  }
0xc3: {  	_ =	shalt  }
tec
execute0_lowered:
.L_overlay_start_1:
0x0: {  	(tag) =	ssettag $0x1  }
0x1: {  	s0 =	rddreg [dreg:$0x0]  }
0x2: {  	s2 =	rddreg [dreg:$0x1];
	s3 =	simm.s32 $0x0;
	s6 =	stileid.u32  }
0x3: {  	s1 =	srdreg.scid;
	s11 =	simm.s32 $0x1000;
	s12 =	simm.s32 $0x2  }
0x4: {  	s13 =	simm.s32 $0x40;
	s14 =	simm.s32 $0x2000;
	s20 =	simm.s32 $0x800  }
0x5: {  	s22 =	simm.s32 $0x1800;
	s23 =	simm.s32 $0x180;
	s25 =	simm.s32 $0x1  }
0x6: {  	s28 =	simm.s32 $0x4;
	s29 =	simm.s32 $0x0;
	s4 =	smul.u32 $0x1400, s6  }
0x7: {  	[smem:$0x7FF] =	sst s3;
	s1 =	sand.u32 $0x1, s1;
	s26 =	smul.u32 $0x50000, s6  }
0x8: {  	s24 =	smul.u32 $0x2800, s6;
	s6 =	sshll.u32 s6, $0x6;
	_ =	strace $0x8000004D  }
0x9: {  	s5 =	smul.u32 $0x28000, s1;
	s1 =	ssub.s32 $0x2, s1;
	s6 =	sor.u32 $0x1C04, s6  }
0xa: {  	s8 =	sadd.s32 s4, s0;
	s30 =	sshrl.u32 s1, $0x1;
	s31 =	sshrl.u32 s26, $0x2  }
.Ltmp0:
0xb: {  	s26 =	simm.s32 $0x3;
	s0 =	sadd.s32 s5, s0;
	(pc) =	sbr.rel .LBB2_1-.Ltmp0, $4  }
0xc: {  	s1 =	ssub.s32 s1, s30;
	s10 =	sadd.s32 s31, s2;
	s7 =	sadd.s32 $0x2AC00, s8  }
0xd: {  	s8 =	sadd.s32 $0x16C00, s8;
	s4 =	sadd.s32 $0x3EC00, s0;
	s0 =	sadd.s32 $0x8EC00, s0  }
0xe: {  	s9 =	smax.u32 s1, $0x1;
	s10 =	sshrl.u32 s10, $0x3;
	s19 =	sadd.s32 $0x100, s7  }
0xf: {  	s21 =	sadd.s32 $0x100, s8;
	s5 =	sadd.s32 s24, s4;
	s24 =	sadd.s32 s24, s0  }
.LBB2_8:
0x10: {  	_ =	swait.ge [sflag:s26], $0x2000  }
0x11: {  	s29 =	sadd.s32 $0x1, s29;
	[sflag:s26] =	ssyncset.done $0x0  }
0x12: {  	p0 =	sne.s32 s29, s9;
	[sflag:s26] =	ssyncadd.s32 $0xFFFFE000  }
.Ltmp1:
0x13: {  	[bflag:$0x0] =	sbarrier.arrive $0xFFFF;
	(pc) =	sbr.rel @!p0 .LBB2_9-.Ltmp1, $4  }
0x14: {  	[hbm:s24], [sflag:s6] =	dma.local [spmem:s10], $0x2800  }
0x15: {  	_ =	swait.ge [sflag:s28], $0x2800  }
0x16: {  	[sflag:s28] =	ssyncset.done $0x0  }
0x17: {  	[sflag:s28] =	ssyncadd.s32 $0xFFFFD800  }
.LBB2_1:
0x18: {  	[spmem:s10], [sflag:s6] =	dma.local [hbm:s5], $0x2800  }
0x19: {  	_ =	swait.ge [sflag:s28], $0x2800  }
0x1a: {  	[sflag:s28] =	ssyncset.done $0x0  }
0x1b: {  	[sflag:s28] =	ssyncadd.s32 $0xFFFFD800  }
0x1c: {  	[tilespmem:s3], [sflag:$0x2] =	stream.linear.gather [hbm4b:s7+s3], $0x800, $0x38;
	[tilespmem:$0x1E000] =	vst v63  }
0x1d: {  	_ = 	snop  }
0x1e: {  	[tilespmem:s11], [sflag:$0x2] =	stream.linear.gather [hbm4b:s8+s3], $0x800, $0x38;
	[tilespmem:$0x1E000] =	vst v63  }
0x1f: {  	_ =	swait.ge [sflag:s12], $0x800  }
0x20: {  	[sflag:s12] =	ssyncset.done $0x0  }
0x21: {  	[sflag:s12] =	ssyncadd.s32 $0xFFFFF800  }
0x22: {  	_ =	swait.ge [sflag:s12], $0x800  }
0x23: {  	[sflag:s12] =	ssyncset.done $0x0  }
0x24: {  	[sflag:s12] =	ssyncadd.s32 $0xFFFFF800  }
0x25: {  	[bflag:$0x0] =	sbarrier.arrive $0xFFFF  }
0x26: {  	[tilespmem:s14], [sflag:$0x1] =	stream.indirect.gather [hbm4b:s4+s13], $0x80, s3, s13, $0xb8;
	[tilespmem:$0x1E000] =	vst v63  }
0x27: {  	s0 =	simm.s32 $0x80;
	s1 =	simm.s32 $0x4000  }
0x28: {  	[tilespmem:s1], [sflag:$0x1] =	stream.indirect.gather [hbm4b:s4+s13], $0x80, s0, s13, $0xb8;
	[tilespmem:$0x1E000] =	vst v63  }
0x29: {  	s17 =	simm.s32 $0x100;
	s18 =	simm.s32 $0x6000  }
0x2a: {  	[tilespmem:s18], [sflag:$0x1] =	stream.indirect.gather [hbm4b:s4+s13], $0x80, s17, s13, $0xb8;
	[tilespmem:$0x1E000] =	vst v63  }
0x2b: {  	_ =	swait.ge [sflag:s25], $0x2000  }
0x2c: {  	[sflag:s25] =	ssyncset.done $0x0  }
0x2d: {  	[sflag:s25] =	ssyncadd.s32 $0xFFFFE000  }
0x2e: {  	[spmem:s2] =	stream.indirect.scatter.add.f32 [tilespmem:s14], [sflag:$0x3], $0x80, s11, s13, $0xb8;
	[tilespmem:$0x1E000] =	vst v63  }
0x2f: {  	_ = 	snop  }
0x30: {  	[tilespmem:s20], [sflag:$0x2] =	stream.linear.gather [hbm4b:s19+s3], $0x800, $0x38;
	[tilespmem:$0x1E000] =	vst v63  }
.Ltmp2:
0x31: {  	_ = 	snop;
	(pc) =	sbr.rel .LBB2_2-.Ltmp2, $4  }
0x32: {  	_ = 	snop  }
0x33: {  	[tilespmem:s22], [sflag:$0x2] =	stream.linear.gather [hbm4b:s21+s3], $0x800, $0x38;
	[tilespmem:$0x1E000] =	vst v63  }
0x34: {  	s30 =	simm.s32 $0x8000;
	s31 =	simm.s32 $0x4;
	s0 =	simm.s32 $0x1  }
0x35: {  	[tilespmem:s30], [sflag:$0x1] =	stream.indirect.gather [hbm4b:s4+s13], $0x80, s23, s13, $0xb8;
	[tilespmem:$0x1E000] =	vst v63  }
.LBB2_3:
0x36: {  	s1 =	sshrl.u32 s1, $0x4  }
0x37: {  	s1 =	sadd.s32 $0x1, s1  }
0x38: {  	s15 =	sshll.u32 s1, $0xB;
	s1 =	sshll.u32 s1, $0x8  }
0x39: {  	s15 =	sand.u32 $0x800, s15;
	s16 =	sadd.s32 s7, s1  }
0x3a: {  	[tilespmem:s15], [sflag:$0x2] =	stream.linear.gather [hbm4b:s16+s3], $0x800, $0x38;
	[tilespmem:$0x1E000] =	vst v63  }
0x3b: {  	s1 =	sadd.s32 s8, s1;
	s15 =	sor.u32 $0x1000, s15  }
0x3c: {  	[tilespmem:s15], [sflag:$0x2] =	stream.linear.gather [hbm4b:s1+s3], $0x800, $0x38;
	[tilespmem:$0x1E000] =	vst v63  }
0x3d: {  	s1 =	smov.u32 s31  }
.LBB2_6:
0x3e: {  	s15 =	sand.u32 $0xF, s1  }
0x3f: {  	p0 =	sne.s32 s15, $0x0  }
0x40: {  	s16 =	simm.s32 @!p0 $0x2  }
0x41: {  	_ =	swait.ge @!p0 [sflag:s16], $0x800  }
0x42: {  	[sflag:s16] =	ssyncset.done @!p0 $0x0  }
0x43: {  	s17 =	sshll.u32 s1, $0xD;
	[sflag:s16] =	ssyncadd.s32 @!p0 $0xFFFFF800  }
0x44: {  	s18 =	sshll.u32 s1, $0x7;
	s17 =	sand.u32 $0x6000, s17;
	_ =	swait.ge @!p0 [sflag:s16], $0x800  }
0x45: {  	s1 =	sand.u32 $0x800, s18;
	s15 =	sshll.u32 s15, $0x7;
	[sflag:s16] =	ssyncset.done @!p0 $0x0  }
0x46: {  	s18 =	sadd.s32 $0x2000, s17;
	s1 =	sor.u32 s15, s1;
	[sflag:s16] =	ssyncadd.s32 @!p0 $0xFFFFF800  }
0x47: {  	[tilespmem:s18], [sflag:$0x1] =	stream.indirect.gather [hbm4b:s4+s13], $0x80, s1, s13, $0xb8;
	[tilespmem:$0x1E000] =	vst v63  }
.LBB2_7:
0x48: {  	s31 =	sadd.s32 $0x1, s31  }
0x49: {  	p0 =	sne.s32 s31, $0x143  }
.Ltmp3:
0x4a: {  	_ = 	snop;
	(pc) =	sbr.rel @!p0 .LBB2_8-.Ltmp3, $2  }
0x4b: {  	_ =	sdelay $0x2  }
0x4c: {  	s0 =	sadd.s32 $0x1, s0;
	s30 =	sadd.s32 $0x8000, s30  }
.LBB2_2:
0x4d: {  	s1 =	sadd.s32 $0xFFFFFFFD, s31  }
0x4e: {  	s16 =	sand.u32 $0xF, s1;
	p0 =	sgt.u32 s1, $0x12F  }
0x4f: {  	_ =	swait.ge [sflag:s25], $0x2000;
	p1 =	sne.s32 @!p0 s16, $0x0  }
0x50: {  	s15 =	sand.u32 $0x18000, s30;
	[sflag:s25] =	ssyncset.done $0x0;
	p0 =	por p0, p1  }
.Ltmp4:
0x51: {  	s17 =	sshll.u32 s1, $0x7;
	[sflag:s25] =	ssyncadd.s32 $0xFFFFE000;
	(pc) =	sbr.rel @!p0 .LBB2_3-.Ltmp4, $4  }
0x52: {  	s17 =	sand.u32 $0x800, s17;
	s18 =	sshll.u32 s16, $0x7;
	_ =	swait.ge [sflag:s26], $0x2000  }
0x53: {  	s15 =	sshrl.u32 s15, $0x2;
	s17 =	sor.u32 s18, s17;
	[sflag:s26] =	ssyncset.done $0x0  }
0x54: {  	s15 =	sadd.s32 $0x2000, s15;
	s17 =	sor.u32 $0x1000, s17;
	[sflag:s26] =	ssyncadd.s32 $0xFFFFE000  }
0x55: {  	[spmem:s2] =	stream.indirect.scatter.add.f32 [tilespmem:s15], [sflag:$0x3], $0x80, s17, s13, $0xb8;
	[tilespmem:$0x1E000] =	vst v63  }
0x56: {  	p0 =	sgt.u32 s1, $0x13C  }
.Ltmp5:
0x57: {  	_ = 	snop;
	(pc) =	sbr.rel @p0 .LBB2_7-.Ltmp5, $1  }
0x58: {  	_ =	sdelay $0x3  }
.Ltmp6:
0x59: {  	(pc) =	sbr.rel .LBB2_6-.Ltmp6, $2  }
0x5a: {  	_ =	sdelay $0x2  }
0x5b: {  	s1 =	sadd.s32 $0x3, s0  }
.LBB2_9:
0x5c: {  	_ =	sfence.sel $0x180000  }
0x5d: {  	[bflag:$0x0] =	sbarrier.arrive $0xFFFF  }
0x5e: {  	_ =	strace $0x9000004D  }
0x5f: {  	s0 =	stileid.u32;
	[bflag:$0x2] =	sbarrier.arrive $0xFFFF  }
0x60: {  	p0 =	sne.s32 s0, $0x0;
	s0 =	rddreg [dreg:$0x2]  }
0x61: {  	s0 =	sadd.s32 @!p0 $0x100000, s0  }
0x62: {  	[sflag:s0] =	ssyncadd.tile.s32 @!p0 $0x1;
	_ =	shalt  }
.Lfunc_end2:
_tile_overlayer_lowered:
.L_overlay_start_2:
0x63: {  	(tag) =	ssettag $0x2  }
0x64: {  	s0 =	rddreg [dreg:$0x0];
	s2 =	stileid.u32  }
0x65: {  	s1 =	rddreg [dreg:$0x1];
	p0 =	sne.s32 s2, $0x0  }
0x66: {  	s3 =	rddreg [dreg:$0x2];
	[bflag:$0x3] =	sbarrier.arrive $0xFFFF;
	s2 =	simm.s32 @!p0 $0x1C04  }
0x67: {  	[timem:s3], [sflag:s2] =	dma.local @!p0 [hbm:s0], s1  }
0x68: {  	s0 =	simm.s32 @!p0 $0x4  }
0x69: {  	_ =	swait.ge @!p0 [sflag:s0], s1  }
0x6a: {  	s1 =	ssub.s32 @!p0 $0x0, s1;
	[sflag:s0] =	ssyncset.done @!p0 $0x0  }
0x6b: {  	[sflag:s0] =	ssyncadd.s32 @!p0 s1  }
0x6c: {  	[bflag:$0x3] =	sbarrier.arrive $0xFFFF  }
0x6d: {  	_ =	shalt  }

// kernel: kernel.8.cloned.1.call-start
scs
__scs_entry_jumppad:
0x0: {  	(pc) =	sbr.rel $0x88, $3  }
0x1: {  	(tag) =	ssettag $0x0;
	lr =	simm.s32 $0x1  }
0x2: {  	[smem:$0x3F98] =	sst lr;
	_ =	strace $0xD0000000  }
0x3: {  	_ = 	snop  }
0x4: {  	_ = 	snop  }
0x5: {  	_ = 	snop  }
0x6: {  	_ = 	snop  }
0x7: {  	_ = 	snop  }
__scs_overlays_trampoline_lowered:
0x8: {  	[smem:$0x3FA7] =	sst s0  }
0x9: {  	[smem:$0x3FA8] =	sst s1  }
0xa: {  	[smem:$0x3FA9] =	sst s2  }
0xb: {  	[smem:$0x3FAA] =	sst s3  }
0xc: {  	[smem:$0x3FAB] =	sst s4  }
0xd: {  	[smem:$0x3FAC] =	sst s5  }
0xe: {  	[smem:$0x3FAD] =	sst s6  }
0xf: {  	[smem:$0x3FAE] =	sst s7  }
0x10: {  	[smem:$0x3FAF] =	sst s8  }
0x11: {  	[smem:$0x3FB0] =	sst s9;
	s0 =	simm.s32 @!p0 $0x0  }
0x12: {  	s1 =	sld [smem:$0x3F96];
	s0 =	simm.s32 @p0 $0x1  }
0x13: {  	[smem:$0x3FB1] =	sst s0;
	s0 =	simm.s32 @!p1 $0x0  }
0x14: {  	s2 =	sld [smem:$0x3F95];
	s0 =	simm.s32 @p1 $0x1  }
0x15: {  	[smem:$0x3FB2] =	sst s0;
	s0 =	simm.s32 @!p2 $0x0  }
0x16: {  	s3 =	sld [smem:$0x3FDB];
	s0 =	simm.s32 @p2 $0x1  }
0x17: {  	s4 =	simm.s32 $0x1BF5;
	[smem:$0x3FB4] =	sst s0  }
0x18: {  	s0 =	sld [smem:$0x3F97];
	_ =	swait.ge [sflag:s4], $0x0  }
0x19: {  	s7 =	sld [smem:$0x3F98]  }
0x1a: {  	s8 =	sadd.s32 $0xFFFFE003, lr  }
0x1b: {  	s9 =	sadd.s32 $0xFFFFFEF7, lr;
	s5 =	simm.s32 $0xFFFFFFFF;
	p2 =	slt.u32 s8, $0xFFFFF086  }
0x1c: {  	p1 =	slt.u32 s9, $0xF7A;
	s5 =	simm.s32 @!p2 $0x0  }
0x1d: {  	s5 =	simm.s32 @p1 $0x1;
	p0 =	seq.s32 s7, s2  }
0x1e: {  	s7 =	smul.u32 @!p0 $0xF7A, s2;
	p2 =	seq.s32 @!p0 s5, $0x0  }
0x1f: {  	s9 =	smul.u32 $0xF7A, s1;
	s8 =	simm.s32 @!p0 $0x1BF5;
	p2 =	por !p2, p0  }
0x20: {  	[sflag:s8] =	ssyncset.s32 @!p0 $0xFFFFF086;
	s6 =	sadd.s32 @!p0 s3, s7;
	s7 =	simm.s32 @!p0 $0x108  }
0x21: {  	s3 =	sadd.s32 s3, s9;
	s6 =	sadd.s32 @!p0 $0x88, s6;
	s7 =	simm.s32 @p2 $0x1082  }
0x22: {  	[simem:s7], [sflag:s8] =	dma.local @!p0 [hbm:s6], $0xF7A  }
0x23: {  	s9 =	sor.u32 $0xD0000000, s2;
	s6 =	simm.s32 $0x108;
	_ =	swait.ge @!p0 [sflag:s8], $0x0  }
0x24: {  	s3 =	sadd.s32 $0x88, s3;
	s6 =	simm.s32 @!p1 $0x1082;
	[sflag:s4] =	ssyncset.s32 $0xFFFFF086  }
0x25: {  	[simem:s6], [sflag:s4] =	dma.local [hbm:s3], $0xF7A  }
0x26: {  	[smem:$0x3F98] =	sst s1;
	(tag) =	ssettag s2;
	_ =	strace s9  }
0x27: {  	s1 =	sld [smem:$0x3FA8]  }
0x28: {  	s2 =	sld [smem:$0x3FA9]  }
0x29: {  	s4 =	sld [smem:$0x3FAB]  }
0x2a: {  	p0 =	seq.s32 s5, $0x0;
	s5 =	sld [smem:$0x3FAC]  }
0x2b: {  	s6 =	sld [smem:$0x3FAD]  }
0x2c: {  	s7 =	sld [smem:$0x3FAE]  }
0x2d: {  	s3 =	simm.s32 $0x108;
	s8 =	sld [smem:$0x3FAF]  }
0x2e: {  	s3 =	simm.s32 @!p0 $0x1082;
	s9 =	sld [smem:$0x3FB0]  }
0x2f: {  	lr =	sadd.s32 s0, s3;
	s0 =	sld [smem:$0x3FA7]  }
0x30: {  	s3 =	sld [smem:$0x3FAA]  }
0x31: {  	[smem:$0x3FB3] =	sst s10  }
0x32: {  	s10 =	sld [smem:$0x3FB1];
	_ =	sdelay $0x3  }
0x33: {  	p0 =	seq.s32 s10, $0x1;
	s10 =	sld [smem:$0x3FB3];
	_ =	sdelay $0x3  }
0x34: {  	[smem:$0x3FB3] =	sst s10  }
0x35: {  	s10 =	sld [smem:$0x3FB2];
	_ =	sdelay $0x3  }
0x36: {  	p1 =	seq.s32 s10, $0x1;
	s10 =	sld [smem:$0x3FB3];
	_ =	sdelay $0x3  }
0x37: {  	[smem:$0x3FB3] =	sst s10  }
0x38: {  	s10 =	sld [smem:$0x3FB4]  }
0x39: {  	_ = 	snop;
	(pc) =	sbr.ind lr, $3  }
0x3a: {  	_ = 	snop  }
0x3b: {  	_ = 	snop  }
0x3c: {  	p2 =	seq.s32 s10, $0x1;
	s10 =	sld [smem:$0x3FB3]  }
0x3d: {  	_ =	shalt  }
0x3e: {  	_ =	shalt  }
0x3f: {  	_ =	shalt  }
0x40: {  	_ =	shalt  }
0x41: {  	_ =	shalt  }
0x42: {  	_ =	shalt  }
0x43: {  	_ =	shalt  }
0x44: {  	_ =	shalt  }
0x45: {  	_ =	shalt  }
0x46: {  	_ =	shalt  }
0x47: {  	_ =	shalt  }
0x48: {  	_ =	shalt  }
0x49: {  	_ =	shalt  }
0x4a: {  	_ =	shalt  }
0x4b: {  	_ =	shalt  }
0x4c: {  	_ =	shalt  }
0x4d: {  	_ =	shalt  }
0x4e: {  	_ =	shalt  }
0x4f: {  	_ =	shalt  }
0x50: {  	_ =	shalt  }
0x51: {  	_ =	shalt  }
0x52: {  	_ =	shalt  }
0x53: {  	_ =	shalt  }
0x54: {  	_ =	shalt  }
0x55: {  	_ =	shalt  }
0x56: {  	_ =	shalt  }
0x57: {  	_ =	shalt  }
0x58: {  	_ =	shalt  }
0x59: {  	_ =	shalt  }
0x5a: {  	_ =	shalt  }
0x5b: {  	_ =	shalt  }
0x5c: {  	_ =	shalt  }
0x5d: {  	_ =	shalt  }
0x5e: {  	_ =	shalt  }
0x5f: {  	_ =	shalt  }
0x60: {  	_ =	shalt  }
0x61: {  	_ =	shalt  }
0x62: {  	_ =	shalt  }
0x63: {  	_ =	shalt  }
0x64: {  	_ =	shalt  }
0x65: {  	_ =	shalt  }
0x66: {  	_ =	shalt  }
0x67: {  	_ =	shalt  }
0x68: {  	_ =	shalt  }
0x69: {  	_ =	shalt  }
0x6a: {  	_ =	shalt  }
0x6b: {  	_ =	shalt  }
0x6c: {  	_ =	shalt  }
0x6d: {  	_ =	shalt  }
0x6e: {  	_ =	shalt  }
0x6f: {  	_ =	shalt  }
0x70: {  	_ =	shalt  }
0x71: {  	_ =	shalt  }
0x72: {  	_ =	shalt  }
0x73: {  	_ =	shalt  }
0x74: {  	_ =	shalt  }
0x75: {  	_ =	shalt  }
0x76: {  	_ =	shalt  }
0x77: {  	_ =	shalt  }
0x78: {  	_ =	shalt  }
0x79: {  	_ =	shalt  }
0x7a: {  	_ =	shalt  }
0x7b: {  	_ =	shalt  }
0x7c: {  	_ =	shalt  }
0x7d: {  	_ =	shalt  }
0x7e: {  	_ =	shalt  }
0x7f: {  	_ =	shalt  }
0x80: {  	_ =	shalt  }
0x81: {  	_ =	shalt  }
0x82: {  	_ =	shalt  }
0x83: {  	_ =	shalt  }
0x84: {  	_ =	shalt  }
0x85: {  	_ =	shalt  }
0x86: {  	_ =	shalt  }
0x87: {  	_ =	shalt  }
.Lfunc_end0:
.L_simem_size_0:
called_computation_lowered:
.L_overlay_start_0:
0x88: {  	s2 =	sld [smem:$0x3FD9]  }
0x89: {  	s3 =	sld [smem:$0x3FFE];
	_ =	sdelay $0x1  }
0x8a: {  	s1 =	srdreg.scid  }
0x8b: {  	s0 =	sand.u32 $0x1, s1  }
0x8c: {  	s16 =	sshll.u32 s0, $0xA;
	s2 =	sadd.s32 s3, s2  }
0x8d: {  	s2 =	sadd.s32 s2, s16  }
0x8e: {  	[smem:$0x3FBF] =	sst s2  }
0x8f: {  	_ = 	snop  }
0x90: {  	(tm) =	ssettm $0x1  }
0x91: {  	s17 =	sld [smem:$0x3FFB];
	_ =	sdelay $0x3  }
0x92: {  	_ =	strace s17  }
0x93: {  	s2 =	sld [smem:$0x3FFC];
	_ =	sdelay $0x3  }
0x94: {  	_ =	strace s2  }
0x95: {  	s2 =	sld [smem:$0x3FFD];
	_ =	sdelay $0x3  }
0x96: {  	_ =	strace s2  }
0x97: {  	_ =	strace $0x8FFFFFFF  }
0x98: {  	s18 =	sld [smem:$0x3FDB];
	_ =	sdelay $0x1  }
0x99: {  	s19 =	simm.s32 $_scs_section_size  }
0x9a: {  	s4 =	simm.s32 $_size__tile_overlayer_lowered;
	s5 =	simm.s32 $_tile_overlayer_lowered  }
0x9b: {  	s22 =	simm.s32 $0x1BFF;
	s21 =	sshll.u32 s5, $0x1;
	s2 =	sadd.s32 s19, s18  }
0x9c: {  	s6 =	simm.s32 $0x0;
	s20 =	sshll.u32 s4, $0x1;
	s4 =	sadd.s32 s21, s2  }
0x9d: {  	[timem:s6], [sflag:s22] =	dma.local [hbm:s4], s20  }
0x9e: {  	_ =	swait.ge [sflag:s22], s20  }
0x9f: {  	s3 =	ssub.s32 $0x0, s20;
	[sflag:s22] =	ssyncset.done $0x0  }
0xa0: {  	[sflag:s22] =	ssyncadd.s32 s3;
	_ =	sdelay $0x1  }
0xa1: {  	s23 =	simm.s32 $0x1B8B  }
0xa2: {  	_ =	swait.ge [sflag:s23], $0x1  }
0xa3: {  	[sflag:s23] =	ssyncset.done $0x0  }
0xa4: {  	s25 =	simm.s32 $0x1B8E;
	s24 =	sld [smem:$0x3FFE];
	[sflag:s23] =	ssyncadd.s32 $0xFFFFFFFF  }
0xa5: {  	s26 =	simm.s32 $execute0_lowered;
	[smem:$0x3FD2] =	sst s25  }
0xa6: {  	s4 =	sshll.u32 s26, $0x1;
	_ =	strace $0x80000046;
	[dreg:$0x1] =	wrdreg $0xFFFFFFFF  }
0xa7: {  	s28 =	simm.s32 $_size_execute0_lowered;
	s2 =	sadd.s32 s2, s4;
	[dreg:$0x0] =	wrdreg $0x0  }
0xa8: {  	s4 =	sshll.u32 s28, $0x1;
	[dreg:$0x2] =	wrdreg s2  }
0xa9: {  	[dreg:$0x3] =	wrdreg s4  }
0xaa: {  	[dreg:$0x4] =	wrdreg $0xC0  }
0xab: {  	_ =	task [dreg:s6], $0x5FFFF  }
0xac: {  	[dreg:$0x1] =	wrdreg $0xFFFFFFFF  }
0xad: {  	[dreg:$0x0] =	wrdreg $0x60  }
0xae: {  	[dreg:$0x2] =	wrdreg s24  }
0xaf: {  	[dreg:$0x3] =	wrdreg $0x53000  }
0xb0: {  	[dreg:$0x4] =	wrdreg $0x9  }
0xb1: {  	_ =	task.clear_ibuf [dreg:s6], $0x5FFFF;
	_ =	strace $0x90000046  }
0xb2: {  	s29 =	simm.s32 $0x9;
	_ =	strace $0x80000048  }
0xb3: {  	_ =	swait.ge [sflag:s29], $0x1  }
0xb4: {  	[sflag:s29] =	ssyncadd.s32 $0xFFFFFFFF  }
0xb5: {  	_ =	strace $0x90000048  }
0xb6: {  	_ =	sfence  }
0xb7: {  	s30 =	sld [smem:$0x0];
	_ =	sdelay $0x2  }
0xb8: {  	s31 =	sshll.u32 s1, $0xD;
	s1 =	sshrl.u32 s1, $0x2  }
0xb9: {  	s3 =	sand.u32 $0x4000, s31;
	s1 =	sadd.s32 s1, s30  }
0xba: {  	s0 =	sor.u32 s3, s0;
	s1 =	sshll.u32 s1, $0x11  }
0xbb: {  	s0 =	sor.u32 s1, s0  }
0xbc: {  	s0 =	sadd.s32 $0x8F2B, s0  }
0xbd: {  	[sflag:s0] =	ssyncadd.remote.s32 $0x1  }
0xbe: {  	_ =	sfence.sel $0xFFFF  }
0xbf: {  	[dreg:$0x0] =	wrdreg $0xFFFFFFFF;
	(pc) =	sbr.abs _section_cstart, $3  }
0xc0: {  	[dreg:$0x1] =	wrdreg $0xFFFFFFFF  }
0xc1: {  	_ =	task.clear_ibuf [dreg:s6], $0x2FFFF;
	_ =	strace $0x9FFFFFFF  }
0xc2: {  	(tm) =	ssettm $0x7FFFFFFF  }
0xc3: {  	_ =	shalt  }
tec
execute0_lowered:
.L_overlay_start_1:
0x0: {  	(tag) =	ssettag $0x1  }
0x1: {  	s5 =	rddreg [dreg:$0x0]  }
0x2: {  	s0 =	srdreg.scid;
	s2 =	rddreg [dreg:$0x1]  }
0x3: {  	s1 =	rddreg [dreg:$0x2];
	s3 =	simm.s32 $0x0;
	s10 =	simm.s32 $0x40  }
0x4: {  	s11 =	simm.s32 $0x5000;
	s15 =	simm.s32 $0x20;
	s16 =	simm.s32 $0x10  }
0x5: {  	s17 =	simm.s32 $0x0;
	s4 =	sand.u32 $0x1, s0;
	s0 =	stileid.u32  }
0x6: {  	[smem:$0x7FF] =	sst s3;
	s6 =	sshll.u32 s4, $0x4;
	s8 =	smul.u32 $0xA00, s0  }
0x7: {  	_ =	strace $0x80000047;
	s4 =	ssub.s32 $0x2, s4;
	s13 =	smul.u32 $0xA0, s0  }
0x8: {  	s14 =	sshll.u32 s0, $0x6;
	s7 =	sor.u32 s0, s6;
	s6 =	sadd.s32 s6, s5  }
0x9: {  	s31 =	sshrl.u32 s4, $0x1;
	s7 =	smul.u32 $0xA00, s7;
	s8 =	sshrl.u32 s8, $0x2  }
0xa: {  	s9 =	ssub.s32 s4, s31;
	s12 =	sadd.s32 $0x16200, s6;
	s4 =	sadd.s32 s8, s2  }
0xb: {  	s6 =	smax.u32 s9, $0x1;
	s8 =	simm.s32 $0x2;
	s9 =	simm.s32 $0x1  }
0xc: {  	s12 =	sadd.s32 s13, s12;
	s13 =	sor.u32 $0x1C02, s14;
	s7 =	sadd.s32 s7, s5  }
0xd: {  	v0 =	vimm.f32 $1.000000000e+00;
	v1 =	vimm.f32 $0.0e+00;
	s14 =	sshrl.u32 s4, $0x3;
	s5 =	sadd.s32 $0x2200, s7;
	s7 =	simm.s32 $0x5080  }
.LBB2_1:
0xe: {  	[tilespmem:$0x5000] =	vst v0  }
0xf: {  	[tilespmem:$0x5010] =	vst v0  }
0x10: {  	[tilespmem:$0x5020] =	vst v0  }
0x11: {  	[tilespmem:$0x5030] =	vst v0  }
0x12: {  	[tilespmem:$0x5080] =	vst v1  }
0x13: {  	[tilespmem:$0x5090] =	vst v1  }
0x14: {  	[tilespmem:$0x50A0] =	vst v1  }
0x15: {  	[tilespmem:$0x50B0] =	vst v1  }
0x16: {  	[tilespmem:$0x50C0] =	vst v1  }
0x17: {  	[tilespmem:$0x50D0] =	vst v1  }
0x18: {  	[tilespmem:$0x50E0] =	vst v1  }
0x19: {  	[tilespmem:$0x50F0] =	vst v1  }
0x1a: {  	[tilespmem:$0x5100] =	vst v1  }
0x1b: {  	[tilespmem:$0x5110] =	vst v1  }
0x1c: {  	[tilespmem:$0x5120] =	vst v1  }
0x1d: {  	[tilespmem:$0x5130] =	vst v1  }
0x1e: {  	[tilespmem:$0x5140] =	vst v1  }
0x1f: {  	[tilespmem:$0x5150] =	vst v1  }
0x20: {  	[tilespmem:$0x5160] =	vst v1  }
0x21: {  	[tilespmem:$0x5170] =	vst v1  }
0x22: {  	[tilespmem:$0x5180] =	vst v1  }
0x23: {  	[tilespmem:$0x5190] =	vst v1  }
0x24: {  	[tilespmem:$0x51A0] =	vst v1  }
0x25: {  	[tilespmem:$0x51B0] =	vst v1  }
0x26: {  	[tilespmem:$0x51C0] =	vst v1  }
0x27: {  	[tilespmem:$0x51D0] =	vst v1  }
0x28: {  	[tilespmem:$0x51E0] =	vst v1  }
0x29: {  	[tilespmem:$0x51F0] =	vst v1  }
0x2a: {  	[tilespmem:$0x5200] =	vst v1  }
0x2b: {  	[tilespmem:$0x5210] =	vst v1  }
0x2c: {  	[tilespmem:$0x5220] =	vst v1  }
0x2d: {  	[tilespmem:$0x5230] =	vst v1  }
0x2e: {  	[tilespmem:$0x5240] =	vst v1  }
0x2f: {  	[tilespmem:$0x5250] =	vst v1  }
0x30: {  	[tilespmem:$0x5260] =	vst v1  }
0x31: {  	[tilespmem:$0x5270] =	vst v1  }
0x32: {  	[tilespmem:$0x5280] =	vst v1  }
0x33: {  	[tilespmem:$0x5290] =	vst v1  }
0x34: {  	[tilespmem:$0x52A0] =	vst v1  }
0x35: {  	[tilespmem:$0x52B0] =	vst v1  }
0x36: {  	[tilespmem:$0x52C0] =	vst v1  }
0x37: {  	[tilespmem:$0x52D0] =	vst v1  }
0x38: {  	[tilespmem:$0x52E0] =	vst v1  }
0x39: {  	[tilespmem:$0x52F0] =	vst v1  }
0x3a: {  	[spmem:s4] =	stream.linear.scatter [tilespmem:s7], [sflag:$0x2], $0x280, $0x38;
	[tilespmem:$0x5580] =	vst v63  }
0x3b: {  	_ =	swait.ge [sflag:s8], $0x280  }
0x3c: {  	[sflag:s8] =	ssyncset.done $0x0  }
0x3d: {  	[sflag:s8] =	ssyncadd.s32 $0xFFFFFD80  }
0x3e: {  	[tilespmem:s3], [sflag:$0x1] =	stream.linear.gather [hbm4b:s5+s3], $0x5000, $0x38;
	[tilespmem:$0x5580] =	vst v63  }
0x3f: {  	_ =	swait.ge [sflag:s9], $0x5000  }
0x40: {  	[sflag:s9] =	ssyncset.done $0x0  }
0x41: {  	[sflag:s9] =	ssyncadd.s32 $0xFFFFB000  }
0x42: {  	s18 =	simm.s32 $0x0;
	[bflag:$0x0] =	sbarrier.arrive $0xFFFF  }
0x43: {  	[spmem:s2] =	stream.indirect.scatter.add.f32 [tilespmem:s11], [sflag:$0x2], $0x1, s18, s10, $0xb8;
	[tilespmem:$0x5580] =	vst v63  }
0x44: {  	_ =	swait.ge [sflag:s8], $0x40  }
0x45: {  	s18 =	simm.s32 $0x200;
	[sflag:s8] =	ssyncset.done $0x0  }
.LBB2_2:
0x46: {  	s19 =	sshra.s32 s18, $0x2;
	[sflag:s8] =	ssyncadd.s32 $0xFFFFFFC0;
	p0 =	sne.s32 s18, $0x13E00  }
0x47: {  	[spmem:s2] =	stream.indirect.scatter.add.f32 [tilespmem:s11], [sflag:$0x2], $0x1, s19, s10, $0xb8;
	[tilespmem:$0x5580] =	vst v63  }
.Ltmp0:
0x48: {  	_ = 	snop;
	(pc) =	sbr.rel @p0 .LBB2_2-.Ltmp0, $4  }
0x49: {  	_ = 	snop  }
0x4a: {  	s18 =	sadd.s32 $0x200, s18  }
0x4b: {  	_ =	swait.ge [sflag:s8], $0x40  }
0x4c: {  	[sflag:s8] =	ssyncset.done $0x0  }
0x4d: {  	s17 =	sadd.s32 $0x1, s17  }
0x4e: {  	[sflag:s8] =	ssyncadd.s32 $0xFFFFFFC0;
	p0 =	sne.s32 s17, s6  }
.Ltmp1:
0x4f: {  	[bflag:$0x0] =	sbarrier.arrive $0xFFFF;
	(pc) =	sbr.rel @p0 .LBB2_1-.Ltmp1, $4  }
0x50: {  	[hbm:s12@s15], [sflag:s13] =	dma.strided [spmem:s14@s16], $0x50, s9, $0x10   }
0x51: {  	_ =	swait.ge [sflag:s8], $0x50  }
0x52: {  	[sflag:s8] =	ssyncset.done $0x0  }
0x53: {  	[sflag:s8] =	ssyncadd.s32 $0xFFFFFFB0  }
0x54: {  	_ =	sfence.sel $0x180000  }
0x55: {  	[bflag:$0x0] =	sbarrier.arrive $0xFFFF  }
0x56: {  	p0 =	sne.s32 s0, $0x0;
	_ =	strace $0x90000047  }
0x57: {  	s0 =	sadd.s32 @!p0 $0x100000, s1;
	[bflag:$0x2] =	sbarrier.arrive $0xFFFF  }
0x58: {  	[sflag:s0] =	ssyncadd.tile.s32 @!p0 $0x1;
	_ =	shalt  }
.Lfunc_end2:
_tile_overlayer_lowered:
.L_overlay_start_2:
0x59: {  	(tag) =	ssettag $0x2  }
0x5a: {  	s0 =	rddreg [dreg:$0x0];
	s2 =	stileid.u32  }
0x5b: {  	s1 =	rddreg [dreg:$0x1];
	p0 =	sne.s32 s2, $0x0  }
0x5c: {  	s3 =	rddreg [dreg:$0x2];
	[bflag:$0x3] =	sbarrier.arrive $0xFFFF;
	s2 =	simm.s32 @!p0 $0x1C02  }
0x5d: {  	[timem:s3], [sflag:s2] =	dma.local @!p0 [hbm:s0], s1  }
0x5e: {  	s0 =	simm.s32 @!p0 $0x2  }
0x5f: {  	_ =	swait.ge @!p0 [sflag:s0], s1  }
0x60: {  	s1 =	ssub.s32 @!p0 $0x0, s1;
	[sflag:s0] =	ssyncset.done @!p0 $0x0  }
0x61: {  	[sflag:s0] =	ssyncadd.s32 @!p0 s1  }
0x62: {  	[bflag:$0x3] =	sbarrier.arrive $0xFFFF  }
0x63: {  	_ =	shalt  }

</sc_bundles>
